<compile_context>
chip_gen: v7x
topology: tpu7x:2x2x1
jax: 0.10.2.dev20260603
libtpu: 0.0.44.dev20260713+nightly
codegen_flags: <defaults>
</compile_context>

<pallas_src>
import functools

import jax
import jax.numpy as jnp
from jax import lax
from jax.experimental import pallas as pl
from jax.experimental.pallas import tpu as pltpu
from jax.experimental.pallas import tpu_sc as plsc

_NROWS = 1_000_000
_NZ = 100
_R = 400
_NCH = _NROWS // _R
_G = _R // 16
_NPAD = 1 << 20

_info = plsc.get_sparse_core_info()
_NC = _info.num_cores
_NW = _NC * _info.num_subcores
_NT_HI = -(-_NCH // _NW)
_NT_LO = _NCH // _NW
_N_HI = _NCH - _NT_LO * _NW
_ZZW = _NT_HI * _R


@functools.partial(
    pl.kernel,
    out_type=jax.ShapeDtypeStruct((_NPAD,), jnp.int32),
    mesh=plsc.VectorSubcoreMesh(core_axis_name="c", subcore_axis_name="s"),
    compiler_params=pltpu.CompilerParams(needs_layout_passes=False),
    scratch_types=[
        pltpu.VMEM((128,), jnp.int32),
        pltpu.VMEM((_ZZW,), jnp.int32),
        pltpu.VMEM((_ZZW,), jnp.int32),
    ],
)
def _sc_gather(zz_hbm, zmap_hbm, idx_hbm, zmap_v, zz_v, ibuf):
    w = lax.axis_index("s") * _NC + lax.axis_index("c")

    pltpu.sync_copy(zmap_hbm, zmap_v)

    is_hi = w < _N_HI
    start = jnp.where(is_hi, _NT_HI * w, _NT_LO * w + _N_HI)
    lo_words = _NT_LO * _R

    pltpu.sync_copy(zz_hbm.at[pl.ds(start * _R, lo_words)],
                    zz_v.at[pl.ds(0, lo_words)])

    @pl.when(is_hi)
    def _():
        pltpu.sync_copy(zz_hbm.at[pl.ds(start * _R + lo_words, _R)],
                        zz_v.at[pl.ds(lo_words, _R)])

    def _group(j, _):
        z = zz_v[pl.ds(j * 16, 16)]
        ibuf[pl.ds(j * 16, 16)] = plsc.load_gather(zmap_v, [z])
        return 0
    lax.fori_loop(0, lo_words // 16, _group, 0)

    @pl.when(is_hi)
    def _():
        for g in range(_G):
            z = zz_v[pl.ds(lo_words + g * 16, 16)]
            ibuf[pl.ds(lo_words + g * 16, 16)] = plsc.load_gather(zmap_v, [z])

    pltpu.sync_copy(ibuf.at[pl.ds(0, lo_words)],
                    idx_hbm.at[pl.ds(start * _R, lo_words)])

    @pl.when(is_hi)
    def _():
        pltpu.sync_copy(ibuf.at[pl.ds(lo_words, _R)],
                        idx_hbm.at[pl.ds(start * _R + lo_words, _R)])


_BLKR = 16384
_TGRID = -(-_NROWS // _BLKR)
_TAIL = _NROWS - (_TGRID - 1) * _BLKR
_NBUF = 4


def _tc_body(idx_ref, out_hbm, buf, sems):
    nsub = _BLKR // 128
    i = pl.program_id(0)
    j = lax.rem(i, _NBUF)
    uf = idx_ref[...].astype(jnp.float32)
    lane_iota = lax.broadcasted_iota(jnp.int32, (128, _NZ), 1).astype(jnp.float32)
    sub_iota = lax.broadcasted_iota(jnp.int32, (nsub, _NZ), 0)

    @pl.when(i >= _NBUF)
    def _():
        pltpu.make_async_copy(buf.at[j], out_hbm.at[pl.ds(0, _BLKR), :],
                              sems.at[j]).wait()

    for s in range(nsub):
        sel = (sub_iota == s).astype(jnp.float32)
        bc = lax.dot_general(uf, sel, (((0,), (0,)), ((), ())),
                             preferred_element_type=jnp.float32)
        oh = (bc == lane_iota).astype(jnp.float32)
        buf[j, pl.ds(s * 128, 128), :] = oh

    @pl.when(i < _TGRID - 1)
    def _():
        pltpu.make_async_copy(buf.at[j],
                              out_hbm.at[pl.ds(i * _BLKR, _BLKR), :],
                              sems.at[j]).start()

    @pl.when(i == _TGRID - 1)
    def _():
        jl = (_TGRID - 1) % _NBUF
        tail = pltpu.make_async_copy(
            buf.at[jl, pl.ds(0, _TAIL), :],
            out_hbm.at[pl.ds((_TGRID - 1) * _BLKR, _TAIL), :],
            sems.at[jl])
        tail.start()
        tail.wait()
        for k in range(_NBUF):
            if k != jl:
                pltpu.make_async_copy(buf.at[k],
                                      out_hbm.at[pl.ds(0, _BLKR), :],
                                      sems.at[k]).wait()


def kernel(zz, zmap):
    zz = zz.reshape(-1).astype(jnp.int32)
    zmap_p = jnp.zeros((128,), jnp.int32).at[:_NZ].set(zmap.astype(jnp.int32))
    idx = _sc_gather(zz, zmap_p)
    out = pl.pallas_call(
        _tc_body,
        grid=(_TGRID,),
        in_specs=[pl.BlockSpec((_BLKR // 128, 128), lambda i: (i, 0))],
        out_specs=pl.BlockSpec(memory_space=pltpu.HBM),
        out_shape=jax.ShapeDtypeStruct((_NROWS, _NZ), jnp.float32),
        scratch_shapes=[
            pltpu.VMEM((_NBUF, _BLKR, _NZ), jnp.float32),
            pltpu.SemaphoreType.DMA((_NBUF,)),
        ],
    )(idx.reshape(_NPAD // 128, 128))
    return out

# --- scband reference (transcript-rebuilt; emitter-appended) ---
"""Pipeline reference for scband-node-encoder-17008070492292 (READ-ONLY COPY).

The authoritative reference and input builder live on the scoring server;
editing this copy changes nothing except your own understanding.
"""

import jax, jax.numpy as jnp
import numpy as np

NZ = 100  # len(zlist)
ZLIST = list(range(100))

def _build_zmap():
    # zmap[z] = zlist.index(z) if z in zlist else -1
    max_z = max(ZLIST)
    zmap = np.full(max_z + 1, -1, dtype=np.int64)
    for i, z in enumerate(ZLIST):
        zmap[z] = i
    return jnp.asarray(zmap)

def setup_inputs(seed: int = 0) -> dict:
    key = jax.random.key(seed)
    zz = jax.random.randint(key, (1000000,), 0, 100, dtype=jnp.int64)
    zmap = _build_zmap()
    return {"zz": zz, "zmap": zmap}

def reference(zz, zmap):
    # indices = self.zmap[zz]  (gather)
    indices = jnp.take(zmap, zz, axis=0)
    # validity check in original raises; inputs are guaranteed in-range here,
    # and raising is not jit-compatible, so it is omitted.
    # onehot = zeros(shape + (nz,)); onehot.scatter_(-1, indices.unsqueeze(-1), 1)
    flat_idx = indices.reshape(-1)
    n = flat_idx.shape[0]
    onehot = jnp.zeros((n, NZ), dtype=jnp.float32)
    onehot = onehot.at[jnp.arange(n), flat_idx].set(1.0)
    return onehot.reshape(indices.shape + (NZ,))

if __name__ == "__main__":
    import jax
    _d = setup_inputs()
    print(jax.jit(kernel)(*tuple(_d.values())))

</pallas_src>

<mosaic_0001>
#map = affine_map<(d0, d1) -> (0)>
module attributes {stable_mosaic.version = 14 : i64} {
  func.func @_sc_gather(%arg0: i32, %arg1: i32, %arg2: memref<1000000xi32, #tpu.memory_space<hbm>>, %arg3: memref<128xi32, #tpu.memory_space<hbm>>, %arg4: memref<1048576xi32, #tpu.memory_space<hbm>>, %arg5: memref<128xi32, #tpu.memory_space<vmem>>, %arg6: memref<31600xi32, #tpu.memory_space<vmem>>, %arg7: memref<31600xi32, #tpu.memory_space<vmem>>) attributes {dimension_semantics = [#tpu.dimension_semantics<core_parallel>, #tpu.dimension_semantics<subcore_parallel>], iteration_bounds = array<i64: 2, 16>, scalar_prefetch = 0 : i64, scratch_operands = 3 : i64, tpu.core_type = #tpu.core_type<sc_vector_subcore>, window_params = [{transform_indices = #map}, {transform_indices = #map}, {transform_indices = #map}]} {
    %mul3A = arith.constant 2 : i32
    %mul3A_0 = arith.muli %arg1, %mul3A : i32
    %add3A = arith.addi %mul3A_0, %arg0 : i32
    "tpu.region"() ({
      %run_scoped3A = tpu.sem_alloc : memref<!tpu.dma_semaphore, #tpu.memory_space<semaphore_mem>>
      tpu.enqueue_dma source(%arg3 : memref<128xi32, #tpu.memory_space<hbm>>) target(%arg5 : memref<128xi32, #tpu.memory_space<vmem>>) target_semaphore(%run_scoped3A : memref<!tpu.dma_semaphore, #tpu.memory_space<semaphore_mem>>)
      tpu.wait_dma2 semaphore(%run_scoped3A : memref<!tpu.dma_semaphore, #tpu.memory_space<semaphore_mem>>) src(%arg3 : memref<128xi32, #tpu.memory_space<hbm>>) dst(%arg5 : memref<128xi32, #tpu.memory_space<vmem>>)
      tpu.yield
    }) : () -> ()
    %lt3A = arith.constant 4 : i32
    %lt3A_1 = arith.cmpi slt, %add3A, %lt3A : i32
    %mul3A_2 = arith.constant 79 : i32
    %mul3A_3 = arith.muli %mul3A_2, %add3A : i32
    %mul3A_4 = arith.constant 78 : i32
    %mul3A_5 = arith.muli %mul3A_4, %add3A : i32
    %add3A_6 = arith.constant 4 : i32
    %add3A_7 = arith.addi %mul3A_5, %add3A_6 : i32
    %select_n3A = arith.select %lt3A_1, %mul3A_3, %add3A_7 : i32
    %mul3A_8 = arith.constant 400 : i32
    %mul3A_9 = arith.muli %select_n3A, %mul3A_8 : i32
    "tpu.region"() ({
      %run_scoped3A = tpu.sem_alloc : memref<!tpu.dma_semaphore, #tpu.memory_space<semaphore_mem>>
      %dma_start3A = arith.constant 0 : i32
      %dma_start3A_25 = tpu.memref_slice %arg6[%dma_start3A] : memref<31600xi32, #tpu.memory_space<vmem>> -> memref<31200xi32, #tpu.memory_space<vmem>>
      %dma_start3A_26 = tpu.memref_slice %arg2[%mul3A_9] : memref<1000000xi32, #tpu.memory_space<hbm>> -> memref<31200xi32, #tpu.memory_space<hbm>>
      %dma_start3A_27 = arith.constant 0 : i32
      %dma_start3A_28 = tpu.memref_slice %arg6[%dma_start3A_27] : memref<31600xi32, #tpu.memory_space<vmem>> -> memref<31200xi32, #tpu.memory_space<vmem>>
      %dma_start3A_29 = tpu.memref_slice %arg2[%mul3A_9] : memref<1000000xi32, #tpu.memory_space<hbm>> -> memref<31200xi32, #tpu.memory_space<hbm>>
      tpu.enqueue_dma source(%dma_start3A_29 : memref<31200xi32, #tpu.memory_space<hbm>>) target(%dma_start3A_28 : memref<31200xi32, #tpu.memory_space<vmem>>) target_semaphore(%run_scoped3A : memref<!tpu.dma_semaphore, #tpu.memory_space<semaphore_mem>>)
      %dma_wait3A = arith.constant 0 : i32
      %dma_wait3A_30 = tpu.memref_slice %arg6[%dma_wait3A] : memref<31600xi32, #tpu.memory_space<vmem>> -> memref<31200xi32, #tpu.memory_space<vmem>>
      %dma_wait3A_31 = tpu.memref_slice %arg2[%mul3A_9] : memref<1000000xi32, #tpu.memory_space<hbm>> -> memref<31200xi32, #tpu.memory_space<hbm>>
      %dma_wait3A_32 = arith.constant 0 : i32
      %dma_wait3A_33 = tpu.memref_slice %arg6[%dma_wait3A_32] : memref<31600xi32, #tpu.memory_space<vmem>> -> memref<31200xi32, #tpu.memory_space<vmem>>
      %dma_wait3A_34 = tpu.memref_slice %arg2[%mul3A_9] : memref<1000000xi32, #tpu.memory_space<hbm>> -> memref<31200xi32, #tpu.memory_space<hbm>>
      tpu.wait_dma2 semaphore(%run_scoped3A : memref<!tpu.dma_semaphore, #tpu.memory_space<semaphore_mem>>) src(%dma_wait3A_34 : memref<31200xi32, #tpu.memory_space<hbm>>) dst(%dma_wait3A_33 : memref<31200xi32, #tpu.memory_space<vmem>>)
      tpu.yield
    }) : () -> ()
    %convert_element_type3A = arith.extui %lt3A_1 : i1 to i32
    %cond3A = arith.constant 0 : i32
    %cond3A_10 = arith.cmpi ne, %convert_element_type3A, %cond3A : i32
    scf.if %cond3A_10 {
      %mul3A_25 = arith.constant 400 : i32
      %mul3A_26 = arith.muli %select_n3A, %mul3A_25 : i32
      %add3A_27 = arith.constant 31200 : i32
      %add3A_28 = arith.addi %mul3A_26, %add3A_27 : i32
      "tpu.region"() ({
        %run_scoped3A = tpu.sem_alloc : memref<!tpu.dma_semaphore, #tpu.memory_space<semaphore_mem>>
        %dma_start3A = arith.constant 31200 : i32
        %dma_start3A_29 = tpu.memref_slice %arg6[%dma_start3A] : memref<31600xi32, #tpu.memory_space<vmem>> -> memref<400xi32, #tpu.memory_space<vmem>>
        %dma_start3A_30 = tpu.memref_slice %arg2[%add3A_28] : memref<1000000xi32, #tpu.memory_space<hbm>> -> memref<400xi32, #tpu.memory_space<hbm>>
        %dma_start3A_31 = arith.constant 31200 : i32
        %dma_start3A_32 = tpu.memref_slice %arg6[%dma_start3A_31] : memref<31600xi32, #tpu.memory_space<vmem>> -> memref<400xi32, #tpu.memory_space<vmem>>
        %dma_start3A_33 = tpu.memref_slice %arg2[%add3A_28] : memref<1000000xi32, #tpu.memory_space<hbm>> -> memref<400xi32, #tpu.memory_space<hbm>>
        tpu.enqueue_dma source(%dma_start3A_33 : memref<400xi32, #tpu.memory_space<hbm>>) target(%dma_start3A_32 : memref<400xi32, #tpu.memory_space<vmem>>) target_semaphore(%run_scoped3A : memref<!tpu.dma_semaphore, #tpu.memory_space<semaphore_mem>>)
        %dma_wait3A = arith.constant 31200 : i32
        %dma_wait3A_34 = tpu.memref_slice %arg6[%dma_wait3A] : memref<31600xi32, #tpu.memory_space<vmem>> -> memref<400xi32, #tpu.memory_space<vmem>>
        %dma_wait3A_35 = tpu.memref_slice %arg2[%add3A_28] : memref<1000000xi32, #tpu.memory_space<hbm>> -> memref<400xi32, #tpu.memory_space<hbm>>
        %dma_wait3A_36 = arith.constant 31200 : i32
        %dma_wait3A_37 = tpu.memref_slice %arg6[%dma_wait3A_36] : memref<31600xi32, #tpu.memory_space<vmem>> -> memref<400xi32, #tpu.memory_space<vmem>>
        %dma_wait3A_38 = tpu.memref_slice %arg2[%add3A_28] : memref<1000000xi32, #tpu.memory_space<hbm>> -> memref<400xi32, #tpu.memory_space<hbm>>
        tpu.wait_dma2 semaphore(%run_scoped3A : memref<!tpu.dma_semaphore, #tpu.memory_space<semaphore_mem>>) src(%dma_wait3A_38 : memref<400xi32, #tpu.memory_space<hbm>>) dst(%dma_wait3A_37 : memref<400xi32, #tpu.memory_space<vmem>>)
        tpu.yield
      }) : () -> ()
    } else {
    }
    %scan3A = arith.constant 0 : i32
    %scan3A_11 = arith.constant 0 : i32
    %scan3A_12 = arith.constant 1950 : i32
    %scan3A_13 = arith.addi %scan3A_11, %scan3A_12 : i32
    %scan3A_14 = arith.constant 1 : i32
    %scan3A_15 = scf.for %scan3A_25 = %scan3A_11 to %scan3A_13 step %scan3A_14 iter_args(%scan3A_26 = %scan3A) -> (i32)  : i32 {
      %mul3A_27 = arith.constant 16 : i32
      %mul3A_28 = arith.muli %scan3A_25, %mul3A_27 : i32
      %get3A = arith.index_cast %mul3A_28 : i32 to index
      %get3A_29 = tpu.vector_load %arg6[%get3A] {strides = array<i32>} : memref<31600xi32, #tpu.memory_space<vmem>>, vector<16xi32>,
      %gather3A = tpu.vector_load_idx %arg5[%get3A_29] : memref<128xi32, #tpu.memory_space<vmem>>[vector<16xi32>], vector<16xi32>,
      %mul3A_30 = arith.constant 16 : i32
      %mul3A_31 = arith.muli %scan3A_25, %mul3A_30 : i32
      %swap3A = arith.index_cast %mul3A_31 : i32 to index
      %swap3A_32 = tpu.vector_load %arg7[%swap3A] {strides = array<i32>} : memref<31600xi32, #tpu.memory_space<vmem>>, vector<16xi32>,
      tpu.vector_store %arg7[%swap3A], %gather3A {strides = array<i32>} : memref<31600xi32, #tpu.memory_space<vmem>>, vector<16xi32>,
      %scan3A_33 = arith.constant 0 : i32
      scf.yield %scan3A_33 : i32
    }
    %scan3A_16 = arith.constant 1950 : i32
    %convert_element_type3A_17 = arith.extui %lt3A_1 : i1 to i32
    %cond3A_18 = arith.constant 0 : i32
    %cond3A_19 = arith.cmpi ne, %convert_element_type3A_17, %cond3A_18 : i32
    scf.if %cond3A_19 {
      %get3A = arith.constant 31200 : index
      %get3A_25 = tpu.vector_load %arg6[%get3A] {strides = array<i32>} : memref<31600xi32, #tpu.memory_space<vmem>>, vector<16xi32>,
      %gather3A = tpu.vector_load_idx %arg5[%get3A_25] : memref<128xi32, #tpu.memory_space<vmem>>[vector<16xi32>], vector<16xi32>,
      %swap3A = arith.constant 31200 : index
      %swap3A_26 = tpu.vector_load %arg7[%swap3A] {strides = array<i32>} : memref<31600xi32, #tpu.memory_space<vmem>>, vector<16xi32>,
      tpu.vector_store %arg7[%swap3A], %gather3A {strides = array<i32>} : memref<31600xi32, #tpu.memory_space<vmem>>, vector<16xi32>,
      %get3A_27 = arith.constant 31216 : index
      %get3A_28 = tpu.vector_load %arg6[%get3A_27] {strides = array<i32>} : memref<31600xi32, #tpu.memory_space<vmem>>, vector<16xi32>,
      %gather3A_29 = tpu.vector_load_idx %arg5[%get3A_28] : memref<128xi32, #tpu.memory_space<vmem>>[vector<16xi32>], vector<16xi32>,
      %swap3A_30 = arith.constant 31216 : index
      %swap3A_31 = tpu.vector_load %arg7[%swap3A_30] {strides = array<i32>} : memref<31600xi32, #tpu.memory_space<vmem>>, vector<16xi32>,
      tpu.vector_store %arg7[%swap3A_30], %gather3A_29 {strides = array<i32>} : memref<31600xi32, #tpu.memory_space<vmem>>, vector<16xi32>,
      %get3A_32 = arith.constant 31232 : index
      %get3A_33 = tpu.vector_load %arg6[%get3A_32] {strides = array<i32>} : memref<31600xi32, #tpu.memory_space<vmem>>, vector<16xi32>,
      %gather3A_34 = tpu.vector_load_idx %arg5[%get3A_33] : memref<128xi32, #tpu.memory_space<vmem>>[vector<16xi32>], vector<16xi32>,
      %swap3A_35 = arith.constant 31232 : index
      %swap3A_36 = tpu.vector_load %arg7[%swap3A_35] {strides = array<i32>} : memref<31600xi32, #tpu.memory_space<vmem>>, vector<16xi32>,
      tpu.vector_store %arg7[%swap3A_35], %gather3A_34 {strides = array<i32>} : memref<31600xi32, #tpu.memory_space<vmem>>, vector<16xi32>,
      %get3A_37 = arith.constant 31248 : index
      %get3A_38 = tpu.vector_load %arg6[%get3A_37] {strides = array<i32>} : memref<31600xi32, #tpu.memory_space<vmem>>, vector<16xi32>,
      %gather3A_39 = tpu.vector_load_idx %arg5[%get3A_38] : memref<128xi32, #tpu.memory_space<vmem>>[vector<16xi32>], vector<16xi32>,
      %swap3A_40 = arith.constant 31248 : index
      %swap3A_41 = tpu.vector_load %arg7[%swap3A_40] {strides = array<i32>} : memref<31600xi32, #tpu.memory_space<vmem>>, vector<16xi32>,
      tpu.vector_store %arg7[%swap3A_40], %gather3A_39 {strides = array<i32>} : memref<31600xi32, #tpu.memory_space<vmem>>, vector<16xi32>,
      %get3A_42 = arith.constant 31264 : index
      %get3A_43 = tpu.vector_load %arg6[%get3A_42] {strides = array<i32>} : memref<31600xi32, #tpu.memory_space<vmem>>, vector<16xi32>,
      %gather3A_44 = tpu.vector_load_idx %arg5[%get3A_43] : memref<128xi32, #tpu.memory_space<vmem>>[vector<16xi32>], vector<16xi32>,
      %swap3A_45 = arith.constant 31264 : index
      %swap3A_46 = tpu.vector_load %arg7[%swap3A_45] {strides = array<i32>} : memref<31600xi32, #tpu.memory_space<vmem>>, vector<16xi32>,
      tpu.vector_store %arg7[%swap3A_45], %gather3A_44 {strides = array<i32>} : memref<31600xi32, #tpu.memory_space<vmem>>, vector<16xi32>,
      %get3A_47 = arith.constant 31280 : index
      %get3A_48 = tpu.vector_load %arg6[%get3A_47] {strides = array<i32>} : memref<31600xi32, #tpu.memory_space<vmem>>, vector<16xi32>,
      %gather3A_49 = tpu.vector_load_idx %arg5[%get3A_48] : memref<128xi32, #tpu.memory_space<vmem>>[vector<16xi32>], vector<16xi32>,
      %swap3A_50 = arith.constant 31280 : index
      %swap3A_51 = tpu.vector_load %arg7[%swap3A_50] {strides = array<i32>} : memref<31600xi32, #tpu.memory_space<vmem>>, vector<16xi32>,
      tpu.vector_store %arg7[%swap3A_50], %gather3A_49 {strides = array<i32>} : memref<31600xi32, #tpu.memory_space<vmem>>, vector<16xi32>,
      %get3A_52 = arith.constant 31296 : index
      %get3A_53 = tpu.vector_load %arg6[%get3A_52] {strides = array<i32>} : memref<31600xi32, #tpu.memory_space<vmem>>, vector<16xi32>,
      %gather3A_54 = tpu.vector_load_idx %arg5[%get3A_53] : memref<128xi32, #tpu.memory_space<vmem>>[vector<16xi32>], vector<16xi32>,
      %swap3A_55 = arith.constant 31296 : index
      %swap3A_56 = tpu.vector_load %arg7[%swap3A_55] {strides = array<i32>} : memref<31600xi32, #tpu.memory_space<vmem>>, vector<16xi32>,
      tpu.vector_store %arg7[%swap3A_55], %gather3A_54 {strides = array<i32>} : memref<31600xi32, #tpu.memory_space<vmem>>, vector<16xi32>,
      %get3A_57 = arith.constant 31312 : index
      %get3A_58 = tpu.vector_load %arg6[%get3A_57] {strides = array<i32>} : memref<31600xi32, #tpu.memory_space<vmem>>, vector<16xi32>,
      %gather3A_59 = tpu.vector_load_idx %arg5[%get3A_58] : memref<128xi32, #tpu.memory_space<vmem>>[vector<16xi32>], vector<16xi32>,
      %swap3A_60 = arith.constant 31312 : index
      %swap3A_61 = tpu.vector_load %arg7[%swap3A_60] {strides = array<i32>} : memref<31600xi32, #tpu.memory_space<vmem>>, vector<16xi32>,
      tpu.vector_store %arg7[%swap3A_60], %gather3A_59 {strides = array<i32>} : memref<31600xi32, #tpu.memory_space<vmem>>, vector<16xi32>,
      %get3A_62 = arith.constant 31328 : index
      %get3A_63 = tpu.vector_load %arg6[%get3A_62] {strides = array<i32>} : memref<31600xi32, #tpu.memory_space<vmem>>, vector<16xi32>,
      %gather3A_64 = tpu.vector_load_idx %arg5[%get3A_63] : memref<128xi32, #tpu.memory_space<vmem>>[vector<16xi32>], vector<16xi32>,
      %swap3A_65 = arith.constant 31328 : index
      %swap3A_66 = tpu.vector_load %arg7[%swap3A_65] {strides = array<i32>} : memref<31600xi32, #tpu.memory_space<vmem>>, vector<16xi32>,
      tpu.vector_store %arg7[%swap3A_65], %gather3A_64 {strides = array<i32>} : memref<31600xi32, #tpu.memory_space<vmem>>, vector<16xi32>,
      %get3A_67 = arith.constant 31344 : index
      %get3A_68 = tpu.vector_load %arg6[%get3A_67] {strides = array<i32>} : memref<31600xi32, #tpu.memory_space<vmem>>, vector<16xi32>,
      %gather3A_69 = tpu.vector_load_idx %arg5[%get3A_68] : memref<128xi32, #tpu.memory_space<vmem>>[vector<16xi32>], vector<16xi32>,
      %swap3A_70 = arith.constant 31344 : index
      %swap3A_71 = tpu.vector_load %arg7[%swap3A_70] {strides = array<i32>} : memref<31600xi32, #tpu.memory_space<vmem>>, vector<16xi32>,
      tpu.vector_store %arg7[%swap3A_70], %gather3A_69 {strides = array<i32>} : memref<31600xi32, #tpu.memory_space<vmem>>, vector<16xi32>,
      %get3A_72 = arith.constant 31360 : index
      %get3A_73 = tpu.vector_load %arg6[%get3A_72] {strides = array<i32>} : memref<31600xi32, #tpu.memory_space<vmem>>, vector<16xi32>,
      %gather3A_74 = tpu.vector_load_idx %arg5[%get3A_73] : memref<128xi32, #tpu.memory_space<vmem>>[vector<16xi32>], vector<16xi32>,
      %swap3A_75 = arith.constant 31360 : index
      %swap3A_76 = tpu.vector_load %arg7[%swap3A_75] {strides = array<i32>} : memref<31600xi32, #tpu.memory_space<vmem>>, vector<16xi32>,
      tpu.vector_store %arg7[%swap3A_75], %gather3A_74 {strides = array<i32>} : memref<31600xi32, #tpu.memory_space<vmem>>, vector<16xi32>,
      %get3A_77 = arith.constant 31376 : index
      %get3A_78 = tpu.vector_load %arg6[%get3A_77] {strides = array<i32>} : memref<31600xi32, #tpu.memory_space<vmem>>, vector<16xi32>,
      %gather3A_79 = tpu.vector_load_idx %arg5[%get3A_78] : memref<128xi32, #tpu.memory_space<vmem>>[vector<16xi32>], vector<16xi32>,
      %swap3A_80 = arith.constant 31376 : index
      %swap3A_81 = tpu.vector_load %arg7[%swap3A_80] {strides = array<i32>} : memref<31600xi32, #tpu.memory_space<vmem>>, vector<16xi32>,
      tpu.vector_store %arg7[%swap3A_80], %gather3A_79 {strides = array<i32>} : memref<31600xi32, #tpu.memory_space<vmem>>, vector<16xi32>,
      %get3A_82 = arith.constant 31392 : index
      %get3A_83 = tpu.vector_load %arg6[%get3A_82] {strides = array<i32>} : memref<31600xi32, #tpu.memory_space<vmem>>, vector<16xi32>,
      %gather3A_84 = tpu.vector_load_idx %arg5[%get3A_83] : memref<128xi32, #tpu.memory_space<vmem>>[vector<16xi32>], vector<16xi32>,
      %swap3A_85 = arith.constant 31392 : index
      %swap3A_86 = tpu.vector_load %arg7[%swap3A_85] {strides = array<i32>} : memref<31600xi32, #tpu.memory_space<vmem>>, vector<16xi32>,
      tpu.vector_store %arg7[%swap3A_85], %gather3A_84 {strides = array<i32>} : memref<31600xi32, #tpu.memory_space<vmem>>, vector<16xi32>,
      %get3A_87 = arith.constant 31408 : index
      %get3A_88 = tpu.vector_load %arg6[%get3A_87] {strides = array<i32>} : memref<31600xi32, #tpu.memory_space<vmem>>, vector<16xi32>,
      %gather3A_89 = tpu.vector_load_idx %arg5[%get3A_88] : memref<128xi32, #tpu.memory_space<vmem>>[vector<16xi32>], vector<16xi32>,
      %swap3A_90 = arith.constant 31408 : index
      %swap3A_91 = tpu.vector_load %arg7[%swap3A_90] {strides = array<i32>} : memref<31600xi32, #tpu.memory_space<vmem>>, vector<16xi32>,
      tpu.vector_store %arg7[%swap3A_90], %gather3A_89 {strides = array<i32>} : memref<31600xi32, #tpu.memory_space<vmem>>, vector<16xi32>,
      %get3A_92 = arith.constant 31424 : index
      %get3A_93 = tpu.vector_load %arg6[%get3A_92] {strides = array<i32>} : memref<31600xi32, #tpu.memory_space<vmem>>, vector<16xi32>,
      %gather3A_94 = tpu.vector_load_idx %arg5[%get3A_93] : memref<128xi32, #tpu.memory_space<vmem>>[vector<16xi32>], vector<16xi32>,
      %swap3A_95 = arith.constant 31424 : index
      %swap3A_96 = tpu.vector_load %arg7[%swap3A_95] {strides = array<i32>} : memref<31600xi32, #tpu.memory_space<vmem>>, vector<16xi32>,
      tpu.vector_store %arg7[%swap3A_95], %gather3A_94 {strides = array<i32>} : memref<31600xi32, #tpu.memory_space<vmem>>, vector<16xi32>,
      %get3A_97 = arith.constant 31440 : index
      %get3A_98 = tpu.vector_load %arg6[%get3A_97] {strides = array<i32>} : memref<31600xi32, #tpu.memory_space<vmem>>, vector<16xi32>,
      %gather3A_99 = tpu.vector_load_idx %arg5[%get3A_98] : memref<128xi32, #tpu.memory_space<vmem>>[vector<16xi32>], vector<16xi32>,
      %swap3A_100 = arith.constant 31440 : index
      %swap3A_101 = tpu.vector_load %arg7[%swap3A_100] {strides = array<i32>} : memref<31600xi32, #tpu.memory_space<vmem>>, vector<16xi32>,
      tpu.vector_store %arg7[%swap3A_100], %gather3A_99 {strides = array<i32>} : memref<31600xi32, #tpu.memory_space<vmem>>, vector<16xi32>,
      %get3A_102 = arith.constant 31456 : index
      %get3A_103 = tpu.vector_load %arg6[%get3A_102] {strides = array<i32>} : memref<31600xi32, #tpu.memory_space<vmem>>, vector<16xi32>,
      %gather3A_104 = tpu.vector_load_idx %arg5[%get3A_103] : memref<128xi32, #tpu.memory_space<vmem>>[vector<16xi32>], vector<16xi32>,
      %swap3A_105 = arith.constant 31456 : index
      %swap3A_106 = tpu.vector_load %arg7[%swap3A_105] {strides = array<i32>} : memref<31600xi32, #tpu.memory_space<vmem>>, vector<16xi32>,
      tpu.vector_store %arg7[%swap3A_105], %gather3A_104 {strides = array<i32>} : memref<31600xi32, #tpu.memory_space<vmem>>, vector<16xi32>,
      %get3A_107 = arith.constant 31472 : index
      %get3A_108 = tpu.vector_load %arg6[%get3A_107] {strides = array<i32>} : memref<31600xi32, #tpu.memory_space<vmem>>, vector<16xi32>,
      %gather3A_109 = tpu.vector_load_idx %arg5[%get3A_108] : memref<128xi32, #tpu.memory_space<vmem>>[vector<16xi32>], vector<16xi32>,
      %swap3A_110 = arith.constant 31472 : index
      %swap3A_111 = tpu.vector_load %arg7[%swap3A_110] {strides = array<i32>} : memref<31600xi32, #tpu.memory_space<vmem>>, vector<16xi32>,
      tpu.vector_store %arg7[%swap3A_110], %gather3A_109 {strides = array<i32>} : memref<31600xi32, #tpu.memory_space<vmem>>, vector<16xi32>,
      %get3A_112 = arith.constant 31488 : index
      %get3A_113 = tpu.vector_load %arg6[%get3A_112] {strides = array<i32>} : memref<31600xi32, #tpu.memory_space<vmem>>, vector<16xi32>,
      %gather3A_114 = tpu.vector_load_idx %arg5[%get3A_113] : memref<128xi32, #tpu.memory_space<vmem>>[vector<16xi32>], vector<16xi32>,
      %swap3A_115 = arith.constant 31488 : index
      %swap3A_116 = tpu.vector_load %arg7[%swap3A_115] {strides = array<i32>} : memref<31600xi32, #tpu.memory_space<vmem>>, vector<16xi32>,
      tpu.vector_store %arg7[%swap3A_115], %gather3A_114 {strides = array<i32>} : memref<31600xi32, #tpu.memory_space<vmem>>, vector<16xi32>,
      %get3A_117 = arith.constant 31504 : index
      %get3A_118 = tpu.vector_load %arg6[%get3A_117] {strides = array<i32>} : memref<31600xi32, #tpu.memory_space<vmem>>, vector<16xi32>,
      %gather3A_119 = tpu.vector_load_idx %arg5[%get3A_118] : memref<128xi32, #tpu.memory_space<vmem>>[vector<16xi32>], vector<16xi32>,
      %swap3A_120 = arith.constant 31504 : index
      %swap3A_121 = tpu.vector_load %arg7[%swap3A_120] {strides = array<i32>} : memref<31600xi32, #tpu.memory_space<vmem>>, vector<16xi32>,
      tpu.vector_store %arg7[%swap3A_120], %gather3A_119 {strides = array<i32>} : memref<31600xi32, #tpu.memory_space<vmem>>, vector<16xi32>,
      %get3A_122 = arith.constant 31520 : index
      %get3A_123 = tpu.vector_load %arg6[%get3A_122] {strides = array<i32>} : memref<31600xi32, #tpu.memory_space<vmem>>, vector<16xi32>,
      %gather3A_124 = tpu.vector_load_idx %arg5[%get3A_123] : memref<128xi32, #tpu.memory_space<vmem>>[vector<16xi32>], vector<16xi32>,
      %swap3A_125 = arith.constant 31520 : index
      %swap3A_126 = tpu.vector_load %arg7[%swap3A_125] {strides = array<i32>} : memref<31600xi32, #tpu.memory_space<vmem>>, vector<16xi32>,
      tpu.vector_store %arg7[%swap3A_125], %gather3A_124 {strides = array<i32>} : memref<31600xi32, #tpu.memory_space<vmem>>, vector<16xi32>,
      %get3A_127 = arith.constant 31536 : index
      %get3A_128 = tpu.vector_load %arg6[%get3A_127] {strides = array<i32>} : memref<31600xi32, #tpu.memory_space<vmem>>, vector<16xi32>,
      %gather3A_129 = tpu.vector_load_idx %arg5[%get3A_128] : memref<128xi32, #tpu.memory_space<vmem>>[vector<16xi32>], vector<16xi32>,
      %swap3A_130 = arith.constant 31536 : index
      %swap3A_131 = tpu.vector_load %arg7[%swap3A_130] {strides = array<i32>} : memref<31600xi32, #tpu.memory_space<vmem>>, vector<16xi32>,
      tpu.vector_store %arg7[%swap3A_130], %gather3A_129 {strides = array<i32>} : memref<31600xi32, #tpu.memory_space<vmem>>, vector<16xi32>,
      %get3A_132 = arith.constant 31552 : index
      %get3A_133 = tpu.vector_load %arg6[%get3A_132] {strides = array<i32>} : memref<31600xi32, #tpu.memory_space<vmem>>, vector<16xi32>,
      %gather3A_134 = tpu.vector_load_idx %arg5[%get3A_133] : memref<128xi32, #tpu.memory_space<vmem>>[vector<16xi32>], vector<16xi32>,
      %swap3A_135 = arith.constant 31552 : index
      %swap3A_136 = tpu.vector_load %arg7[%swap3A_135] {strides = array<i32>} : memref<31600xi32, #tpu.memory_space<vmem>>, vector<16xi32>,
      tpu.vector_store %arg7[%swap3A_135], %gather3A_134 {strides = array<i32>} : memref<31600xi32, #tpu.memory_space<vmem>>, vector<16xi32>,
      %get3A_137 = arith.constant 31568 : index
      %get3A_138 = tpu.vector_load %arg6[%get3A_137] {strides = array<i32>} : memref<31600xi32, #tpu.memory_space<vmem>>, vector<16xi32>,
      %gather3A_139 = tpu.vector_load_idx %arg5[%get3A_138] : memref<128xi32, #tpu.memory_space<vmem>>[vector<16xi32>], vector<16xi32>,
      %swap3A_140 = arith.constant 31568 : index
      %swap3A_141 = tpu.vector_load %arg7[%swap3A_140] {strides = array<i32>} : memref<31600xi32, #tpu.memory_space<vmem>>, vector<16xi32>,
      tpu.vector_store %arg7[%swap3A_140], %gather3A_139 {strides = array<i32>} : memref<31600xi32, #tpu.memory_space<vmem>>, vector<16xi32>,
      %get3A_142 = arith.constant 31584 : index
      %get3A_143 = tpu.vector_load %arg6[%get3A_142] {strides = array<i32>} : memref<31600xi32, #tpu.memory_space<vmem>>, vector<16xi32>,
      %gather3A_144 = tpu.vector_load_idx %arg5[%get3A_143] : memref<128xi32, #tpu.memory_space<vmem>>[vector<16xi32>], vector<16xi32>,
      %swap3A_145 = arith.constant 31584 : index
      %swap3A_146 = tpu.vector_load %arg7[%swap3A_145] {strides = array<i32>} : memref<31600xi32, #tpu.memory_space<vmem>>, vector<16xi32>,
      tpu.vector_store %arg7[%swap3A_145], %gather3A_144 {strides = array<i32>} : memref<31600xi32, #tpu.memory_space<vmem>>, vector<16xi32>,
    } else {
    }
    %mul3A_20 = arith.constant 400 : i32
    %mul3A_21 = arith.muli %select_n3A, %mul3A_20 : i32
    "tpu.region"() ({
      %run_scoped3A = tpu.sem_alloc : memref<!tpu.dma_semaphore, #tpu.memory_space<semaphore_mem>>
      %dma_start3A = arith.constant 0 : i32
      %dma_start3A_25 = tpu.memref_slice %arg7[%dma_start3A] : memref<31600xi32, #tpu.memory_space<vmem>> -> memref<31200xi32, #tpu.memory_space<vmem>>
      %dma_start3A_26 = tpu.memref_slice %arg4[%mul3A_21] : memref<1048576xi32, #tpu.memory_space<hbm>> -> memref<31200xi32, #tpu.memory_space<hbm>>
      %dma_start3A_27 = tpu.memref_slice %arg4[%mul3A_21] : memref<1048576xi32, #tpu.memory_space<hbm>> -> memref<31200xi32, #tpu.memory_space<hbm>>
      %dma_start3A_28 = arith.constant 0 : i32
      %dma_start3A_29 = tpu.memref_slice %arg7[%dma_start3A_28] : memref<31600xi32, #tpu.memory_space<vmem>> -> memref<31200xi32, #tpu.memory_space<vmem>>
      tpu.enqueue_dma source(%dma_start3A_29 : memref<31200xi32, #tpu.memory_space<vmem>>) target(%dma_start3A_27 : memref<31200xi32, #tpu.memory_space<hbm>>) target_semaphore(%run_scoped3A : memref<!tpu.dma_semaphore, #tpu.memory_space<semaphore_mem>>)
      %dma_wait3A = arith.constant 0 : i32
      %dma_wait3A_30 = tpu.memref_slice %arg7[%dma_wait3A] : memref<31600xi32, #tpu.memory_space<vmem>> -> memref<31200xi32, #tpu.memory_space<vmem>>
      %dma_wait3A_31 = tpu.memref_slice %arg4[%mul3A_21] : memref<1048576xi32, #tpu.memory_space<hbm>> -> memref<31200xi32, #tpu.memory_space<hbm>>
      %dma_wait3A_32 = tpu.memref_slice %arg4[%mul3A_21] : memref<1048576xi32, #tpu.memory_space<hbm>> -> memref<31200xi32, #tpu.memory_space<hbm>>
      %dma_wait3A_33 = arith.constant 0 : i32
      %dma_wait3A_34 = tpu.memref_slice %arg7[%dma_wait3A_33] : memref<31600xi32, #tpu.memory_space<vmem>> -> memref<31200xi32, #tpu.memory_space<vmem>>
      tpu.wait_dma2 semaphore(%run_scoped3A : memref<!tpu.dma_semaphore, #tpu.memory_space<semaphore_mem>>) src(%dma_wait3A_34 : memref<31200xi32, #tpu.memory_space<vmem>>) dst(%dma_wait3A_32 : memref<31200xi32, #tpu.memory_space<hbm>>)
      tpu.yield
    }) : () -> ()
    %convert_element_type3A_22 = arith.extui %lt3A_1 : i1 to i32
    %cond3A_23 = arith.constant 0 : i32
    %cond3A_24 = arith.cmpi ne, %convert_element_type3A_22, %cond3A_23 : i32
    scf.if %cond3A_24 {
      %mul3A_25 = arith.constant 400 : i32
      %mul3A_26 = arith.muli %select_n3A, %mul3A_25 : i32
      %add3A_27 = arith.constant 31200 : i32
      %add3A_28 = arith.addi %mul3A_26, %add3A_27 : i32
      "tpu.region"() ({
        %run_scoped3A = tpu.sem_alloc : memref<!tpu.dma_semaphore, #tpu.memory_space<semaphore_mem>>
        %dma_start3A = arith.constant 31200 : i32
        %dma_start3A_29 = tpu.memref_slice %arg7[%dma_start3A] : memref<31600xi32, #tpu.memory_space<vmem>> -> memref<400xi32, #tpu.memory_space<vmem>>
        %dma_start3A_30 = tpu.memref_slice %arg4[%add3A_28] : memref<1048576xi32, #tpu.memory_space<hbm>> -> memref<400xi32, #tpu.memory_space<hbm>>
        %dma_start3A_31 = tpu.memref_slice %arg4[%add3A_28] : memref<1048576xi32, #tpu.memory_space<hbm>> -> memref<400xi32, #tpu.memory_space<hbm>>
        %dma_start3A_32 = arith.constant 31200 : i32
        %dma_start3A_33 = tpu.memref_slice %arg7[%dma_start3A_32] : memref<31600xi32, #tpu.memory_space<vmem>> -> memref<400xi32, #tpu.memory_space<vmem>>
        tpu.enqueue_dma source(%dma_start3A_33 : memref<400xi32, #tpu.memory_space<vmem>>) target(%dma_start3A_31 : memref<400xi32, #tpu.memory_space<hbm>>) target_semaphore(%run_scoped3A : memref<!tpu.dma_semaphore, #tpu.memory_space<semaphore_mem>>)
        %dma_wait3A = arith.constant 31200 : i32
        %dma_wait3A_34 = tpu.memref_slice %arg7[%dma_wait3A] : memref<31600xi32, #tpu.memory_space<vmem>> -> memref<400xi32, #tpu.memory_space<vmem>>
        %dma_wait3A_35 = tpu.memref_slice %arg4[%add3A_28] : memref<1048576xi32, #tpu.memory_space<hbm>> -> memref<400xi32, #tpu.memory_space<hbm>>
        %dma_wait3A_36 = tpu.memref_slice %arg4[%add3A_28] : memref<1048576xi32, #tpu.memory_space<hbm>> -> memref<400xi32, #tpu.memory_space<hbm>>
        %dma_wait3A_37 = arith.constant 31200 : i32
        %dma_wait3A_38 = tpu.memref_slice %arg7[%dma_wait3A_37] : memref<31600xi32, #tpu.memory_space<vmem>> -> memref<400xi32, #tpu.memory_space<vmem>>
        tpu.wait_dma2 semaphore(%run_scoped3A : memref<!tpu.dma_semaphore, #tpu.memory_space<semaphore_mem>>) src(%dma_wait3A_38 : memref<400xi32, #tpu.memory_space<vmem>>) dst(%dma_wait3A_36 : memref<400xi32, #tpu.memory_space<hbm>>)
        tpu.yield
      }) : () -> ()
    } else {
    }
    return
  }
}

module attributes {stable_mosaic.version = 14 : i64} {
  func.func @_tc_body(%arg0: i32, %arg1: memref<128x128xi32, #tpu.memory_space<vmem>>, %arg2: memref<1000000x100xf32, #tpu.memory_space<hbm>>, %arg3: memref<4x16384x100xf32, #tpu.memory_space<vmem>>, %arg4: memref<4x!tpu.dma_semaphore, #tpu.memory_space<semaphore_mem>>) attributes {dimension_semantics = [#tpu.dimension_semantics<arbitrary>], iteration_bounds = array<i64: 62>, scalar_prefetch = 0 : i64, scratch_operands = 2 : i64, tpu.core_type = #tpu.core_type<tc>, window_params = [{transform_indices = @transform_0, window_bounds = array<i64: 128, 128>}, {}]} {
    %rem3A = arith.constant 4 : i32
    %rem3A_0 = arith.remsi %arg0, %rem3A : i32
    %get3A = arith.constant 0 : index
    %get3A_1 = arith.constant 0 : index
    %get3A_2 = vector.load %arg1[%get3A, %get3A_1] : memref<128x128xi32, #tpu.memory_space<vmem>>, vector<128x128xi32>
    %convert_element_type3A = arith.sitofp %get3A_2 : vector<128x128xi32> to vector<128x128xf32>
    %iota3A = tpu.iota {dimensions = array<i32: 1>} : vector<128x100xi32>
    %convert_element_type3A_3 = arith.sitofp %iota3A : vector<128x100xi32> to vector<128x100xf32>
    %iota3A_4 = tpu.iota {dimensions = array<i32: 0>} : vector<128x100xi32>
    %ge3A = arith.constant 4 : i32
    %ge3A_5 = arith.cmpi sge, %arg0, %ge3A : i32
    %convert_element_type3A_6 = arith.extui %ge3A_5 : i1 to i32
    %cond3A = arith.constant 0 : i32
    %cond3A_7 = arith.cmpi ne, %convert_element_type3A_6, %cond3A : i32
    scf.if %cond3A_7 {
      %dma_wait3A = tpu.memref_slice %arg4[%rem3A_0] : memref<4x!tpu.dma_semaphore, #tpu.memory_space<semaphore_mem>> -> memref<1x!tpu.dma_semaphore, #tpu.memory_space<semaphore_mem>>
      %dma_wait3A_2062 = tpu.memref_squeeze %dma_wait3A : memref<1x!tpu.dma_semaphore, #tpu.memory_space<semaphore_mem>> -> memref<!tpu.dma_semaphore, #tpu.memory_space<semaphore_mem>>
      %dma_wait3A_2063 = arith.constant 0 : i32
      %dma_wait3A_2064 = arith.constant 0 : i32
      %dma_wait3A_2065 = tpu.memref_slice %arg2[%dma_wait3A_2063, %dma_wait3A_2064] : memref<1000000x100xf32, #tpu.memory_space<hbm>> -> memref<16384x100xf32, #tpu.memory_space<hbm>>
      %dma_wait3A_2066 = arith.constant 0 : i32
      %dma_wait3A_2067 = arith.constant 0 : i32
      %dma_wait3A_2068 = tpu.memref_slice %arg3[%rem3A_0, %dma_wait3A_2066, %dma_wait3A_2067] : memref<4x16384x100xf32, #tpu.memory_space<vmem>> -> memref<1x16384x100xf32, #tpu.memory_space<vmem>>
      %dma_wait3A_2069 = tpu.memref_squeeze %dma_wait3A_2068 : memref<1x16384x100xf32, #tpu.memory_space<vmem>> -> memref<16384x100xf32, #tpu.memory_space<vmem>>
      tpu.wait_dma2 semaphore(%dma_wait3A_2062 : memref<!tpu.dma_semaphore, #tpu.memory_space<semaphore_mem>>) src(%dma_wait3A_2069 : memref<16384x100xf32, #tpu.memory_space<vmem>>) dst(%dma_wait3A_2065 : memref<16384x100xf32, #tpu.memory_space<hbm>>)
    } else {
    }
    %eq3A = arith.constant 0 : i32
    %eq3A_8 = vector.broadcast %eq3A : i32 to vector<128x100xi32>
    %eq3A_9 = arith.cmpi eq, %iota3A_4, %eq3A_8 : vector<128x100xi32>
    %convert_element_type3A_10 = arith.extui %eq3A_9 : vector<128x100xi1> to vector<128x100xi32>
    %convert_element_type3A_11 = arith.sitofp %convert_element_type3A_10 : vector<128x100xi32> to vector<128x100xf32>
    %dot_general3A = arith.constant dense<0.000000e+00> : vector<128x100xf32>
    %dot_general3A_12 = tpu.matmul %convert_element_type3A, %convert_element_type3A_11, %dot_general3A {dimension_numbers = #tpu.dot_dimension_numbers<[0], [0], [1], [1], [0, 1, 1, 1], [], []>, transpose_lhs_hint = false} : vector<128x128xf32>, vector<128x100xf32>, vector<128x100xf32> -> vector<128x100xf32>
    %eq3A_13 = arith.cmpf oeq, %dot_general3A_12, %convert_element_type3A_3 : vector<128x100xf32>
    %convert_element_type3A_14 = arith.extui %eq3A_13 : vector<128x100xi1> to vector<128x100xi32>
    %convert_element_type3A_15 = arith.sitofp %convert_element_type3A_14 : vector<128x100xi32> to vector<128x100xf32>
    %swap3A = arith.index_cast %rem3A_0 : i32 to index
    %swap3A_16 = arith.constant 0 : index
    %swap3A_17 = arith.constant 0 : index
    %swap3A_18 = vector.load %arg3[%swap3A, %swap3A_16, %swap3A_17] : memref<4x16384x100xf32, #tpu.memory_space<vmem>>, vector<1x128x100xf32>
    %swap3A_19 = vector.shape_cast %swap3A_18 : vector<1x128x100xf32> to vector<128x100xf32>
    %swap3A_20 = vector.shape_cast %convert_element_type3A_15 : vector<128x100xf32> to vector<1x128x100xf32>
    tpu.vector_store %arg3[%swap3A, %swap3A_16, %swap3A_17], %swap3A_20 {strides = array<i32>} : memref<4x16384x100xf32, #tpu.memory_space<vmem>>, vector<1x128x100xf32>,
    %eq3A_21 = arith.constant 1 : i32
    %eq3A_22 = vector.broadcast %eq3A_21 : i32 to vector<128x100xi32>
    %eq3A_23 = arith.cmpi eq, %iota3A_4, %eq3A_22 : vector<128x100xi32>
    %convert_element_type3A_24 = arith.extui %eq3A_23 : vector<128x100xi1> to vector<128x100xi32>
    %convert_element_type3A_25 = arith.sitofp %convert_element_type3A_24 : vector<128x100xi32> to vector<128x100xf32>
    %dot_general3A_26 = arith.constant dense<0.000000e+00> : vector<128x100xf32>
    %dot_general3A_27 = tpu.matmul %convert_element_type3A, %convert_element_type3A_25, %dot_general3A_26 {dimension_numbers = #tpu.dot_dimension_numbers<[0], [0], [1], [1], [0, 1, 1, 1], [], []>, transpose_lhs_hint = false} : vector<128x128xf32>, vector<128x100xf32>, vector<128x100xf32> -> vector<128x100xf32>
    %eq3A_28 = arith.cmpf oeq, %dot_general3A_27, %convert_element_type3A_3 : vector<128x100xf32>
    %convert_element_type3A_29 = arith.extui %eq3A_28 : vector<128x100xi1> to vector<128x100xi32>
    %convert_element_type3A_30 = arith.sitofp %convert_element_type3A_29 : vector<128x100xi32> to vector<128x100xf32>
    %swap3A_31 = arith.index_cast %rem3A_0 : i32 to index
    %swap3A_32 = arith.constant 128 : index
    %swap3A_33 = arith.constant 0 : index
    %swap3A_34 = vector.load %arg3[%swap3A_31, %swap3A_32, %swap3A_33] : memref<4x16384x100xf32, #tpu.memory_space<vmem>>, vector<1x128x100xf32>
    %swap3A_35 = vector.shape_cast %swap3A_34 : vector<1x128x100xf32> to vector<128x100xf32>
    %swap3A_36 = vector.shape_cast %convert_element_type3A_30 : vector<128x100xf32> to vector<1x128x100xf32>
    tpu.vector_store %arg3[%swap3A_31, %swap3A_32, %swap3A_33], %swap3A_36 {strides = array<i32>} : memref<4x16384x100xf32, #tpu.memory_space<vmem>>, vector<1x128x100xf32>,
    %eq3A_37 = arith.constant 2 : i32
    %eq3A_38 = vector.broadcast %eq3A_37 : i32 to vector<128x100xi32>
    %eq3A_39 = arith.cmpi eq, %iota3A_4, %eq3A_38 : vector<128x100xi32>
    %convert_element_type3A_40 = arith.extui %eq3A_39 : vector<128x100xi1> to vector<128x100xi32>
    %convert_element_type3A_41 = arith.sitofp %convert_element_type3A_40 : vector<128x100xi32> to vector<128x100xf32>
    %dot_general3A_42 = arith.constant dense<0.000000e+00> : vector<128x100xf32>
    %dot_general3A_43 = tpu.matmul %convert_element_type3A, %convert_element_type3A_41, %dot_general3A_42 {dimension_numbers = #tpu.dot_dimension_numbers<[0], [0], [1], [1], [0, 1, 1, 1], [], []>, transpose_lhs_hint = false} : vector<128x128xf32>, vector<128x100xf32>, vector<128x100xf32> -> vector<128x100xf32>
    %eq3A_44 = arith.cmpf oeq, %dot_general3A_43, %convert_element_type3A_3 : vector<128x100xf32>
    %convert_element_type3A_45 = arith.extui %eq3A_44 : vector<128x100xi1> to vector<128x100xi32>
    %convert_element_type3A_46 = arith.sitofp %convert_element_type3A_45 : vector<128x100xi32> to vector<128x100xf32>
    %swap3A_47 = arith.index_cast %rem3A_0 : i32 to index
    %swap3A_48 = arith.constant 256 : index
    %swap3A_49 = arith.constant 0 : index
    %swap3A_50 = vector.load %arg3[%swap3A_47, %swap3A_48, %swap3A_49] : memref<4x16384x100xf32, #tpu.memory_space<vmem>>, vector<1x128x100xf32>
    %swap3A_51 = vector.shape_cast %swap3A_50 : vector<1x128x100xf32> to vector<128x100xf32>
    %swap3A_52 = vector.shape_cast %convert_element_type3A_46 : vector<128x100xf32> to vector<1x128x100xf32>
    tpu.vector_store %arg3[%swap3A_47, %swap3A_48, %swap3A_49], %swap3A_52 {strides = array<i32>} : memref<4x16384x100xf32, #tpu.memory_space<vmem>>, vector<1x128x100xf32>,
    %eq3A_53 = arith.constant 3 : i32
    %eq3A_54 = vector.broadcast %eq3A_53 : i32 to vector<128x100xi32>
    %eq3A_55 = arith.cmpi eq, %iota3A_4, %eq3A_54 : vector<128x100xi32>
    %convert_element_type3A_56 = arith.extui %eq3A_55 : vector<128x100xi1> to vector<128x100xi32>
    %convert_element_type3A_57 = arith.sitofp %convert_element_type3A_56 : vector<128x100xi32> to vector<128x100xf32>
    %dot_general3A_58 = arith.constant dense<0.000000e+00> : vector<128x100xf32>
    %dot_general3A_59 = tpu.matmul %convert_element_type3A, %convert_element_type3A_57, %dot_general3A_58 {dimension_numbers = #tpu.dot_dimension_numbers<[0], [0], [1], [1], [0, 1, 1, 1], [], []>, transpose_lhs_hint = false} : vector<128x128xf32>, vector<128x100xf32>, vector<128x100xf32> -> vector<128x100xf32>
    %eq3A_60 = arith.cmpf oeq, %dot_general3A_59, %convert_element_type3A_3 : vector<128x100xf32>
    %convert_element_type3A_61 = arith.extui %eq3A_60 : vector<128x100xi1> to vector<128x100xi32>
    %convert_element_type3A_62 = arith.sitofp %convert_element_type3A_61 : vector<128x100xi32> to vector<128x100xf32>
    %swap3A_63 = arith.index_cast %rem3A_0 : i32 to index
    %swap3A_64 = arith.constant 384 : index
    %swap3A_65 = arith.constant 0 : index
    %swap3A_66 = vector.load %arg3[%swap3A_63, %swap3A_64, %swap3A_65] : memref<4x16384x100xf32, #tpu.memory_space<vmem>>, vector<1x128x100xf32>
    %swap3A_67 = vector.shape_cast %swap3A_66 : vector<1x128x100xf32> to vector<128x100xf32>
    %swap3A_68 = vector.shape_cast %convert_element_type3A_62 : vector<128x100xf32> to vector<1x128x100xf32>
    tpu.vector_store %arg3[%swap3A_63, %swap3A_64, %swap3A_65], %swap3A_68 {strides = array<i32>} : memref<4x16384x100xf32, #tpu.memory_space<vmem>>, vector<1x128x100xf32>,
    %eq3A_69 = arith.constant 4 : i32
    %eq3A_70 = vector.broadcast %eq3A_69 : i32 to vector<128x100xi32>
    %eq3A_71 = arith.cmpi eq, %iota3A_4, %eq3A_70 : vector<128x100xi32>
    %convert_element_type3A_72 = arith.extui %eq3A_71 : vector<128x100xi1> to vector<128x100xi32>
    %convert_element_type3A_73 = arith.sitofp %convert_element_type3A_72 : vector<128x100xi32> to vector<128x100xf32>
    %dot_general3A_74 = arith.constant dense<0.000000e+00> : vector<128x100xf32>
    %dot_general3A_75 = tpu.matmul %convert_element_type3A, %convert_element_type3A_73, %dot_general3A_74 {dimension_numbers = #tpu.dot_dimension_numbers<[0], [0], [1], [1], [0, 1, 1, 1], [], []>, transpose_lhs_hint = false} : vector<128x128xf32>, vector<128x100xf32>, vector<128x100xf32> -> vector<128x100xf32>
    %eq3A_76 = arith.cmpf oeq, %dot_general3A_75, %convert_element_type3A_3 : vector<128x100xf32>
    %convert_element_type3A_77 = arith.extui %eq3A_76 : vector<128x100xi1> to vector<128x100xi32>
    %convert_element_type3A_78 = arith.sitofp %convert_element_type3A_77 : vector<128x100xi32> to vector<128x100xf32>
    %swap3A_79 = arith.index_cast %rem3A_0 : i32 to index
    %swap3A_80 = arith.constant 512 : index
    %swap3A_81 = arith.constant 0 : index
    %swap3A_82 = vector.load %arg3[%swap3A_79, %swap3A_80, %swap3A_81] : memref<4x16384x100xf32, #tpu.memory_space<vmem>>, vector<1x128x100xf32>
    %swap3A_83 = vector.shape_cast %swap3A_82 : vector<1x128x100xf32> to vector<128x100xf32>
    %swap3A_84 = vector.shape_cast %convert_element_type3A_78 : vector<128x100xf32> to vector<1x128x100xf32>
    tpu.vector_store %arg3[%swap3A_79, %swap3A_80, %swap3A_81], %swap3A_84 {strides = array<i32>} : memref<4x16384x100xf32, #tpu.memory_space<vmem>>, vector<1x128x100xf32>,
    %eq3A_85 = arith.constant 5 : i32
    %eq3A_86 = vector.broadcast %eq3A_85 : i32 to vector<128x100xi32>
    %eq3A_87 = arith.cmpi eq, %iota3A_4, %eq3A_86 : vector<128x100xi32>
    %convert_element_type3A_88 = arith.extui %eq3A_87 : vector<128x100xi1> to vector<128x100xi32>
    %convert_element_type3A_89 = arith.sitofp %convert_element_type3A_88 : vector<128x100xi32> to vector<128x100xf32>
    %dot_general3A_90 = arith.constant dense<0.000000e+00> : vector<128x100xf32>
    %dot_general3A_91 = tpu.matmul %convert_element_type3A, %convert_element_type3A_89, %dot_general3A_90 {dimension_numbers = #tpu.dot_dimension_numbers<[0], [0], [1], [1], [0, 1, 1, 1], [], []>, transpose_lhs_hint = false} : vector<128x128xf32>, vector<128x100xf32>, vector<128x100xf32> -> vector<128x100xf32>
    %eq3A_92 = arith.cmpf oeq, %dot_general3A_91, %convert_element_type3A_3 : vector<128x100xf32>
    %convert_element_type3A_93 = arith.extui %eq3A_92 : vector<128x100xi1> to vector<128x100xi32>
    %convert_element_type3A_94 = arith.sitofp %convert_element_type3A_93 : vector<128x100xi32> to vector<128x100xf32>
    %swap3A_95 = arith.index_cast %rem3A_0 : i32 to index
    %swap3A_96 = arith.constant 640 : index
    %swap3A_97 = arith.constant 0 : index
    %swap3A_98 = vector.load %arg3[%swap3A_95, %swap3A_96, %swap3A_97] : memref<4x16384x100xf32, #tpu.memory_space<vmem>>, vector<1x128x100xf32>
    %swap3A_99 = vector.shape_cast %swap3A_98 : vector<1x128x100xf32> to vector<128x100xf32>
    %swap3A_100 = vector.shape_cast %convert_element_type3A_94 : vector<128x100xf32> to vector<1x128x100xf32>
    tpu.vector_store %arg3[%swap3A_95, %swap3A_96, %swap3A_97], %swap3A_100 {strides = array<i32>} : memref<4x16384x100xf32, #tpu.memory_space<vmem>>, vector<1x128x100xf32>,
    %eq3A_101 = arith.constant 6 : i32
    %eq3A_102 = vector.broadcast %eq3A_101 : i32 to vector<128x100xi32>
    %eq3A_103 = arith.cmpi eq, %iota3A_4, %eq3A_102 : vector<128x100xi32>
    %convert_element_type3A_104 = arith.extui %eq3A_103 : vector<128x100xi1> to vector<128x100xi32>
    %convert_element_type3A_105 = arith.sitofp %convert_element_type3A_104 : vector<128x100xi32> to vector<128x100xf32>
    %dot_general3A_106 = arith.constant dense<0.000000e+00> : vector<128x100xf32>
    %dot_general3A_107 = tpu.matmul %convert_element_type3A, %convert_element_type3A_105, %dot_general3A_106 {dimension_numbers = #tpu.dot_dimension_numbers<[0], [0], [1], [1], [0, 1, 1, 1], [], []>, transpose_lhs_hint = false} : vector<128x128xf32>, vector<128x100xf32>, vector<128x100xf32> -> vector<128x100xf32>
    %eq3A_108 = arith.cmpf oeq, %dot_general3A_107, %convert_element_type3A_3 : vector<128x100xf32>
    %convert_element_type3A_109 = arith.extui %eq3A_108 : vector<128x100xi1> to vector<128x100xi32>
    %convert_element_type3A_110 = arith.sitofp %convert_element_type3A_109 : vector<128x100xi32> to vector<128x100xf32>
    %swap3A_111 = arith.index_cast %rem3A_0 : i32 to index
    %swap3A_112 = arith.constant 768 : index
    %swap3A_113 = arith.constant 0 : index
    %swap3A_114 = vector.load %arg3[%swap3A_111, %swap3A_112, %swap3A_113] : memref<4x16384x100xf32, #tpu.memory_space<vmem>>, vector<1x128x100xf32>
    %swap3A_115 = vector.shape_cast %swap3A_114 : vector<1x128x100xf32> to vector<128x100xf32>
    %swap3A_116 = vector.shape_cast %convert_element_type3A_110 : vector<128x100xf32> to vector<1x128x100xf32>
    tpu.vector_store %arg3[%swap3A_111, %swap3A_112, %swap3A_113], %swap3A_116 {strides = array<i32>} : memref<4x16384x100xf32, #tpu.memory_space<vmem>>, vector<1x128x100xf32>,
    %eq3A_117 = arith.constant 7 : i32
    %eq3A_118 = vector.broadcast %eq3A_117 : i32 to vector<128x100xi32>
    %eq3A_119 = arith.cmpi eq, %iota3A_4, %eq3A_118 : vector<128x100xi32>
    %convert_element_type3A_120 = arith.extui %eq3A_119 : vector<128x100xi1> to vector<128x100xi32>
    %convert_element_type3A_121 = arith.sitofp %convert_element_type3A_120 : vector<128x100xi32> to vector<128x100xf32>
    %dot_general3A_122 = arith.constant dense<0.000000e+00> : vector<128x100xf32>
    %dot_general3A_123 = tpu.matmul %convert_element_type3A, %convert_element_type3A_121, %dot_general3A_122 {dimension_numbers = #tpu.dot_dimension_numbers<[0], [0], [1], [1], [0, 1, 1, 1], [], []>, transpose_lhs_hint = false} : vector<128x128xf32>, vector<128x100xf32>, vector<128x100xf32> -> vector<128x100xf32>
    %eq3A_124 = arith.cmpf oeq, %dot_general3A_123, %convert_element_type3A_3 : vector<128x100xf32>
    %convert_element_type3A_125 = arith.extui %eq3A_124 : vector<128x100xi1> to vector<128x100xi32>
    %convert_element_type3A_126 = arith.sitofp %convert_element_type3A_125 : vector<128x100xi32> to vector<128x100xf32>
    %swap3A_127 = arith.index_cast %rem3A_0 : i32 to index
    %swap3A_128 = arith.constant 896 : index
    %swap3A_129 = arith.constant 0 : index
    %swap3A_130 = vector.load %arg3[%swap3A_127, %swap3A_128, %swap3A_129] : memref<4x16384x100xf32, #tpu.memory_space<vmem>>, vector<1x128x100xf32>
    %swap3A_131 = vector.shape_cast %swap3A_130 : vector<1x128x100xf32> to vector<128x100xf32>
    %swap3A_132 = vector.shape_cast %convert_element_type3A_126 : vector<128x100xf32> to vector<1x128x100xf32>
    tpu.vector_store %arg3[%swap3A_127, %swap3A_128, %swap3A_129], %swap3A_132 {strides = array<i32>} : memref<4x16384x100xf32, #tpu.memory_space<vmem>>, vector<1x128x100xf32>,
    %eq3A_133 = arith.constant 8 : i32
    %eq3A_134 = vector.broadcast %eq3A_133 : i32 to vector<128x100xi32>
    %eq3A_135 = arith.cmpi eq, %iota3A_4, %eq3A_134 : vector<128x100xi32>
    %convert_element_type3A_136 = arith.extui %eq3A_135 : vector<128x100xi1> to vector<128x100xi32>
    %convert_element_type3A_137 = arith.sitofp %convert_element_type3A_136 : vector<128x100xi32> to vector<128x100xf32>
    %dot_general3A_138 = arith.constant dense<0.000000e+00> : vector<128x100xf32>
    %dot_general3A_139 = tpu.matmul %convert_element_type3A, %convert_element_type3A_137, %dot_general3A_138 {dimension_numbers = #tpu.dot_dimension_numbers<[0], [0], [1], [1], [0, 1, 1, 1], [], []>, transpose_lhs_hint = false} : vector<128x128xf32>, vector<128x100xf32>, vector<128x100xf32> -> vector<128x100xf32>
    %eq3A_140 = arith.cmpf oeq, %dot_general3A_139, %convert_element_type3A_3 : vector<128x100xf32>
    %convert_element_type3A_141 = arith.extui %eq3A_140 : vector<128x100xi1> to vector<128x100xi32>
    %convert_element_type3A_142 = arith.sitofp %convert_element_type3A_141 : vector<128x100xi32> to vector<128x100xf32>
    %swap3A_143 = arith.index_cast %rem3A_0 : i32 to index
    %swap3A_144 = arith.constant 1024 : index
    %swap3A_145 = arith.constant 0 : index
    %swap3A_146 = vector.load %arg3[%swap3A_143, %swap3A_144, %swap3A_145] : memref<4x16384x100xf32, #tpu.memory_space<vmem>>, vector<1x128x100xf32>
    %swap3A_147 = vector.shape_cast %swap3A_146 : vector<1x128x100xf32> to vector<128x100xf32>
    %swap3A_148 = vector.shape_cast %convert_element_type3A_142 : vector<128x100xf32> to vector<1x128x100xf32>
    tpu.vector_store %arg3[%swap3A_143, %swap3A_144, %swap3A_145], %swap3A_148 {strides = array<i32>} : memref<4x16384x100xf32, #tpu.memory_space<vmem>>, vector<1x128x100xf32>,
    %eq3A_149 = arith.constant 9 : i32
    %eq3A_150 = vector.broadcast %eq3A_149 : i32 to vector<128x100xi32>
    %eq3A_151 = arith.cmpi eq, %iota3A_4, %eq3A_150 : vector<128x100xi32>
    %convert_element_type3A_152 = arith.extui %eq3A_151 : vector<128x100xi1> to vector<128x100xi32>
    %convert_element_type3A_153 = arith.sitofp %convert_element_type3A_152 : vector<128x100xi32> to vector<128x100xf32>
    %dot_general3A_154 = arith.constant dense<0.000000e+00> : vector<128x100xf32>
    %dot_general3A_155 = tpu.matmul %convert_element_type3A, %convert_element_type3A_153, %dot_general3A_154 {dimension_numbers = #tpu.dot_dimension_numbers<[0], [0], [1], [1], [0, 1, 1, 1], [], []>, transpose_lhs_hint = false} : vector<128x128xf32>, vector<128x100xf32>, vector<128x100xf32> -> vector<128x100xf32>
    %eq3A_156 = arith.cmpf oeq, %dot_general3A_155, %convert_element_type3A_3 : vector<128x100xf32>
    %convert_element_type3A_157 = arith.extui %eq3A_156 : vector<128x100xi1> to vector<128x100xi32>
    %convert_element_type3A_158 = arith.sitofp %convert_element_type3A_157 : vector<128x100xi32> to vector<128x100xf32>
    %swap3A_159 = arith.index_cast %rem3A_0 : i32 to index
    %swap3A_160 = arith.constant 1152 : index
    %swap3A_161 = arith.constant 0 : index
    %swap3A_162 = vector.load %arg3[%swap3A_159, %swap3A_160, %swap3A_161] : memref<4x16384x100xf32, #tpu.memory_space<vmem>>, vector<1x128x100xf32>
    %swap3A_163 = vector.shape_cast %swap3A_162 : vector<1x128x100xf32> to vector<128x100xf32>
    %swap3A_164 = vector.shape_cast %convert_element_type3A_158 : vector<128x100xf32> to vector<1x128x100xf32>
    tpu.vector_store %arg3[%swap3A_159, %swap3A_160, %swap3A_161], %swap3A_164 {strides = array<i32>} : memref<4x16384x100xf32, #tpu.memory_space<vmem>>, vector<1x128x100xf32>,
    %eq3A_165 = arith.constant 10 : i32
    %eq3A_166 = vector.broadcast %eq3A_165 : i32 to vector<128x100xi32>
    %eq3A_167 = arith.cmpi eq, %iota3A_4, %eq3A_166 : vector<128x100xi32>
    %convert_element_type3A_168 = arith.extui %eq3A_167 : vector<128x100xi1> to vector<128x100xi32>
    %convert_element_type3A_169 = arith.sitofp %convert_element_type3A_168 : vector<128x100xi32> to vector<128x100xf32>
    %dot_general3A_170 = arith.constant dense<0.000000e+00> : vector<128x100xf32>
    %dot_general3A_171 = tpu.matmul %convert_element_type3A, %convert_element_type3A_169, %dot_general3A_170 {dimension_numbers = #tpu.dot_dimension_numbers<[0], [0], [1], [1], [0, 1, 1, 1], [], []>, transpose_lhs_hint = false} : vector<128x128xf32>, vector<128x100xf32>, vector<128x100xf32> -> vector<128x100xf32>
    %eq3A_172 = arith.cmpf oeq, %dot_general3A_171, %convert_element_type3A_3 : vector<128x100xf32>
    %convert_element_type3A_173 = arith.extui %eq3A_172 : vector<128x100xi1> to vector<128x100xi32>
    %convert_element_type3A_174 = arith.sitofp %convert_element_type3A_173 : vector<128x100xi32> to vector<128x100xf32>
    %swap3A_175 = arith.index_cast %rem3A_0 : i32 to index
    %swap3A_176 = arith.constant 1280 : index
    %swap3A_177 = arith.constant 0 : index
    %swap3A_178 = vector.load %arg3[%swap3A_175, %swap3A_176, %swap3A_177] : memref<4x16384x100xf32, #tpu.memory_space<vmem>>, vector<1x128x100xf32>
    %swap3A_179 = vector.shape_cast %swap3A_178 : vector<1x128x100xf32> to vector<128x100xf32>
    %swap3A_180 = vector.shape_cast %convert_element_type3A_174 : vector<128x100xf32> to vector<1x128x100xf32>
    tpu.vector_store %arg3[%swap3A_175, %swap3A_176, %swap3A_177], %swap3A_180 {strides = array<i32>} : memref<4x16384x100xf32, #tpu.memory_space<vmem>>, vector<1x128x100xf32>,
    %eq3A_181 = arith.constant 11 : i32
    %eq3A_182 = vector.broadcast %eq3A_181 : i32 to vector<128x100xi32>
    %eq3A_183 = arith.cmpi eq, %iota3A_4, %eq3A_182 : vector<128x100xi32>
    %convert_element_type3A_184 = arith.extui %eq3A_183 : vector<128x100xi1> to vector<128x100xi32>
    %convert_element_type3A_185 = arith.sitofp %convert_element_type3A_184 : vector<128x100xi32> to vector<128x100xf32>
    %dot_general3A_186 = arith.constant dense<0.000000e+00> : vector<128x100xf32>
    %dot_general3A_187 = tpu.matmul %convert_element_type3A, %convert_element_type3A_185, %dot_general3A_186 {dimension_numbers = #tpu.dot_dimension_numbers<[0], [0], [1], [1], [0, 1, 1, 1], [], []>, transpose_lhs_hint = false} : vector<128x128xf32>, vector<128x100xf32>, vector<128x100xf32> -> vector<128x100xf32>
    %eq3A_188 = arith.cmpf oeq, %dot_general3A_187, %convert_element_type3A_3 : vector<128x100xf32>
    %convert_element_type3A_189 = arith.extui %eq3A_188 : vector<128x100xi1> to vector<128x100xi32>
    %convert_element_type3A_190 = arith.sitofp %convert_element_type3A_189 : vector<128x100xi32> to vector<128x100xf32>
    %swap3A_191 = arith.index_cast %rem3A_0 : i32 to index
    %swap3A_192 = arith.constant 1408 : index
    %swap3A_193 = arith.constant 0 : index
    %swap3A_194 = vector.load %arg3[%swap3A_191, %swap3A_192, %swap3A_193] : memref<4x16384x100xf32, #tpu.memory_space<vmem>>, vector<1x128x100xf32>
    %swap3A_195 = vector.shape_cast %swap3A_194 : vector<1x128x100xf32> to vector<128x100xf32>
    %swap3A_196 = vector.shape_cast %convert_element_type3A_190 : vector<128x100xf32> to vector<1x128x100xf32>
    tpu.vector_store %arg3[%swap3A_191, %swap3A_192, %swap3A_193], %swap3A_196 {strides = array<i32>} : memref<4x16384x100xf32, #tpu.memory_space<vmem>>, vector<1x128x100xf32>,
    %eq3A_197 = arith.constant 12 : i32
    %eq3A_198 = vector.broadcast %eq3A_197 : i32 to vector<128x100xi32>
    %eq3A_199 = arith.cmpi eq, %iota3A_4, %eq3A_198 : vector<128x100xi32>
    %convert_element_type3A_200 = arith.extui %eq3A_199 : vector<128x100xi1> to vector<128x100xi32>
    %convert_element_type3A_201 = arith.sitofp %convert_element_type3A_200 : vector<128x100xi32> to vector<128x100xf32>
    %dot_general3A_202 = arith.constant dense<0.000000e+00> : vector<128x100xf32>
    %dot_general3A_203 = tpu.matmul %convert_element_type3A, %convert_element_type3A_201, %dot_general3A_202 {dimension_numbers = #tpu.dot_dimension_numbers<[0], [0], [1], [1], [0, 1, 1, 1], [], []>, transpose_lhs_hint = false} : vector<128x128xf32>, vector<128x100xf32>, vector<128x100xf32> -> vector<128x100xf32>
    %eq3A_204 = arith.cmpf oeq, %dot_general3A_203, %convert_element_type3A_3 : vector<128x100xf32>
    %convert_element_type3A_205 = arith.extui %eq3A_204 : vector<128x100xi1> to vector<128x100xi32>
    %convert_element_type3A_206 = arith.sitofp %convert_element_type3A_205 : vector<128x100xi32> to vector<128x100xf32>
    %swap3A_207 = arith.index_cast %rem3A_0 : i32 to index
    %swap3A_208 = arith.constant 1536 : index
    %swap3A_209 = arith.constant 0 : index
    %swap3A_210 = vector.load %arg3[%swap3A_207, %swap3A_208, %swap3A_209] : memref<4x16384x100xf32, #tpu.memory_space<vmem>>, vector<1x128x100xf32>
    %swap3A_211 = vector.shape_cast %swap3A_210 : vector<1x128x100xf32> to vector<128x100xf32>
    %swap3A_212 = vector.shape_cast %convert_element_type3A_206 : vector<128x100xf32> to vector<1x128x100xf32>
    tpu.vector_store %arg3[%swap3A_207, %swap3A_208, %swap3A_209], %swap3A_212 {strides = array<i32>} : memref<4x16384x100xf32, #tpu.memory_space<vmem>>, vector<1x128x100xf32>,
    %eq3A_213 = arith.constant 13 : i32
    %eq3A_214 = vector.broadcast %eq3A_213 : i32 to vector<128x100xi32>
    %eq3A_215 = arith.cmpi eq, %iota3A_4, %eq3A_214 : vector<128x100xi32>
    %convert_element_type3A_216 = arith.extui %eq3A_215 : vector<128x100xi1> to vector<128x100xi32>
    %convert_element_type3A_217 = arith.sitofp %convert_element_type3A_216 : vector<128x100xi32> to vector<128x100xf32>
    %dot_general3A_218 = arith.constant dense<0.000000e+00> : vector<128x100xf32>
    %dot_general3A_219 = tpu.matmul %convert_element_type3A, %convert_element_type3A_217, %dot_general3A_218 {dimension_numbers = #tpu.dot_dimension_numbers<[0], [0], [1], [1], [0, 1, 1, 1], [], []>, transpose_lhs_hint = false} : vector<128x128xf32>, vector<128x100xf32>, vector<128x100xf32> -> vector<128x100xf32>
    %eq3A_220 = arith.cmpf oeq, %dot_general3A_219, %convert_element_type3A_3 : vector<128x100xf32>
    %convert_element_type3A_221 = arith.extui %eq3A_220 : vector<128x100xi1> to vector<128x100xi32>
    %convert_element_type3A_222 = arith.sitofp %convert_element_type3A_221 : vector<128x100xi32> to vector<128x100xf32>
    %swap3A_223 = arith.index_cast %rem3A_0 : i32 to index
    %swap3A_224 = arith.constant 1664 : index
    %swap3A_225 = arith.constant 0 : index
    %swap3A_226 = vector.load %arg3[%swap3A_223, %swap3A_224, %swap3A_225] : memref<4x16384x100xf32, #tpu.memory_space<vmem>>, vector<1x128x100xf32>
    %swap3A_227 = vector.shape_cast %swap3A_226 : vector<1x128x100xf32> to vector<128x100xf32>
    %swap3A_228 = vector.shape_cast %convert_element_type3A_222 : vector<128x100xf32> to vector<1x128x100xf32>
    tpu.vector_store %arg3[%swap3A_223, %swap3A_224, %swap3A_225], %swap3A_228 {strides = array<i32>} : memref<4x16384x100xf32, #tpu.memory_space<vmem>>, vector<1x128x100xf32>,
    %eq3A_229 = arith.constant 14 : i32
    %eq3A_230 = vector.broadcast %eq3A_229 : i32 to vector<128x100xi32>
    %eq3A_231 = arith.cmpi eq, %iota3A_4, %eq3A_230 : vector<128x100xi32>
    %convert_element_type3A_232 = arith.extui %eq3A_231 : vector<128x100xi1> to vector<128x100xi32>
    %convert_element_type3A_233 = arith.sitofp %convert_element_type3A_232 : vector<128x100xi32> to vector<128x100xf32>
    %dot_general3A_234 = arith.constant dense<0.000000e+00> : vector<128x100xf32>
    %dot_general3A_235 = tpu.matmul %convert_element_type3A, %convert_element_type3A_233, %dot_general3A_234 {dimension_numbers = #tpu.dot_dimension_numbers<[0], [0], [1], [1], [0, 1, 1, 1], [], []>, transpose_lhs_hint = false} : vector<128x128xf32>, vector<128x100xf32>, vector<128x100xf32> -> vector<128x100xf32>
    %eq3A_236 = arith.cmpf oeq, %dot_general3A_235, %convert_element_type3A_3 : vector<128x100xf32>
    %convert_element_type3A_237 = arith.extui %eq3A_236 : vector<128x100xi1> to vector<128x100xi32>
    %convert_element_type3A_238 = arith.sitofp %convert_element_type3A_237 : vector<128x100xi32> to vector<128x100xf32>
    %swap3A_239 = arith.index_cast %rem3A_0 : i32 to index
    %swap3A_240 = arith.constant 1792 : index
    %swap3A_241 = arith.constant 0 : index
    %swap3A_242 = vector.load %arg3[%swap3A_239, %swap3A_240, %swap3A_241] : memref<4x16384x100xf32, #tpu.memory_space<vmem>>, vector<1x128x100xf32>
    %swap3A_243 = vector.shape_cast %swap3A_242 : vector<1x128x100xf32> to vector<128x100xf32>
    %swap3A_244 = vector.shape_cast %convert_element_type3A_238 : vector<128x100xf32> to vector<1x128x100xf32>
    tpu.vector_store %arg3[%swap3A_239, %swap3A_240, %swap3A_241], %swap3A_244 {strides = array<i32>} : memref<4x16384x100xf32, #tpu.memory_space<vmem>>, vector<1x128x100xf32>,
    %eq3A_245 = arith.constant 15 : i32
    %eq3A_246 = vector.broadcast %eq3A_245 : i32 to vector<128x100xi32>
    %eq3A_247 = arith.cmpi eq, %iota3A_4, %eq3A_246 : vector<128x100xi32>
    %convert_element_type3A_248 = arith.extui %eq3A_247 : vector<128x100xi1> to vector<128x100xi32>
    %convert_element_type3A_249 = arith.sitofp %convert_element_type3A_248 : vector<128x100xi32> to vector<128x100xf32>
    %dot_general3A_250 = arith.constant dense<0.000000e+00> : vector<128x100xf32>
    %dot_general3A_251 = tpu.matmul %convert_element_type3A, %convert_element_type3A_249, %dot_general3A_250 {dimension_numbers = #tpu.dot_dimension_numbers<[0], [0], [1], [1], [0, 1, 1, 1], [], []>, transpose_lhs_hint = false} : vector<128x128xf32>, vector<128x100xf32>, vector<128x100xf32> -> vector<128x100xf32>
    %eq3A_252 = arith.cmpf oeq, %dot_general3A_251, %convert_element_type3A_3 : vector<128x100xf32>
    %convert_element_type3A_253 = arith.extui %eq3A_252 : vector<128x100xi1> to vector<128x100xi32>
    %convert_element_type3A_254 = arith.sitofp %convert_element_type3A_253 : vector<128x100xi32> to vector<128x100xf32>
    %swap3A_255 = arith.index_cast %rem3A_0 : i32 to index
    %swap3A_256 = arith.constant 1920 : index
    %swap3A_257 = arith.constant 0 : index
    %swap3A_258 = vector.load %arg3[%swap3A_255, %swap3A_256, %swap3A_257] : memref<4x16384x100xf32, #tpu.memory_space<vmem>>, vector<1x128x100xf32>
    %swap3A_259 = vector.shape_cast %swap3A_258 : vector<1x128x100xf32> to vector<128x100xf32>
    %swap3A_260 = vector.shape_cast %convert_element_type3A_254 : vector<128x100xf32> to vector<1x128x100xf32>
    tpu.vector_store %arg3[%swap3A_255, %swap3A_256, %swap3A_257], %swap3A_260 {strides = array<i32>} : memref<4x16384x100xf32, #tpu.memory_space<vmem>>, vector<1x128x100xf32>,
    %eq3A_261 = arith.constant 16 : i32
    %eq3A_262 = vector.broadcast %eq3A_261 : i32 to vector<128x100xi32>
    %eq3A_263 = arith.cmpi eq, %iota3A_4, %eq3A_262 : vector<128x100xi32>
    %convert_element_type3A_264 = arith.extui %eq3A_263 : vector<128x100xi1> to vector<128x100xi32>
    %convert_element_type3A_265 = arith.sitofp %convert_element_type3A_264 : vector<128x100xi32> to vector<128x100xf32>
    %dot_general3A_266 = arith.constant dense<0.000000e+00> : vector<128x100xf32>
    %dot_general3A_267 = tpu.matmul %convert_element_type3A, %convert_element_type3A_265, %dot_general3A_266 {dimension_numbers = #tpu.dot_dimension_numbers<[0], [0], [1], [1], [0, 1, 1, 1], [], []>, transpose_lhs_hint = false} : vector<128x128xf32>, vector<128x100xf32>, vector<128x100xf32> -> vector<128x100xf32>
    %eq3A_268 = arith.cmpf oeq, %dot_general3A_267, %convert_element_type3A_3 : vector<128x100xf32>
    %convert_element_type3A_269 = arith.extui %eq3A_268 : vector<128x100xi1> to vector<128x100xi32>
    %convert_element_type3A_270 = arith.sitofp %convert_element_type3A_269 : vector<128x100xi32> to vector<128x100xf32>
    %swap3A_271 = arith.index_cast %rem3A_0 : i32 to index
    %swap3A_272 = arith.constant 2048 : index
    %swap3A_273 = arith.constant 0 : index
    %swap3A_274 = vector.load %arg3[%swap3A_271, %swap3A_272, %swap3A_273] : memref<4x16384x100xf32, #tpu.memory_space<vmem>>, vector<1x128x100xf32>
    %swap3A_275 = vector.shape_cast %swap3A_274 : vector<1x128x100xf32> to vector<128x100xf32>
    %swap3A_276 = vector.shape_cast %convert_element_type3A_270 : vector<128x100xf32> to vector<1x128x100xf32>
    tpu.vector_store %arg3[%swap3A_271, %swap3A_272, %swap3A_273], %swap3A_276 {strides = array<i32>} : memref<4x16384x100xf32, #tpu.memory_space<vmem>>, vector<1x128x100xf32>,
    %eq3A_277 = arith.constant 17 : i32
    %eq3A_278 = vector.broadcast %eq3A_277 : i32 to vector<128x100xi32>
    %eq3A_279 = arith.cmpi eq, %iota3A_4, %eq3A_278 : vector<128x100xi32>
    %convert_element_type3A_280 = arith.extui %eq3A_279 : vector<128x100xi1> to vector<128x100xi32>
    %convert_element_type3A_281 = arith.sitofp %convert_element_type3A_280 : vector<128x100xi32> to vector<128x100xf32>
    %dot_general3A_282 = arith.constant dense<0.000000e+00> : vector<128x100xf32>
    %dot_general3A_283 = tpu.matmul %convert_element_type3A, %convert_element_type3A_281, %dot_general3A_282 {dimension_numbers = #tpu.dot_dimension_numbers<[0], [0], [1], [1], [0, 1, 1, 1], [], []>, transpose_lhs_hint = false} : vector<128x128xf32>, vector<128x100xf32>, vector<128x100xf32> -> vector<128x100xf32>
    %eq3A_284 = arith.cmpf oeq, %dot_general3A_283, %convert_element_type3A_3 : vector<128x100xf32>
    %convert_element_type3A_285 = arith.extui %eq3A_284 : vector<128x100xi1> to vector<128x100xi32>
    %convert_element_type3A_286 = arith.sitofp %convert_element_type3A_285 : vector<128x100xi32> to vector<128x100xf32>
    %swap3A_287 = arith.index_cast %rem3A_0 : i32 to index
    %swap3A_288 = arith.constant 2176 : index
    %swap3A_289 = arith.constant 0 : index
    %swap3A_290 = vector.load %arg3[%swap3A_287, %swap3A_288, %swap3A_289] : memref<4x16384x100xf32, #tpu.memory_space<vmem>>, vector<1x128x100xf32>
    %swap3A_291 = vector.shape_cast %swap3A_290 : vector<1x128x100xf32> to vector<128x100xf32>
    %swap3A_292 = vector.shape_cast %convert_element_type3A_286 : vector<128x100xf32> to vector<1x128x100xf32>
    tpu.vector_store %arg3[%swap3A_287, %swap3A_288, %swap3A_289], %swap3A_292 {strides = array<i32>} : memref<4x16384x100xf32, #tpu.memory_space<vmem>>, vector<1x128x100xf32>,
    %eq3A_293 = arith.constant 18 : i32
    %eq3A_294 = vector.broadcast %eq3A_293 : i32 to vector<128x100xi32>
    %eq3A_295 = arith.cmpi eq, %iota3A_4, %eq3A_294 : vector<128x100xi32>
    %convert_element_type3A_296 = arith.extui %eq3A_295 : vector<128x100xi1> to vector<128x100xi32>
    %convert_element_type3A_297 = arith.sitofp %convert_element_type3A_296 : vector<128x100xi32> to vector<128x100xf32>
    %dot_general3A_298 = arith.constant dense<0.000000e+00> : vector<128x100xf32>
    %dot_general3A_299 = tpu.matmul %convert_element_type3A, %convert_element_type3A_297, %dot_general3A_298 {dimension_numbers = #tpu.dot_dimension_numbers<[0], [0], [1], [1], [0, 1, 1, 1], [], []>, transpose_lhs_hint = false} : vector<128x128xf32>, vector<128x100xf32>, vector<128x100xf32> -> vector<128x100xf32>
    %eq3A_300 = arith.cmpf oeq, %dot_general3A_299, %convert_element_type3A_3 : vector<128x100xf32>
    %convert_element_type3A_301 = arith.extui %eq3A_300 : vector<128x100xi1> to vector<128x100xi32>
    %convert_element_type3A_302 = arith.sitofp %convert_element_type3A_301 : vector<128x100xi32> to vector<128x100xf32>
    %swap3A_303 = arith.index_cast %rem3A_0 : i32 to index
    %swap3A_304 = arith.constant 2304 : index
    %swap3A_305 = arith.constant 0 : index
    %swap3A_306 = vector.load %arg3[%swap3A_303, %swap3A_304, %swap3A_305] : memref<4x16384x100xf32, #tpu.memory_space<vmem>>, vector<1x128x100xf32>
    %swap3A_307 = vector.shape_cast %swap3A_306 : vector<1x128x100xf32> to vector<128x100xf32>
    %swap3A_308 = vector.shape_cast %convert_element_type3A_302 : vector<128x100xf32> to vector<1x128x100xf32>
    tpu.vector_store %arg3[%swap3A_303, %swap3A_304, %swap3A_305], %swap3A_308 {strides = array<i32>} : memref<4x16384x100xf32, #tpu.memory_space<vmem>>, vector<1x128x100xf32>,
    %eq3A_309 = arith.constant 19 : i32
    %eq3A_310 = vector.broadcast %eq3A_309 : i32 to vector<128x100xi32>
    %eq3A_311 = arith.cmpi eq, %iota3A_4, %eq3A_310 : vector<128x100xi32>
    %convert_element_type3A_312 = arith.extui %eq3A_311 : vector<128x100xi1> to vector<128x100xi32>
    %convert_element_type3A_313 = arith.sitofp %convert_element_type3A_312 : vector<128x100xi32> to vector<128x100xf32>
    %dot_general3A_314 = arith.constant dense<0.000000e+00> : vector<128x100xf32>
    %dot_general3A_315 = tpu.matmul %convert_element_type3A, %convert_element_type3A_313, %dot_general3A_314 {dimension_numbers = #tpu.dot_dimension_numbers<[0], [0], [1], [1], [0, 1, 1, 1], [], []>, transpose_lhs_hint = false} : vector<128x128xf32>, vector<128x100xf32>, vector<128x100xf32> -> vector<128x100xf32>
    %eq3A_316 = arith.cmpf oeq, %dot_general3A_315, %convert_element_type3A_3 : vector<128x100xf32>
    %convert_element_type3A_317 = arith.extui %eq3A_316 : vector<128x100xi1> to vector<128x100xi32>
    %convert_element_type3A_318 = arith.sitofp %convert_element_type3A_317 : vector<128x100xi32> to vector<128x100xf32>
    %swap3A_319 = arith.index_cast %rem3A_0 : i32 to index
    %swap3A_320 = arith.constant 2432 : index
    %swap3A_321 = arith.constant 0 : index
    %swap3A_322 = vector.load %arg3[%swap3A_319, %swap3A_320, %swap3A_321] : memref<4x16384x100xf32, #tpu.memory_space<vmem>>, vector<1x128x100xf32>
    %swap3A_323 = vector.shape_cast %swap3A_322 : vector<1x128x100xf32> to vector<128x100xf32>
    %swap3A_324 = vector.shape_cast %convert_element_type3A_318 : vector<128x100xf32> to vector<1x128x100xf32>
    tpu.vector_store %arg3[%swap3A_319, %swap3A_320, %swap3A_321], %swap3A_324 {strides = array<i32>} : memref<4x16384x100xf32, #tpu.memory_space<vmem>>, vector<1x128x100xf32>,
    %eq3A_325 = arith.constant 20 : i32
    %eq3A_326 = vector.broadcast %eq3A_325 : i32 to vector<128x100xi32>
    %eq3A_327 = arith.cmpi eq, %iota3A_4, %eq3A_326 : vector<128x100xi32>
    %convert_element_type3A_328 = arith.extui %eq3A_327 : vector<128x100xi1> to vector<128x100xi32>
    %convert_element_type3A_329 = arith.sitofp %convert_element_type3A_328 : vector<128x100xi32> to vector<128x100xf32>
    %dot_general3A_330 = arith.constant dense<0.000000e+00> : vector<128x100xf32>
    %dot_general3A_331 = tpu.matmul %convert_element_type3A, %convert_element_type3A_329, %dot_general3A_330 {dimension_numbers = #tpu.dot_dimension_numbers<[0], [0], [1], [1], [0, 1, 1, 1], [], []>, transpose_lhs_hint = false} : vector<128x128xf32>, vector<128x100xf32>, vector<128x100xf32> -> vector<128x100xf32>
    %eq3A_332 = arith.cmpf oeq, %dot_general3A_331, %convert_element_type3A_3 : vector<128x100xf32>
    %convert_element_type3A_333 = arith.extui %eq3A_332 : vector<128x100xi1> to vector<128x100xi32>
    %convert_element_type3A_334 = arith.sitofp %convert_element_type3A_333 : vector<128x100xi32> to vector<128x100xf32>
    %swap3A_335 = arith.index_cast %rem3A_0 : i32 to index
    %swap3A_336 = arith.constant 2560 : index
    %swap3A_337 = arith.constant 0 : index
    %swap3A_338 = vector.load %arg3[%swap3A_335, %swap3A_336, %swap3A_337] : memref<4x16384x100xf32, #tpu.memory_space<vmem>>, vector<1x128x100xf32>
    %swap3A_339 = vector.shape_cast %swap3A_338 : vector<1x128x100xf32> to vector<128x100xf32>
    %swap3A_340 = vector.shape_cast %convert_element_type3A_334 : vector<128x100xf32> to vector<1x128x100xf32>
    tpu.vector_store %arg3[%swap3A_335, %swap3A_336, %swap3A_337], %swap3A_340 {strides = array<i32>} : memref<4x16384x100xf32, #tpu.memory_space<vmem>>, vector<1x128x100xf32>,
    %eq3A_341 = arith.constant 21 : i32
    %eq3A_342 = vector.broadcast %eq3A_341 : i32 to vector<128x100xi32>
    %eq3A_343 = arith.cmpi eq, %iota3A_4, %eq3A_342 : vector<128x100xi32>
    %convert_element_type3A_344 = arith.extui %eq3A_343 : vector<128x100xi1> to vector<128x100xi32>
    %convert_element_type3A_345 = arith.sitofp %convert_element_type3A_344 : vector<128x100xi32> to vector<128x100xf32>
    %dot_general3A_346 = arith.constant dense<0.000000e+00> : vector<128x100xf32>
    %dot_general3A_347 = tpu.matmul %convert_element_type3A, %convert_element_type3A_345, %dot_general3A_346 {dimension_numbers = #tpu.dot_dimension_numbers<[0], [0], [1], [1], [0, 1, 1, 1], [], []>, transpose_lhs_hint = false} : vector<128x128xf32>, vector<128x100xf32>, vector<128x100xf32> -> vector<128x100xf32>
    %eq3A_348 = arith.cmpf oeq, %dot_general3A_347, %convert_element_type3A_3 : vector<128x100xf32>
    %convert_element_type3A_349 = arith.extui %eq3A_348 : vector<128x100xi1> to vector<128x100xi32>
    %convert_element_type3A_350 = arith.sitofp %convert_element_type3A_349 : vector<128x100xi32> to vector<128x100xf32>
    %swap3A_351 = arith.index_cast %rem3A_0 : i32 to index
    %swap3A_352 = arith.constant 2688 : index
    %swap3A_353 = arith.constant 0 : index
    %swap3A_354 = vector.load %arg3[%swap3A_351, %swap3A_352, %swap3A_353] : memref<4x16384x100xf32, #tpu.memory_space<vmem>>, vector<1x128x100xf32>
    %swap3A_355 = vector.shape_cast %swap3A_354 : vector<1x128x100xf32> to vector<128x100xf32>
    %swap3A_356 = vector.shape_cast %convert_element_type3A_350 : vector<128x100xf32> to vector<1x128x100xf32>
    tpu.vector_store %arg3[%swap3A_351, %swap3A_352, %swap3A_353], %swap3A_356 {strides = array<i32>} : memref<4x16384x100xf32, #tpu.memory_space<vmem>>, vector<1x128x100xf32>,
    %eq3A_357 = arith.constant 22 : i32
    %eq3A_358 = vector.broadcast %eq3A_357 : i32 to vector<128x100xi32>
    %eq3A_359 = arith.cmpi eq, %iota3A_4, %eq3A_358 : vector<128x100xi32>
    %convert_element_type3A_360 = arith.extui %eq3A_359 : vector<128x100xi1> to vector<128x100xi32>
    %convert_element_type3A_361 = arith.sitofp %convert_element_type3A_360 : vector<128x100xi32> to vector<128x100xf32>
    %dot_general3A_362 = arith.constant dense<0.000000e+00> : vector<128x100xf32>
    %dot_general3A_363 = tpu.matmul %convert_element_type3A, %convert_element_type3A_361, %dot_general3A_362 {dimension_numbers = #tpu.dot_dimension_numbers<[0], [0], [1], [1], [0, 1, 1, 1], [], []>, transpose_lhs_hint = false} : vector<128x128xf32>, vector<128x100xf32>, vector<128x100xf32> -> vector<128x100xf32>
    %eq3A_364 = arith.cmpf oeq, %dot_general3A_363, %convert_element_type3A_3 : vector<128x100xf32>
    %convert_element_type3A_365 = arith.extui %eq3A_364 : vector<128x100xi1> to vector<128x100xi32>
    %convert_element_type3A_366 = arith.sitofp %convert_element_type3A_365 : vector<128x100xi32> to vector<128x100xf32>
    %swap3A_367 = arith.index_cast %rem3A_0 : i32 to index
    %swap3A_368 = arith.constant 2816 : index
    %swap3A_369 = arith.constant 0 : index
    %swap3A_370 = vector.load %arg3[%swap3A_367, %swap3A_368, %swap3A_369] : memref<4x16384x100xf32, #tpu.memory_space<vmem>>, vector<1x128x100xf32>
    %swap3A_371 = vector.shape_cast %swap3A_370 : vector<1x128x100xf32> to vector<128x100xf32>
    %swap3A_372 = vector.shape_cast %convert_element_type3A_366 : vector<128x100xf32> to vector<1x128x100xf32>
    tpu.vector_store %arg3[%swap3A_367, %swap3A_368, %swap3A_369], %swap3A_372 {strides = array<i32>} : memref<4x16384x100xf32, #tpu.memory_space<vmem>>, vector<1x128x100xf32>,
    %eq3A_373 = arith.constant 23 : i32
    %eq3A_374 = vector.broadcast %eq3A_373 : i32 to vector<128x100xi32>
    %eq3A_375 = arith.cmpi eq, %iota3A_4, %eq3A_374 : vector<128x100xi32>
    %convert_element_type3A_376 = arith.extui %eq3A_375 : vector<128x100xi1> to vector<128x100xi32>
    %convert_element_type3A_377 = arith.sitofp %convert_element_type3A_376 : vector<128x100xi32> to vector<128x100xf32>
    %dot_general3A_378 = arith.constant dense<0.000000e+00> : vector<128x100xf32>
    %dot_general3A_379 = tpu.matmul %convert_element_type3A, %convert_element_type3A_377, %dot_general3A_378 {dimension_numbers = #tpu.dot_dimension_numbers<[0], [0], [1], [1], [0, 1, 1, 1], [], []>, transpose_lhs_hint = false} : vector<128x128xf32>, vector<128x100xf32>, vector<128x100xf32> -> vector<128x100xf32>
    %eq3A_380 = arith.cmpf oeq, %dot_general3A_379, %convert_element_type3A_3 : vector<128x100xf32>
    %convert_element_type3A_381 = arith.extui %eq3A_380 : vector<128x100xi1> to vector<128x100xi32>
    %convert_element_type3A_382 = arith.sitofp %convert_element_type3A_381 : vector<128x100xi32> to vector<128x100xf32>
    %swap3A_383 = arith.index_cast %rem3A_0 : i32 to index
    %swap3A_384 = arith.constant 2944 : index
    %swap3A_385 = arith.constant 0 : index
    %swap3A_386 = vector.load %arg3[%swap3A_383, %swap3A_384, %swap3A_385] : memref<4x16384x100xf32, #tpu.memory_space<vmem>>, vector<1x128x100xf32>
    %swap3A_387 = vector.shape_cast %swap3A_386 : vector<1x128x100xf32> to vector<128x100xf32>
    %swap3A_388 = vector.shape_cast %convert_element_type3A_382 : vector<128x100xf32> to vector<1x128x100xf32>
    tpu.vector_store %arg3[%swap3A_383, %swap3A_384, %swap3A_385], %swap3A_388 {strides = array<i32>} : memref<4x16384x100xf32, #tpu.memory_space<vmem>>, vector<1x128x100xf32>,
    %eq3A_389 = arith.constant 24 : i32
    %eq3A_390 = vector.broadcast %eq3A_389 : i32 to vector<128x100xi32>
    %eq3A_391 = arith.cmpi eq, %iota3A_4, %eq3A_390 : vector<128x100xi32>
    %convert_element_type3A_392 = arith.extui %eq3A_391 : vector<128x100xi1> to vector<128x100xi32>
    %convert_element_type3A_393 = arith.sitofp %convert_element_type3A_392 : vector<128x100xi32> to vector<128x100xf32>
    %dot_general3A_394 = arith.constant dense<0.000000e+00> : vector<128x100xf32>
    %dot_general3A_395 = tpu.matmul %convert_element_type3A, %convert_element_type3A_393, %dot_general3A_394 {dimension_numbers = #tpu.dot_dimension_numbers<[0], [0], [1], [1], [0, 1, 1, 1], [], []>, transpose_lhs_hint = false} : vector<128x128xf32>, vector<128x100xf32>, vector<128x100xf32> -> vector<128x100xf32>
    %eq3A_396 = arith.cmpf oeq, %dot_general3A_395, %convert_element_type3A_3 : vector<128x100xf32>
    %convert_element_type3A_397 = arith.extui %eq3A_396 : vector<128x100xi1> to vector<128x100xi32>
    %convert_element_type3A_398 = arith.sitofp %convert_element_type3A_397 : vector<128x100xi32> to vector<128x100xf32>
    %swap3A_399 = arith.index_cast %rem3A_0 : i32 to index
    %swap3A_400 = arith.constant 3072 : index
    %swap3A_401 = arith.constant 0 : index
    %swap3A_402 = vector.load %arg3[%swap3A_399, %swap3A_400, %swap3A_401] : memref<4x16384x100xf32, #tpu.memory_space<vmem>>, vector<1x128x100xf32>
    %swap3A_403 = vector.shape_cast %swap3A_402 : vector<1x128x100xf32> to vector<128x100xf32>
    %swap3A_404 = vector.shape_cast %convert_element_type3A_398 : vector<128x100xf32> to vector<1x128x100xf32>
    tpu.vector_store %arg3[%swap3A_399, %swap3A_400, %swap3A_401], %swap3A_404 {strides = array<i32>} : memref<4x16384x100xf32, #tpu.memory_space<vmem>>, vector<1x128x100xf32>,
    %eq3A_405 = arith.constant 25 : i32
    %eq3A_406 = vector.broadcast %eq3A_405 : i32 to vector<128x100xi32>
    %eq3A_407 = arith.cmpi eq, %iota3A_4, %eq3A_406 : vector<128x100xi32>
    %convert_element_type3A_408 = arith.extui %eq3A_407 : vector<128x100xi1> to vector<128x100xi32>
    %convert_element_type3A_409 = arith.sitofp %convert_element_type3A_408 : vector<128x100xi32> to vector<128x100xf32>
    %dot_general3A_410 = arith.constant dense<0.000000e+00> : vector<128x100xf32>
    %dot_general3A_411 = tpu.matmul %convert_element_type3A, %convert_element_type3A_409, %dot_general3A_410 {dimension_numbers = #tpu.dot_dimension_numbers<[0], [0], [1], [1], [0, 1, 1, 1], [], []>, transpose_lhs_hint = false} : vector<128x128xf32>, vector<128x100xf32>, vector<128x100xf32> -> vector<128x100xf32>
    %eq3A_412 = arith.cmpf oeq, %dot_general3A_411, %convert_element_type3A_3 : vector<128x100xf32>
    %convert_element_type3A_413 = arith.extui %eq3A_412 : vector<128x100xi1> to vector<128x100xi32>
    %convert_element_type3A_414 = arith.sitofp %convert_element_type3A_413 : vector<128x100xi32> to vector<128x100xf32>
    %swap3A_415 = arith.index_cast %rem3A_0 : i32 to index
    %swap3A_416 = arith.constant 3200 : index
    %swap3A_417 = arith.constant 0 : index
    %swap3A_418 = vector.load %arg3[%swap3A_415, %swap3A_416, %swap3A_417] : memref<4x16384x100xf32, #tpu.memory_space<vmem>>, vector<1x128x100xf32>
    %swap3A_419 = vector.shape_cast %swap3A_418 : vector<1x128x100xf32> to vector<128x100xf32>
    %swap3A_420 = vector.shape_cast %convert_element_type3A_414 : vector<128x100xf32> to vector<1x128x100xf32>
    tpu.vector_store %arg3[%swap3A_415, %swap3A_416, %swap3A_417], %swap3A_420 {strides = array<i32>} : memref<4x16384x100xf32, #tpu.memory_space<vmem>>, vector<1x128x100xf32>,
    %eq3A_421 = arith.constant 26 : i32
    %eq3A_422 = vector.broadcast %eq3A_421 : i32 to vector<128x100xi32>
    %eq3A_423 = arith.cmpi eq, %iota3A_4, %eq3A_422 : vector<128x100xi32>
    %convert_element_type3A_424 = arith.extui %eq3A_423 : vector<128x100xi1> to vector<128x100xi32>
    %convert_element_type3A_425 = arith.sitofp %convert_element_type3A_424 : vector<128x100xi32> to vector<128x100xf32>
    %dot_general3A_426 = arith.constant dense<0.000000e+00> : vector<128x100xf32>
    %dot_general3A_427 = tpu.matmul %convert_element_type3A, %convert_element_type3A_425, %dot_general3A_426 {dimension_numbers = #tpu.dot_dimension_numbers<[0], [0], [1], [1], [0, 1, 1, 1], [], []>, transpose_lhs_hint = false} : vector<128x128xf32>, vector<128x100xf32>, vector<128x100xf32> -> vector<128x100xf32>
    %eq3A_428 = arith.cmpf oeq, %dot_general3A_427, %convert_element_type3A_3 : vector<128x100xf32>
    %convert_element_type3A_429 = arith.extui %eq3A_428 : vector<128x100xi1> to vector<128x100xi32>
    %convert_element_type3A_430 = arith.sitofp %convert_element_type3A_429 : vector<128x100xi32> to vector<128x100xf32>
    %swap3A_431 = arith.index_cast %rem3A_0 : i32 to index
    %swap3A_432 = arith.constant 3328 : index
    %swap3A_433 = arith.constant 0 : index
    %swap3A_434 = vector.load %arg3[%swap3A_431, %swap3A_432, %swap3A_433] : memref<4x16384x100xf32, #tpu.memory_space<vmem>>, vector<1x128x100xf32>
    %swap3A_435 = vector.shape_cast %swap3A_434 : vector<1x128x100xf32> to vector<128x100xf32>
    %swap3A_436 = vector.shape_cast %convert_element_type3A_430 : vector<128x100xf32> to vector<1x128x100xf32>
    tpu.vector_store %arg3[%swap3A_431, %swap3A_432, %swap3A_433], %swap3A_436 {strides = array<i32>} : memref<4x16384x100xf32, #tpu.memory_space<vmem>>, vector<1x128x100xf32>,
    %eq3A_437 = arith.constant 27 : i32
    %eq3A_438 = vector.broadcast %eq3A_437 : i32 to vector<128x100xi32>
    %eq3A_439 = arith.cmpi eq, %iota3A_4, %eq3A_438 : vector<128x100xi32>
    %convert_element_type3A_440 = arith.extui %eq3A_439 : vector<128x100xi1> to vector<128x100xi32>
    %convert_element_type3A_441 = arith.sitofp %convert_element_type3A_440 : vector<128x100xi32> to vector<128x100xf32>
    %dot_general3A_442 = arith.constant dense<0.000000e+00> : vector<128x100xf32>
    %dot_general3A_443 = tpu.matmul %convert_element_type3A, %convert_element_type3A_441, %dot_general3A_442 {dimension_numbers = #tpu.dot_dimension_numbers<[0], [0], [1], [1], [0, 1, 1, 1], [], []>, transpose_lhs_hint = false} : vector<128x128xf32>, vector<128x100xf32>, vector<128x100xf32> -> vector<128x100xf32>
    %eq3A_444 = arith.cmpf oeq, %dot_general3A_443, %convert_element_type3A_3 : vector<128x100xf32>
    %convert_element_type3A_445 = arith.extui %eq3A_444 : vector<128x100xi1> to vector<128x100xi32>
    %convert_element_type3A_446 = arith.sitofp %convert_element_type3A_445 : vector<128x100xi32> to vector<128x100xf32>
    %swap3A_447 = arith.index_cast %rem3A_0 : i32 to index
    %swap3A_448 = arith.constant 3456 : index
    %swap3A_449 = arith.constant 0 : index
    %swap3A_450 = vector.load %arg3[%swap3A_447, %swap3A_448, %swap3A_449] : memref<4x16384x100xf32, #tpu.memory_space<vmem>>, vector<1x128x100xf32>
    %swap3A_451 = vector.shape_cast %swap3A_450 : vector<1x128x100xf32> to vector<128x100xf32>
    %swap3A_452 = vector.shape_cast %convert_element_type3A_446 : vector<128x100xf32> to vector<1x128x100xf32>
    tpu.vector_store %arg3[%swap3A_447, %swap3A_448, %swap3A_449], %swap3A_452 {strides = array<i32>} : memref<4x16384x100xf32, #tpu.memory_space<vmem>>, vector<1x128x100xf32>,
    %eq3A_453 = arith.constant 28 : i32
    %eq3A_454 = vector.broadcast %eq3A_453 : i32 to vector<128x100xi32>
    %eq3A_455 = arith.cmpi eq, %iota3A_4, %eq3A_454 : vector<128x100xi32>
    %convert_element_type3A_456 = arith.extui %eq3A_455 : vector<128x100xi1> to vector<128x100xi32>
    %convert_element_type3A_457 = arith.sitofp %convert_element_type3A_456 : vector<128x100xi32> to vector<128x100xf32>
    %dot_general3A_458 = arith.constant dense<0.000000e+00> : vector<128x100xf32>
    %dot_general3A_459 = tpu.matmul %convert_element_type3A, %convert_element_type3A_457, %dot_general3A_458 {dimension_numbers = #tpu.dot_dimension_numbers<[0], [0], [1], [1], [0, 1, 1, 1], [], []>, transpose_lhs_hint = false} : vector<128x128xf32>, vector<128x100xf32>, vector<128x100xf32> -> vector<128x100xf32>
    %eq3A_460 = arith.cmpf oeq, %dot_general3A_459, %convert_element_type3A_3 : vector<128x100xf32>
    %convert_element_type3A_461 = arith.extui %eq3A_460 : vector<128x100xi1> to vector<128x100xi32>
    %convert_element_type3A_462 = arith.sitofp %convert_element_type3A_461 : vector<128x100xi32> to vector<128x100xf32>
    %swap3A_463 = arith.index_cast %rem3A_0 : i32 to index
    %swap3A_464 = arith.constant 3584 : index
    %swap3A_465 = arith.constant 0 : index
    %swap3A_466 = vector.load %arg3[%swap3A_463, %swap3A_464, %swap3A_465] : memref<4x16384x100xf32, #tpu.memory_space<vmem>>, vector<1x128x100xf32>
    %swap3A_467 = vector.shape_cast %swap3A_466 : vector<1x128x100xf32> to vector<128x100xf32>
    %swap3A_468 = vector.shape_cast %convert_element_type3A_462 : vector<128x100xf32> to vector<1x128x100xf32>
    tpu.vector_store %arg3[%swap3A_463, %swap3A_464, %swap3A_465], %swap3A_468 {strides = array<i32>} : memref<4x16384x100xf32, #tpu.memory_space<vmem>>, vector<1x128x100xf32>,
    %eq3A_469 = arith.constant 29 : i32
    %eq3A_470 = vector.broadcast %eq3A_469 : i32 to vector<128x100xi32>
    %eq3A_471 = arith.cmpi eq, %iota3A_4, %eq3A_470 : vector<128x100xi32>
    %convert_element_type3A_472 = arith.extui %eq3A_471 : vector<128x100xi1> to vector<128x100xi32>
    %convert_element_type3A_473 = arith.sitofp %convert_element_type3A_472 : vector<128x100xi32> to vector<128x100xf32>
    %dot_general3A_474 = arith.constant dense<0.000000e+00> : vector<128x100xf32>
    %dot_general3A_475 = tpu.matmul %convert_element_type3A, %convert_element_type3A_473, %dot_general3A_474 {dimension_numbers = #tpu.dot_dimension_numbers<[0], [0], [1], [1], [0, 1, 1, 1], [], []>, transpose_lhs_hint = false} : vector<128x128xf32>, vector<128x100xf32>, vector<128x100xf32> -> vector<128x100xf32>
    %eq3A_476 = arith.cmpf oeq, %dot_general3A_475, %convert_element_type3A_3 : vector<128x100xf32>
    %convert_element_type3A_477 = arith.extui %eq3A_476 : vector<128x100xi1> to vector<128x100xi32>
    %convert_element_type3A_478 = arith.sitofp %convert_element_type3A_477 : vector<128x100xi32> to vector<128x100xf32>
    %swap3A_479 = arith.index_cast %rem3A_0 : i32 to index
    %swap3A_480 = arith.constant 3712 : index
    %swap3A_481 = arith.constant 0 : index
    %swap3A_482 = vector.load %arg3[%swap3A_479, %swap3A_480, %swap3A_481] : memref<4x16384x100xf32, #tpu.memory_space<vmem>>, vector<1x128x100xf32>
    %swap3A_483 = vector.shape_cast %swap3A_482 : vector<1x128x100xf32> to vector<128x100xf32>
    %swap3A_484 = vector.shape_cast %convert_element_type3A_478 : vector<128x100xf32> to vector<1x128x100xf32>
    tpu.vector_store %arg3[%swap3A_479, %swap3A_480, %swap3A_481], %swap3A_484 {strides = array<i32>} : memref<4x16384x100xf32, #tpu.memory_space<vmem>>, vector<1x128x100xf32>,
    %eq3A_485 = arith.constant 30 : i32
    %eq3A_486 = vector.broadcast %eq3A_485 : i32 to vector<128x100xi32>
    %eq3A_487 = arith.cmpi eq, %iota3A_4, %eq3A_486 : vector<128x100xi32>
    %convert_element_type3A_488 = arith.extui %eq3A_487 : vector<128x100xi1> to vector<128x100xi32>
    %convert_element_type3A_489 = arith.sitofp %convert_element_type3A_488 : vector<128x100xi32> to vector<128x100xf32>
    %dot_general3A_490 = arith.constant dense<0.000000e+00> : vector<128x100xf32>
    %dot_general3A_491 = tpu.matmul %convert_element_type3A, %convert_element_type3A_489, %dot_general3A_490 {dimension_numbers = #tpu.dot_dimension_numbers<[0], [0], [1], [1], [0, 1, 1, 1], [], []>, transpose_lhs_hint = false} : vector<128x128xf32>, vector<128x100xf32>, vector<128x100xf32> -> vector<128x100xf32>
    %eq3A_492 = arith.cmpf oeq, %dot_general3A_491, %convert_element_type3A_3 : vector<128x100xf32>
    %convert_element_type3A_493 = arith.extui %eq3A_492 : vector<128x100xi1> to vector<128x100xi32>
    %convert_element_type3A_494 = arith.sitofp %convert_element_type3A_493 : vector<128x100xi32> to vector<128x100xf32>
    %swap3A_495 = arith.index_cast %rem3A_0 : i32 to index
    %swap3A_496 = arith.constant 3840 : index
    %swap3A_497 = arith.constant 0 : index
    %swap3A_498 = vector.load %arg3[%swap3A_495, %swap3A_496, %swap3A_497] : memref<4x16384x100xf32, #tpu.memory_space<vmem>>, vector<1x128x100xf32>
    %swap3A_499 = vector.shape_cast %swap3A_498 : vector<1x128x100xf32> to vector<128x100xf32>
    %swap3A_500 = vector.shape_cast %convert_element_type3A_494 : vector<128x100xf32> to vector<1x128x100xf32>
    tpu.vector_store %arg3[%swap3A_495, %swap3A_496, %swap3A_497], %swap3A_500 {strides = array<i32>} : memref<4x16384x100xf32, #tpu.memory_space<vmem>>, vector<1x128x100xf32>,
    %eq3A_501 = arith.constant 31 : i32
    %eq3A_502 = vector.broadcast %eq3A_501 : i32 to vector<128x100xi32>
    %eq3A_503 = arith.cmpi eq, %iota3A_4, %eq3A_502 : vector<128x100xi32>
    %convert_element_type3A_504 = arith.extui %eq3A_503 : vector<128x100xi1> to vector<128x100xi32>
    %convert_element_type3A_505 = arith.sitofp %convert_element_type3A_504 : vector<128x100xi32> to vector<128x100xf32>
    %dot_general3A_506 = arith.constant dense<0.000000e+00> : vector<128x100xf32>
    %dot_general3A_507 = tpu.matmul %convert_element_type3A, %convert_element_type3A_505, %dot_general3A_506 {dimension_numbers = #tpu.dot_dimension_numbers<[0], [0], [1], [1], [0, 1, 1, 1], [], []>, transpose_lhs_hint = false} : vector<128x128xf32>, vector<128x100xf32>, vector<128x100xf32> -> vector<128x100xf32>
    %eq3A_508 = arith.cmpf oeq, %dot_general3A_507, %convert_element_type3A_3 : vector<128x100xf32>
    %convert_element_type3A_509 = arith.extui %eq3A_508 : vector<128x100xi1> to vector<128x100xi32>
    %convert_element_type3A_510 = arith.sitofp %convert_element_type3A_509 : vector<128x100xi32> to vector<128x100xf32>
    %swap3A_511 = arith.index_cast %rem3A_0 : i32 to index
    %swap3A_512 = arith.constant 3968 : index
    %swap3A_513 = arith.constant 0 : index
    %swap3A_514 = vector.load %arg3[%swap3A_511, %swap3A_512, %swap3A_513] : memref<4x16384x100xf32, #tpu.memory_space<vmem>>, vector<1x128x100xf32>
    %swap3A_515 = vector.shape_cast %swap3A_514 : vector<1x128x100xf32> to vector<128x100xf32>
    %swap3A_516 = vector.shape_cast %convert_element_type3A_510 : vector<128x100xf32> to vector<1x128x100xf32>
    tpu.vector_store %arg3[%swap3A_511, %swap3A_512, %swap3A_513], %swap3A_516 {strides = array<i32>} : memref<4x16384x100xf32, #tpu.memory_space<vmem>>, vector<1x128x100xf32>,
    %eq3A_517 = arith.constant 32 : i32
    %eq3A_518 = vector.broadcast %eq3A_517 : i32 to vector<128x100xi32>
    %eq3A_519 = arith.cmpi eq, %iota3A_4, %eq3A_518 : vector<128x100xi32>
    %convert_element_type3A_520 = arith.extui %eq3A_519 : vector<128x100xi1> to vector<128x100xi32>
    %convert_element_type3A_521 = arith.sitofp %convert_element_type3A_520 : vector<128x100xi32> to vector<128x100xf32>
    %dot_general3A_522 = arith.constant dense<0.000000e+00> : vector<128x100xf32>
    %dot_general3A_523 = tpu.matmul %convert_element_type3A, %convert_element_type3A_521, %dot_general3A_522 {dimension_numbers = #tpu.dot_dimension_numbers<[0], [0], [1], [1], [0, 1, 1, 1], [], []>, transpose_lhs_hint = false} : vector<128x128xf32>, vector<128x100xf32>, vector<128x100xf32> -> vector<128x100xf32>
    %eq3A_524 = arith.cmpf oeq, %dot_general3A_523, %convert_element_type3A_3 : vector<128x100xf32>
    %convert_element_type3A_525 = arith.extui %eq3A_524 : vector<128x100xi1> to vector<128x100xi32>
    %convert_element_type3A_526 = arith.sitofp %convert_element_type3A_525 : vector<128x100xi32> to vector<128x100xf32>
    %swap3A_527 = arith.index_cast %rem3A_0 : i32 to index
    %swap3A_528 = arith.constant 4096 : index
    %swap3A_529 = arith.constant 0 : index
    %swap3A_530 = vector.load %arg3[%swap3A_527, %swap3A_528, %swap3A_529] : memref<4x16384x100xf32, #tpu.memory_space<vmem>>, vector<1x128x100xf32>
    %swap3A_531 = vector.shape_cast %swap3A_530 : vector<1x128x100xf32> to vector<128x100xf32>
    %swap3A_532 = vector.shape_cast %convert_element_type3A_526 : vector<128x100xf32> to vector<1x128x100xf32>
    tpu.vector_store %arg3[%swap3A_527, %swap3A_528, %swap3A_529], %swap3A_532 {strides = array<i32>} : memref<4x16384x100xf32, #tpu.memory_space<vmem>>, vector<1x128x100xf32>,
    %eq3A_533 = arith.constant 33 : i32
    %eq3A_534 = vector.broadcast %eq3A_533 : i32 to vector<128x100xi32>
    %eq3A_535 = arith.cmpi eq, %iota3A_4, %eq3A_534 : vector<128x100xi32>
    %convert_element_type3A_536 = arith.extui %eq3A_535 : vector<128x100xi1> to vector<128x100xi32>
    %convert_element_type3A_537 = arith.sitofp %convert_element_type3A_536 : vector<128x100xi32> to vector<128x100xf32>
    %dot_general3A_538 = arith.constant dense<0.000000e+00> : vector<128x100xf32>
    %dot_general3A_539 = tpu.matmul %convert_element_type3A, %convert_element_type3A_537, %dot_general3A_538 {dimension_numbers = #tpu.dot_dimension_numbers<[0], [0], [1], [1], [0, 1, 1, 1], [], []>, transpose_lhs_hint = false} : vector<128x128xf32>, vector<128x100xf32>, vector<128x100xf32> -> vector<128x100xf32>
    %eq3A_540 = arith.cmpf oeq, %dot_general3A_539, %convert_element_type3A_3 : vector<128x100xf32>
    %convert_element_type3A_541 = arith.extui %eq3A_540 : vector<128x100xi1> to vector<128x100xi32>
    %convert_element_type3A_542 = arith.sitofp %convert_element_type3A_541 : vector<128x100xi32> to vector<128x100xf32>
    %swap3A_543 = arith.index_cast %rem3A_0 : i32 to index
    %swap3A_544 = arith.constant 4224 : index
    %swap3A_545 = arith.constant 0 : index
    %swap3A_546 = vector.load %arg3[%swap3A_543, %swap3A_544, %swap3A_545] : memref<4x16384x100xf32, #tpu.memory_space<vmem>>, vector<1x128x100xf32>
    %swap3A_547 = vector.shape_cast %swap3A_546 : vector<1x128x100xf32> to vector<128x100xf32>
    %swap3A_548 = vector.shape_cast %convert_element_type3A_542 : vector<128x100xf32> to vector<1x128x100xf32>
    tpu.vector_store %arg3[%swap3A_543, %swap3A_544, %swap3A_545], %swap3A_548 {strides = array<i32>} : memref<4x16384x100xf32, #tpu.memory_space<vmem>>, vector<1x128x100xf32>,
    %eq3A_549 = arith.constant 34 : i32
    %eq3A_550 = vector.broadcast %eq3A_549 : i32 to vector<128x100xi32>
    %eq3A_551 = arith.cmpi eq, %iota3A_4, %eq3A_550 : vector<128x100xi32>
    %convert_element_type3A_552 = arith.extui %eq3A_551 : vector<128x100xi1> to vector<128x100xi32>
    %convert_element_type3A_553 = arith.sitofp %convert_element_type3A_552 : vector<128x100xi32> to vector<128x100xf32>
    %dot_general3A_554 = arith.constant dense<0.000000e+00> : vector<128x100xf32>
    %dot_general3A_555 = tpu.matmul %convert_element_type3A, %convert_element_type3A_553, %dot_general3A_554 {dimension_numbers = #tpu.dot_dimension_numbers<[0], [0], [1], [1], [0, 1, 1, 1], [], []>, transpose_lhs_hint = false} : vector<128x128xf32>, vector<128x100xf32>, vector<128x100xf32> -> vector<128x100xf32>
    %eq3A_556 = arith.cmpf oeq, %dot_general3A_555, %convert_element_type3A_3 : vector<128x100xf32>
    %convert_element_type3A_557 = arith.extui %eq3A_556 : vector<128x100xi1> to vector<128x100xi32>
    %convert_element_type3A_558 = arith.sitofp %convert_element_type3A_557 : vector<128x100xi32> to vector<128x100xf32>
    %swap3A_559 = arith.index_cast %rem3A_0 : i32 to index
    %swap3A_560 = arith.constant 4352 : index
    %swap3A_561 = arith.constant 0 : index
    %swap3A_562 = vector.load %arg3[%swap3A_559, %swap3A_560, %swap3A_561] : memref<4x16384x100xf32, #tpu.memory_space<vmem>>, vector<1x128x100xf32>
    %swap3A_563 = vector.shape_cast %swap3A_562 : vector<1x128x100xf32> to vector<128x100xf32>
    %swap3A_564 = vector.shape_cast %convert_element_type3A_558 : vector<128x100xf32> to vector<1x128x100xf32>
    tpu.vector_store %arg3[%swap3A_559, %swap3A_560, %swap3A_561], %swap3A_564 {strides = array<i32>} : memref<4x16384x100xf32, #tpu.memory_space<vmem>>, vector<1x128x100xf32>,
    %eq3A_565 = arith.constant 35 : i32
    %eq3A_566 = vector.broadcast %eq3A_565 : i32 to vector<128x100xi32>
    %eq3A_567 = arith.cmpi eq, %iota3A_4, %eq3A_566 : vector<128x100xi32>
    %convert_element_type3A_568 = arith.extui %eq3A_567 : vector<128x100xi1> to vector<128x100xi32>
    %convert_element_type3A_569 = arith.sitofp %convert_element_type3A_568 : vector<128x100xi32> to vector<128x100xf32>
    %dot_general3A_570 = arith.constant dense<0.000000e+00> : vector<128x100xf32>
    %dot_general3A_571 = tpu.matmul %convert_element_type3A, %convert_element_type3A_569, %dot_general3A_570 {dimension_numbers = #tpu.dot_dimension_numbers<[0], [0], [1], [1], [0, 1, 1, 1], [], []>, transpose_lhs_hint = false} : vector<128x128xf32>, vector<128x100xf32>, vector<128x100xf32> -> vector<128x100xf32>
    %eq3A_572 = arith.cmpf oeq, %dot_general3A_571, %convert_element_type3A_3 : vector<128x100xf32>
    %convert_element_type3A_573 = arith.extui %eq3A_572 : vector<128x100xi1> to vector<128x100xi32>
    %convert_element_type3A_574 = arith.sitofp %convert_element_type3A_573 : vector<128x100xi32> to vector<128x100xf32>
    %swap3A_575 = arith.index_cast %rem3A_0 : i32 to index
    %swap3A_576 = arith.constant 4480 : index
    %swap3A_577 = arith.constant 0 : index
    %swap3A_578 = vector.load %arg3[%swap3A_575, %swap3A_576, %swap3A_577] : memref<4x16384x100xf32, #tpu.memory_space<vmem>>, vector<1x128x100xf32>
    %swap3A_579 = vector.shape_cast %swap3A_578 : vector<1x128x100xf32> to vector<128x100xf32>
    %swap3A_580 = vector.shape_cast %convert_element_type3A_574 : vector<128x100xf32> to vector<1x128x100xf32>
    tpu.vector_store %arg3[%swap3A_575, %swap3A_576, %swap3A_577], %swap3A_580 {strides = array<i32>} : memref<4x16384x100xf32, #tpu.memory_space<vmem>>, vector<1x128x100xf32>,
    %eq3A_581 = arith.constant 36 : i32
    %eq3A_582 = vector.broadcast %eq3A_581 : i32 to vector<128x100xi32>
    %eq3A_583 = arith.cmpi eq, %iota3A_4, %eq3A_582 : vector<128x100xi32>
    %convert_element_type3A_584 = arith.extui %eq3A_583 : vector<128x100xi1> to vector<128x100xi32>
    %convert_element_type3A_585 = arith.sitofp %convert_element_type3A_584 : vector<128x100xi32> to vector<128x100xf32>
    %dot_general3A_586 = arith.constant dense<0.000000e+00> : vector<128x100xf32>
    %dot_general3A_587 = tpu.matmul %convert_element_type3A, %convert_element_type3A_585, %dot_general3A_586 {dimension_numbers = #tpu.dot_dimension_numbers<[0], [0], [1], [1], [0, 1, 1, 1], [], []>, transpose_lhs_hint = false} : vector<128x128xf32>, vector<128x100xf32>, vector<128x100xf32> -> vector<128x100xf32>
    %eq3A_588 = arith.cmpf oeq, %dot_general3A_587, %convert_element_type3A_3 : vector<128x100xf32>
    %convert_element_type3A_589 = arith.extui %eq3A_588 : vector<128x100xi1> to vector<128x100xi32>
    %convert_element_type3A_590 = arith.sitofp %convert_element_type3A_589 : vector<128x100xi32> to vector<128x100xf32>
    %swap3A_591 = arith.index_cast %rem3A_0 : i32 to index
    %swap3A_592 = arith.constant 4608 : index
    %swap3A_593 = arith.constant 0 : index
    %swap3A_594 = vector.load %arg3[%swap3A_591, %swap3A_592, %swap3A_593] : memref<4x16384x100xf32, #tpu.memory_space<vmem>>, vector<1x128x100xf32>
    %swap3A_595 = vector.shape_cast %swap3A_594 : vector<1x128x100xf32> to vector<128x100xf32>
    %swap3A_596 = vector.shape_cast %convert_element_type3A_590 : vector<128x100xf32> to vector<1x128x100xf32>
    tpu.vector_store %arg3[%swap3A_591, %swap3A_592, %swap3A_593], %swap3A_596 {strides = array<i32>} : memref<4x16384x100xf32, #tpu.memory_space<vmem>>, vector<1x128x100xf32>,
    %eq3A_597 = arith.constant 37 : i32
    %eq3A_598 = vector.broadcast %eq3A_597 : i32 to vector<128x100xi32>
    %eq3A_599 = arith.cmpi eq, %iota3A_4, %eq3A_598 : vector<128x100xi32>
    %convert_element_type3A_600 = arith.extui %eq3A_599 : vector<128x100xi1> to vector<128x100xi32>
    %convert_element_type3A_601 = arith.sitofp %convert_element_type3A_600 : vector<128x100xi32> to vector<128x100xf32>
    %dot_general3A_602 = arith.constant dense<0.000000e+00> : vector<128x100xf32>
    %dot_general3A_603 = tpu.matmul %convert_element_type3A, %convert_element_type3A_601, %dot_general3A_602 {dimension_numbers = #tpu.dot_dimension_numbers<[0], [0], [1], [1], [0, 1, 1, 1], [], []>, transpose_lhs_hint = false} : vector<128x128xf32>, vector<128x100xf32>, vector<128x100xf32> -> vector<128x100xf32>
    %eq3A_604 = arith.cmpf oeq, %dot_general3A_603, %convert_element_type3A_3 : vector<128x100xf32>
    %convert_element_type3A_605 = arith.extui %eq3A_604 : vector<128x100xi1> to vector<128x100xi32>
    %convert_element_type3A_606 = arith.sitofp %convert_element_type3A_605 : vector<128x100xi32> to vector<128x100xf32>
    %swap3A_607 = arith.index_cast %rem3A_0 : i32 to index
    %swap3A_608 = arith.constant 4736 : index
    %swap3A_609 = arith.constant 0 : index
    %swap3A_610 = vector.load %arg3[%swap3A_607, %swap3A_608, %swap3A_609] : memref<4x16384x100xf32, #tpu.memory_space<vmem>>, vector<1x128x100xf32>
    %swap3A_611 = vector.shape_cast %swap3A_610 : vector<1x128x100xf32> to vector<128x100xf32>
    %swap3A_612 = vector.shape_cast %convert_element_type3A_606 : vector<128x100xf32> to vector<1x128x100xf32>
    tpu.vector_store %arg3[%swap3A_607, %swap3A_608, %swap3A_609], %swap3A_612 {strides = array<i32>} : memref<4x16384x100xf32, #tpu.memory_space<vmem>>, vector<1x128x100xf32>,
    %eq3A_613 = arith.constant 38 : i32
    %eq3A_614 = vector.broadcast %eq3A_613 : i32 to vector<128x100xi32>
    %eq3A_615 = arith.cmpi eq, %iota3A_4, %eq3A_614 : vector<128x100xi32>
    %convert_element_type3A_616 = arith.extui %eq3A_615 : vector<128x100xi1> to vector<128x100xi32>
    %convert_element_type3A_617 = arith.sitofp %convert_element_type3A_616 : vector<128x100xi32> to vector<128x100xf32>
    %dot_general3A_618 = arith.constant dense<0.000000e+00> : vector<128x100xf32>
    %dot_general3A_619 = tpu.matmul %convert_element_type3A, %convert_element_type3A_617, %dot_general3A_618 {dimension_numbers = #tpu.dot_dimension_numbers<[0], [0], [1], [1], [0, 1, 1, 1], [], []>, transpose_lhs_hint = false} : vector<128x128xf32>, vector<128x100xf32>, vector<128x100xf32> -> vector<128x100xf32>
    %eq3A_620 = arith.cmpf oeq, %dot_general3A_619, %convert_element_type3A_3 : vector<128x100xf32>
    %convert_element_type3A_621 = arith.extui %eq3A_620 : vector<128x100xi1> to vector<128x100xi32>
    %convert_element_type3A_622 = arith.sitofp %convert_element_type3A_621 : vector<128x100xi32> to vector<128x100xf32>
    %swap3A_623 = arith.index_cast %rem3A_0 : i32 to index
    %swap3A_624 = arith.constant 4864 : index
    %swap3A_625 = arith.constant 0 : index
    %swap3A_626 = vector.load %arg3[%swap3A_623, %swap3A_624, %swap3A_625] : memref<4x16384x100xf32, #tpu.memory_space<vmem>>, vector<1x128x100xf32>
    %swap3A_627 = vector.shape_cast %swap3A_626 : vector<1x128x100xf32> to vector<128x100xf32>
    %swap3A_628 = vector.shape_cast %convert_element_type3A_622 : vector<128x100xf32> to vector<1x128x100xf32>
    tpu.vector_store %arg3[%swap3A_623, %swap3A_624, %swap3A_625], %swap3A_628 {strides = array<i32>} : memref<4x16384x100xf32, #tpu.memory_space<vmem>>, vector<1x128x100xf32>,
    %eq3A_629 = arith.constant 39 : i32
    %eq3A_630 = vector.broadcast %eq3A_629 : i32 to vector<128x100xi32>
    %eq3A_631 = arith.cmpi eq, %iota3A_4, %eq3A_630 : vector<128x100xi32>
    %convert_element_type3A_632 = arith.extui %eq3A_631 : vector<128x100xi1> to vector<128x100xi32>
    %convert_element_type3A_633 = arith.sitofp %convert_element_type3A_632 : vector<128x100xi32> to vector<128x100xf32>
    %dot_general3A_634 = arith.constant dense<0.000000e+00> : vector<128x100xf32>
    %dot_general3A_635 = tpu.matmul %convert_element_type3A, %convert_element_type3A_633, %dot_general3A_634 {dimension_numbers = #tpu.dot_dimension_numbers<[0], [0], [1], [1], [0, 1, 1, 1], [], []>, transpose_lhs_hint = false} : vector<128x128xf32>, vector<128x100xf32>, vector<128x100xf32> -> vector<128x100xf32>
    %eq3A_636 = arith.cmpf oeq, %dot_general3A_635, %convert_element_type3A_3 : vector<128x100xf32>
    %convert_element_type3A_637 = arith.extui %eq3A_636 : vector<128x100xi1> to vector<128x100xi32>
    %convert_element_type3A_638 = arith.sitofp %convert_element_type3A_637 : vector<128x100xi32> to vector<128x100xf32>
    %swap3A_639 = arith.index_cast %rem3A_0 : i32 to index
    %swap3A_640 = arith.constant 4992 : index
    %swap3A_641 = arith.constant 0 : index
    %swap3A_642 = vector.load %arg3[%swap3A_639, %swap3A_640, %swap3A_641] : memref<4x16384x100xf32, #tpu.memory_space<vmem>>, vector<1x128x100xf32>
    %swap3A_643 = vector.shape_cast %swap3A_642 : vector<1x128x100xf32> to vector<128x100xf32>
    %swap3A_644 = vector.shape_cast %convert_element_type3A_638 : vector<128x100xf32> to vector<1x128x100xf32>
    tpu.vector_store %arg3[%swap3A_639, %swap3A_640, %swap3A_641], %swap3A_644 {strides = array<i32>} : memref<4x16384x100xf32, #tpu.memory_space<vmem>>, vector<1x128x100xf32>,
    %eq3A_645 = arith.constant 40 : i32
    %eq3A_646 = vector.broadcast %eq3A_645 : i32 to vector<128x100xi32>
    %eq3A_647 = arith.cmpi eq, %iota3A_4, %eq3A_646 : vector<128x100xi32>
    %convert_element_type3A_648 = arith.extui %eq3A_647 : vector<128x100xi1> to vector<128x100xi32>
    %convert_element_type3A_649 = arith.sitofp %convert_element_type3A_648 : vector<128x100xi32> to vector<128x100xf32>
    %dot_general3A_650 = arith.constant dense<0.000000e+00> : vector<128x100xf32>
    %dot_general3A_651 = tpu.matmul %convert_element_type3A, %convert_element_type3A_649, %dot_general3A_650 {dimension_numbers = #tpu.dot_dimension_numbers<[0], [0], [1], [1], [0, 1, 1, 1], [], []>, transpose_lhs_hint = false} : vector<128x128xf32>, vector<128x100xf32>, vector<128x100xf32> -> vector<128x100xf32>
    %eq3A_652 = arith.cmpf oeq, %dot_general3A_651, %convert_element_type3A_3 : vector<128x100xf32>
    %convert_element_type3A_653 = arith.extui %eq3A_652 : vector<128x100xi1> to vector<128x100xi32>
    %convert_element_type3A_654 = arith.sitofp %convert_element_type3A_653 : vector<128x100xi32> to vector<128x100xf32>
    %swap3A_655 = arith.index_cast %rem3A_0 : i32 to index
    %swap3A_656 = arith.constant 5120 : index
    %swap3A_657 = arith.constant 0 : index
    %swap3A_658 = vector.load %arg3[%swap3A_655, %swap3A_656, %swap3A_657] : memref<4x16384x100xf32, #tpu.memory_space<vmem>>, vector<1x128x100xf32>
    %swap3A_659 = vector.shape_cast %swap3A_658 : vector<1x128x100xf32> to vector<128x100xf32>
    %swap3A_660 = vector.shape_cast %convert_element_type3A_654 : vector<128x100xf32> to vector<1x128x100xf32>
    tpu.vector_store %arg3[%swap3A_655, %swap3A_656, %swap3A_657], %swap3A_660 {strides = array<i32>} : memref<4x16384x100xf32, #tpu.memory_space<vmem>>, vector<1x128x100xf32>,
    %eq3A_661 = arith.constant 41 : i32
    %eq3A_662 = vector.broadcast %eq3A_661 : i32 to vector<128x100xi32>
    %eq3A_663 = arith.cmpi eq, %iota3A_4, %eq3A_662 : vector<128x100xi32>
    %convert_element_type3A_664 = arith.extui %eq3A_663 : vector<128x100xi1> to vector<128x100xi32>
    %convert_element_type3A_665 = arith.sitofp %convert_element_type3A_664 : vector<128x100xi32> to vector<128x100xf32>
    %dot_general3A_666 = arith.constant dense<0.000000e+00> : vector<128x100xf32>
    %dot_general3A_667 = tpu.matmul %convert_element_type3A, %convert_element_type3A_665, %dot_general3A_666 {dimension_numbers = #tpu.dot_dimension_numbers<[0], [0], [1], [1], [0, 1, 1, 1], [], []>, transpose_lhs_hint = false} : vector<128x128xf32>, vector<128x100xf32>, vector<128x100xf32> -> vector<128x100xf32>
    %eq3A_668 = arith.cmpf oeq, %dot_general3A_667, %convert_element_type3A_3 : vector<128x100xf32>
    %convert_element_type3A_669 = arith.extui %eq3A_668 : vector<128x100xi1> to vector<128x100xi32>
    %convert_element_type3A_670 = arith.sitofp %convert_element_type3A_669 : vector<128x100xi32> to vector<128x100xf32>
    %swap3A_671 = arith.index_cast %rem3A_0 : i32 to index
    %swap3A_672 = arith.constant 5248 : index
    %swap3A_673 = arith.constant 0 : index
    %swap3A_674 = vector.load %arg3[%swap3A_671, %swap3A_672, %swap3A_673] : memref<4x16384x100xf32, #tpu.memory_space<vmem>>, vector<1x128x100xf32>
    %swap3A_675 = vector.shape_cast %swap3A_674 : vector<1x128x100xf32> to vector<128x100xf32>
    %swap3A_676 = vector.shape_cast %convert_element_type3A_670 : vector<128x100xf32> to vector<1x128x100xf32>
    tpu.vector_store %arg3[%swap3A_671, %swap3A_672, %swap3A_673], %swap3A_676 {strides = array<i32>} : memref<4x16384x100xf32, #tpu.memory_space<vmem>>, vector<1x128x100xf32>,
    %eq3A_677 = arith.constant 42 : i32
    %eq3A_678 = vector.broadcast %eq3A_677 : i32 to vector<128x100xi32>
    %eq3A_679 = arith.cmpi eq, %iota3A_4, %eq3A_678 : vector<128x100xi32>
    %convert_element_type3A_680 = arith.extui %eq3A_679 : vector<128x100xi1> to vector<128x100xi32>
    %convert_element_type3A_681 = arith.sitofp %convert_element_type3A_680 : vector<128x100xi32> to vector<128x100xf32>
    %dot_general3A_682 = arith.constant dense<0.000000e+00> : vector<128x100xf32>
    %dot_general3A_683 = tpu.matmul %convert_element_type3A, %convert_element_type3A_681, %dot_general3A_682 {dimension_numbers = #tpu.dot_dimension_numbers<[0], [0], [1], [1], [0, 1, 1, 1], [], []>, transpose_lhs_hint = false} : vector<128x128xf32>, vector<128x100xf32>, vector<128x100xf32> -> vector<128x100xf32>
    %eq3A_684 = arith.cmpf oeq, %dot_general3A_683, %convert_element_type3A_3 : vector<128x100xf32>
    %convert_element_type3A_685 = arith.extui %eq3A_684 : vector<128x100xi1> to vector<128x100xi32>
    %convert_element_type3A_686 = arith.sitofp %convert_element_type3A_685 : vector<128x100xi32> to vector<128x100xf32>
    %swap3A_687 = arith.index_cast %rem3A_0 : i32 to index
    %swap3A_688 = arith.constant 5376 : index
    %swap3A_689 = arith.constant 0 : index
    %swap3A_690 = vector.load %arg3[%swap3A_687, %swap3A_688, %swap3A_689] : memref<4x16384x100xf32, #tpu.memory_space<vmem>>, vector<1x128x100xf32>
    %swap3A_691 = vector.shape_cast %swap3A_690 : vector<1x128x100xf32> to vector<128x100xf32>
    %swap3A_692 = vector.shape_cast %convert_element_type3A_686 : vector<128x100xf32> to vector<1x128x100xf32>
    tpu.vector_store %arg3[%swap3A_687, %swap3A_688, %swap3A_689], %swap3A_692 {strides = array<i32>} : memref<4x16384x100xf32, #tpu.memory_space<vmem>>, vector<1x128x100xf32>,
    %eq3A_693 = arith.constant 43 : i32
    %eq3A_694 = vector.broadcast %eq3A_693 : i32 to vector<128x100xi32>
    %eq3A_695 = arith.cmpi eq, %iota3A_4, %eq3A_694 : vector<128x100xi32>
    %convert_element_type3A_696 = arith.extui %eq3A_695 : vector<128x100xi1> to vector<128x100xi32>
    %convert_element_type3A_697 = arith.sitofp %convert_element_type3A_696 : vector<128x100xi32> to vector<128x100xf32>
    %dot_general3A_698 = arith.constant dense<0.000000e+00> : vector<128x100xf32>
    %dot_general3A_699 = tpu.matmul %convert_element_type3A, %convert_element_type3A_697, %dot_general3A_698 {dimension_numbers = #tpu.dot_dimension_numbers<[0], [0], [1], [1], [0, 1, 1, 1], [], []>, transpose_lhs_hint = false} : vector<128x128xf32>, vector<128x100xf32>, vector<128x100xf32> -> vector<128x100xf32>
    %eq3A_700 = arith.cmpf oeq, %dot_general3A_699, %convert_element_type3A_3 : vector<128x100xf32>
    %convert_element_type3A_701 = arith.extui %eq3A_700 : vector<128x100xi1> to vector<128x100xi32>
    %convert_element_type3A_702 = arith.sitofp %convert_element_type3A_701 : vector<128x100xi32> to vector<128x100xf32>
    %swap3A_703 = arith.index_cast %rem3A_0 : i32 to index
    %swap3A_704 = arith.constant 5504 : index
    %swap3A_705 = arith.constant 0 : index
    %swap3A_706 = vector.load %arg3[%swap3A_703, %swap3A_704, %swap3A_705] : memref<4x16384x100xf32, #tpu.memory_space<vmem>>, vector<1x128x100xf32>
    %swap3A_707 = vector.shape_cast %swap3A_706 : vector<1x128x100xf32> to vector<128x100xf32>
    %swap3A_708 = vector.shape_cast %convert_element_type3A_702 : vector<128x100xf32> to vector<1x128x100xf32>
    tpu.vector_store %arg3[%swap3A_703, %swap3A_704, %swap3A_705], %swap3A_708 {strides = array<i32>} : memref<4x16384x100xf32, #tpu.memory_space<vmem>>, vector<1x128x100xf32>,
    %eq3A_709 = arith.constant 44 : i32
    %eq3A_710 = vector.broadcast %eq3A_709 : i32 to vector<128x100xi32>
    %eq3A_711 = arith.cmpi eq, %iota3A_4, %eq3A_710 : vector<128x100xi32>
    %convert_element_type3A_712 = arith.extui %eq3A_711 : vector<128x100xi1> to vector<128x100xi32>
    %convert_element_type3A_713 = arith.sitofp %convert_element_type3A_712 : vector<128x100xi32> to vector<128x100xf32>
    %dot_general3A_714 = arith.constant dense<0.000000e+00> : vector<128x100xf32>
    %dot_general3A_715 = tpu.matmul %convert_element_type3A, %convert_element_type3A_713, %dot_general3A_714 {dimension_numbers = #tpu.dot_dimension_numbers<[0], [0], [1], [1], [0, 1, 1, 1], [], []>, transpose_lhs_hint = false} : vector<128x128xf32>, vector<128x100xf32>, vector<128x100xf32> -> vector<128x100xf32>
    %eq3A_716 = arith.cmpf oeq, %dot_general3A_715, %convert_element_type3A_3 : vector<128x100xf32>
    %convert_element_type3A_717 = arith.extui %eq3A_716 : vector<128x100xi1> to vector<128x100xi32>
    %convert_element_type3A_718 = arith.sitofp %convert_element_type3A_717 : vector<128x100xi32> to vector<128x100xf32>
    %swap3A_719 = arith.index_cast %rem3A_0 : i32 to index
    %swap3A_720 = arith.constant 5632 : index
    %swap3A_721 = arith.constant 0 : index
    %swap3A_722 = vector.load %arg3[%swap3A_719, %swap3A_720, %swap3A_721] : memref<4x16384x100xf32, #tpu.memory_space<vmem>>, vector<1x128x100xf32>
    %swap3A_723 = vector.shape_cast %swap3A_722 : vector<1x128x100xf32> to vector<128x100xf32>
    %swap3A_724 = vector.shape_cast %convert_element_type3A_718 : vector<128x100xf32> to vector<1x128x100xf32>
    tpu.vector_store %arg3[%swap3A_719, %swap3A_720, %swap3A_721], %swap3A_724 {strides = array<i32>} : memref<4x16384x100xf32, #tpu.memory_space<vmem>>, vector<1x128x100xf32>,
    %eq3A_725 = arith.constant 45 : i32
    %eq3A_726 = vector.broadcast %eq3A_725 : i32 to vector<128x100xi32>
    %eq3A_727 = arith.cmpi eq, %iota3A_4, %eq3A_726 : vector<128x100xi32>
    %convert_element_type3A_728 = arith.extui %eq3A_727 : vector<128x100xi1> to vector<128x100xi32>
    %convert_element_type3A_729 = arith.sitofp %convert_element_type3A_728 : vector<128x100xi32> to vector<128x100xf32>
    %dot_general3A_730 = arith.constant dense<0.000000e+00> : vector<128x100xf32>
    %dot_general3A_731 = tpu.matmul %convert_element_type3A, %convert_element_type3A_729, %dot_general3A_730 {dimension_numbers = #tpu.dot_dimension_numbers<[0], [0], [1], [1], [0, 1, 1, 1], [], []>, transpose_lhs_hint = false} : vector<128x128xf32>, vector<128x100xf32>, vector<128x100xf32> -> vector<128x100xf32>
    %eq3A_732 = arith.cmpf oeq, %dot_general3A_731, %convert_element_type3A_3 : vector<128x100xf32>
    %convert_element_type3A_733 = arith.extui %eq3A_732 : vector<128x100xi1> to vector<128x100xi32>
    %convert_element_type3A_734 = arith.sitofp %convert_element_type3A_733 : vector<128x100xi32> to vector<128x100xf32>
    %swap3A_735 = arith.index_cast %rem3A_0 : i32 to index
    %swap3A_736 = arith.constant 5760 : index
    %swap3A_737 = arith.constant 0 : index
    %swap3A_738 = vector.load %arg3[%swap3A_735, %swap3A_736, %swap3A_737] : memref<4x16384x100xf32, #tpu.memory_space<vmem>>, vector<1x128x100xf32>
    %swap3A_739 = vector.shape_cast %swap3A_738 : vector<1x128x100xf32> to vector<128x100xf32>
    %swap3A_740 = vector.shape_cast %convert_element_type3A_734 : vector<128x100xf32> to vector<1x128x100xf32>
    tpu.vector_store %arg3[%swap3A_735, %swap3A_736, %swap3A_737], %swap3A_740 {strides = array<i32>} : memref<4x16384x100xf32, #tpu.memory_space<vmem>>, vector<1x128x100xf32>,
    %eq3A_741 = arith.constant 46 : i32
    %eq3A_742 = vector.broadcast %eq3A_741 : i32 to vector<128x100xi32>
    %eq3A_743 = arith.cmpi eq, %iota3A_4, %eq3A_742 : vector<128x100xi32>
    %convert_element_type3A_744 = arith.extui %eq3A_743 : vector<128x100xi1> to vector<128x100xi32>
    %convert_element_type3A_745 = arith.sitofp %convert_element_type3A_744 : vector<128x100xi32> to vector<128x100xf32>
    %dot_general3A_746 = arith.constant dense<0.000000e+00> : vector<128x100xf32>
    %dot_general3A_747 = tpu.matmul %convert_element_type3A, %convert_element_type3A_745, %dot_general3A_746 {dimension_numbers = #tpu.dot_dimension_numbers<[0], [0], [1], [1], [0, 1, 1, 1], [], []>, transpose_lhs_hint = false} : vector<128x128xf32>, vector<128x100xf32>, vector<128x100xf32> -> vector<128x100xf32>
    %eq3A_748 = arith.cmpf oeq, %dot_general3A_747, %convert_element_type3A_3 : vector<128x100xf32>
    %convert_element_type3A_749 = arith.extui %eq3A_748 : vector<128x100xi1> to vector<128x100xi32>
    %convert_element_type3A_750 = arith.sitofp %convert_element_type3A_749 : vector<128x100xi32> to vector<128x100xf32>
    %swap3A_751 = arith.index_cast %rem3A_0 : i32 to index
    %swap3A_752 = arith.constant 5888 : index
    %swap3A_753 = arith.constant 0 : index
    %swap3A_754 = vector.load %arg3[%swap3A_751, %swap3A_752, %swap3A_753] : memref<4x16384x100xf32, #tpu.memory_space<vmem>>, vector<1x128x100xf32>
    %swap3A_755 = vector.shape_cast %swap3A_754 : vector<1x128x100xf32> to vector<128x100xf32>
    %swap3A_756 = vector.shape_cast %convert_element_type3A_750 : vector<128x100xf32> to vector<1x128x100xf32>
    tpu.vector_store %arg3[%swap3A_751, %swap3A_752, %swap3A_753], %swap3A_756 {strides = array<i32>} : memref<4x16384x100xf32, #tpu.memory_space<vmem>>, vector<1x128x100xf32>,
    %eq3A_757 = arith.constant 47 : i32
    %eq3A_758 = vector.broadcast %eq3A_757 : i32 to vector<128x100xi32>
    %eq3A_759 = arith.cmpi eq, %iota3A_4, %eq3A_758 : vector<128x100xi32>
    %convert_element_type3A_760 = arith.extui %eq3A_759 : vector<128x100xi1> to vector<128x100xi32>
    %convert_element_type3A_761 = arith.sitofp %convert_element_type3A_760 : vector<128x100xi32> to vector<128x100xf32>
    %dot_general3A_762 = arith.constant dense<0.000000e+00> : vector<128x100xf32>
    %dot_general3A_763 = tpu.matmul %convert_element_type3A, %convert_element_type3A_761, %dot_general3A_762 {dimension_numbers = #tpu.dot_dimension_numbers<[0], [0], [1], [1], [0, 1, 1, 1], [], []>, transpose_lhs_hint = false} : vector<128x128xf32>, vector<128x100xf32>, vector<128x100xf32> -> vector<128x100xf32>
    %eq3A_764 = arith.cmpf oeq, %dot_general3A_763, %convert_element_type3A_3 : vector<128x100xf32>
    %convert_element_type3A_765 = arith.extui %eq3A_764 : vector<128x100xi1> to vector<128x100xi32>
    %convert_element_type3A_766 = arith.sitofp %convert_element_type3A_765 : vector<128x100xi32> to vector<128x100xf32>
    %swap3A_767 = arith.index_cast %rem3A_0 : i32 to index
    %swap3A_768 = arith.constant 6016 : index
    %swap3A_769 = arith.constant 0 : index
    %swap3A_770 = vector.load %arg3[%swap3A_767, %swap3A_768, %swap3A_769] : memref<4x16384x100xf32, #tpu.memory_space<vmem>>, vector<1x128x100xf32>
    %swap3A_771 = vector.shape_cast %swap3A_770 : vector<1x128x100xf32> to vector<128x100xf32>
    %swap3A_772 = vector.shape_cast %convert_element_type3A_766 : vector<128x100xf32> to vector<1x128x100xf32>
    tpu.vector_store %arg3[%swap3A_767, %swap3A_768, %swap3A_769], %swap3A_772 {strides = array<i32>} : memref<4x16384x100xf32, #tpu.memory_space<vmem>>, vector<1x128x100xf32>,
    %eq3A_773 = arith.constant 48 : i32
    %eq3A_774 = vector.broadcast %eq3A_773 : i32 to vector<128x100xi32>
    %eq3A_775 = arith.cmpi eq, %iota3A_4, %eq3A_774 : vector<128x100xi32>
    %convert_element_type3A_776 = arith.extui %eq3A_775 : vector<128x100xi1> to vector<128x100xi32>
    %convert_element_type3A_777 = arith.sitofp %convert_element_type3A_776 : vector<128x100xi32> to vector<128x100xf32>
    %dot_general3A_778 = arith.constant dense<0.000000e+00> : vector<128x100xf32>
    %dot_general3A_779 = tpu.matmul %convert_element_type3A, %convert_element_type3A_777, %dot_general3A_778 {dimension_numbers = #tpu.dot_dimension_numbers<[0], [0], [1], [1], [0, 1, 1, 1], [], []>, transpose_lhs_hint = false} : vector<128x128xf32>, vector<128x100xf32>, vector<128x100xf32> -> vector<128x100xf32>
    %eq3A_780 = arith.cmpf oeq, %dot_general3A_779, %convert_element_type3A_3 : vector<128x100xf32>
    %convert_element_type3A_781 = arith.extui %eq3A_780 : vector<128x100xi1> to vector<128x100xi32>
    %convert_element_type3A_782 = arith.sitofp %convert_element_type3A_781 : vector<128x100xi32> to vector<128x100xf32>
    %swap3A_783 = arith.index_cast %rem3A_0 : i32 to index
    %swap3A_784 = arith.constant 6144 : index
    %swap3A_785 = arith.constant 0 : index
    %swap3A_786 = vector.load %arg3[%swap3A_783, %swap3A_784, %swap3A_785] : memref<4x16384x100xf32, #tpu.memory_space<vmem>>, vector<1x128x100xf32>
    %swap3A_787 = vector.shape_cast %swap3A_786 : vector<1x128x100xf32> to vector<128x100xf32>
    %swap3A_788 = vector.shape_cast %convert_element_type3A_782 : vector<128x100xf32> to vector<1x128x100xf32>
    tpu.vector_store %arg3[%swap3A_783, %swap3A_784, %swap3A_785], %swap3A_788 {strides = array<i32>} : memref<4x16384x100xf32, #tpu.memory_space<vmem>>, vector<1x128x100xf32>,
    %eq3A_789 = arith.constant 49 : i32
    %eq3A_790 = vector.broadcast %eq3A_789 : i32 to vector<128x100xi32>
    %eq3A_791 = arith.cmpi eq, %iota3A_4, %eq3A_790 : vector<128x100xi32>
    %convert_element_type3A_792 = arith.extui %eq3A_791 : vector<128x100xi1> to vector<128x100xi32>
    %convert_element_type3A_793 = arith.sitofp %convert_element_type3A_792 : vector<128x100xi32> to vector<128x100xf32>
    %dot_general3A_794 = arith.constant dense<0.000000e+00> : vector<128x100xf32>
    %dot_general3A_795 = tpu.matmul %convert_element_type3A, %convert_element_type3A_793, %dot_general3A_794 {dimension_numbers = #tpu.dot_dimension_numbers<[0], [0], [1], [1], [0, 1, 1, 1], [], []>, transpose_lhs_hint = false} : vector<128x128xf32>, vector<128x100xf32>, vector<128x100xf32> -> vector<128x100xf32>
    %eq3A_796 = arith.cmpf oeq, %dot_general3A_795, %convert_element_type3A_3 : vector<128x100xf32>
    %convert_element_type3A_797 = arith.extui %eq3A_796 : vector<128x100xi1> to vector<128x100xi32>
    %convert_element_type3A_798 = arith.sitofp %convert_element_type3A_797 : vector<128x100xi32> to vector<128x100xf32>
    %swap3A_799 = arith.index_cast %rem3A_0 : i32 to index
    %swap3A_800 = arith.constant 6272 : index
    %swap3A_801 = arith.constant 0 : index
    %swap3A_802 = vector.load %arg3[%swap3A_799, %swap3A_800, %swap3A_801] : memref<4x16384x100xf32, #tpu.memory_space<vmem>>, vector<1x128x100xf32>
    %swap3A_803 = vector.shape_cast %swap3A_802 : vector<1x128x100xf32> to vector<128x100xf32>
    %swap3A_804 = vector.shape_cast %convert_element_type3A_798 : vector<128x100xf32> to vector<1x128x100xf32>
    tpu.vector_store %arg3[%swap3A_799, %swap3A_800, %swap3A_801], %swap3A_804 {strides = array<i32>} : memref<4x16384x100xf32, #tpu.memory_space<vmem>>, vector<1x128x100xf32>,
    %eq3A_805 = arith.constant 50 : i32
    %eq3A_806 = vector.broadcast %eq3A_805 : i32 to vector<128x100xi32>
    %eq3A_807 = arith.cmpi eq, %iota3A_4, %eq3A_806 : vector<128x100xi32>
    %convert_element_type3A_808 = arith.extui %eq3A_807 : vector<128x100xi1> to vector<128x100xi32>
    %convert_element_type3A_809 = arith.sitofp %convert_element_type3A_808 : vector<128x100xi32> to vector<128x100xf32>
    %dot_general3A_810 = arith.constant dense<0.000000e+00> : vector<128x100xf32>
    %dot_general3A_811 = tpu.matmul %convert_element_type3A, %convert_element_type3A_809, %dot_general3A_810 {dimension_numbers = #tpu.dot_dimension_numbers<[0], [0], [1], [1], [0, 1, 1, 1], [], []>, transpose_lhs_hint = false} : vector<128x128xf32>, vector<128x100xf32>, vector<128x100xf32> -> vector<128x100xf32>
    %eq3A_812 = arith.cmpf oeq, %dot_general3A_811, %convert_element_type3A_3 : vector<128x100xf32>
    %convert_element_type3A_813 = arith.extui %eq3A_812 : vector<128x100xi1> to vector<128x100xi32>
    %convert_element_type3A_814 = arith.sitofp %convert_element_type3A_813 : vector<128x100xi32> to vector<128x100xf32>
    %swap3A_815 = arith.index_cast %rem3A_0 : i32 to index
    %swap3A_816 = arith.constant 6400 : index
    %swap3A_817 = arith.constant 0 : index
    %swap3A_818 = vector.load %arg3[%swap3A_815, %swap3A_816, %swap3A_817] : memref<4x16384x100xf32, #tpu.memory_space<vmem>>, vector<1x128x100xf32>
    %swap3A_819 = vector.shape_cast %swap3A_818 : vector<1x128x100xf32> to vector<128x100xf32>
    %swap3A_820 = vector.shape_cast %convert_element_type3A_814 : vector<128x100xf32> to vector<1x128x100xf32>
    tpu.vector_store %arg3[%swap3A_815, %swap3A_816, %swap3A_817], %swap3A_820 {strides = array<i32>} : memref<4x16384x100xf32, #tpu.memory_space<vmem>>, vector<1x128x100xf32>,
    %eq3A_821 = arith.constant 51 : i32
    %eq3A_822 = vector.broadcast %eq3A_821 : i32 to vector<128x100xi32>
    %eq3A_823 = arith.cmpi eq, %iota3A_4, %eq3A_822 : vector<128x100xi32>
    %convert_element_type3A_824 = arith.extui %eq3A_823 : vector<128x100xi1> to vector<128x100xi32>
    %convert_element_type3A_825 = arith.sitofp %convert_element_type3A_824 : vector<128x100xi32> to vector<128x100xf32>
    %dot_general3A_826 = arith.constant dense<0.000000e+00> : vector<128x100xf32>
    %dot_general3A_827 = tpu.matmul %convert_element_type3A, %convert_element_type3A_825, %dot_general3A_826 {dimension_numbers = #tpu.dot_dimension_numbers<[0], [0], [1], [1], [0, 1, 1, 1], [], []>, transpose_lhs_hint = false} : vector<128x128xf32>, vector<128x100xf32>, vector<128x100xf32> -> vector<128x100xf32>
    %eq3A_828 = arith.cmpf oeq, %dot_general3A_827, %convert_element_type3A_3 : vector<128x100xf32>
    %convert_element_type3A_829 = arith.extui %eq3A_828 : vector<128x100xi1> to vector<128x100xi32>
    %convert_element_type3A_830 = arith.sitofp %convert_element_type3A_829 : vector<128x100xi32> to vector<128x100xf32>
    %swap3A_831 = arith.index_cast %rem3A_0 : i32 to index
    %swap3A_832 = arith.constant 6528 : index
    %swap3A_833 = arith.constant 0 : index
    %swap3A_834 = vector.load %arg3[%swap3A_831, %swap3A_832, %swap3A_833] : memref<4x16384x100xf32, #tpu.memory_space<vmem>>, vector<1x128x100xf32>
    %swap3A_835 = vector.shape_cast %swap3A_834 : vector<1x128x100xf32> to vector<128x100xf32>
    %swap3A_836 = vector.shape_cast %convert_element_type3A_830 : vector<128x100xf32> to vector<1x128x100xf32>
    tpu.vector_store %arg3[%swap3A_831, %swap3A_832, %swap3A_833], %swap3A_836 {strides = array<i32>} : memref<4x16384x100xf32, #tpu.memory_space<vmem>>, vector<1x128x100xf32>,
    %eq3A_837 = arith.constant 52 : i32
    %eq3A_838 = vector.broadcast %eq3A_837 : i32 to vector<128x100xi32>
    %eq3A_839 = arith.cmpi eq, %iota3A_4, %eq3A_838 : vector<128x100xi32>
    %convert_element_type3A_840 = arith.extui %eq3A_839 : vector<128x100xi1> to vector<128x100xi32>
    %convert_element_type3A_841 = arith.sitofp %convert_element_type3A_840 : vector<128x100xi32> to vector<128x100xf32>
    %dot_general3A_842 = arith.constant dense<0.000000e+00> : vector<128x100xf32>
    %dot_general3A_843 = tpu.matmul %convert_element_type3A, %convert_element_type3A_841, %dot_general3A_842 {dimension_numbers = #tpu.dot_dimension_numbers<[0], [0], [1], [1], [0, 1, 1, 1], [], []>, transpose_lhs_hint = false} : vector<128x128xf32>, vector<128x100xf32>, vector<128x100xf32> -> vector<128x100xf32>
    %eq3A_844 = arith.cmpf oeq, %dot_general3A_843, %convert_element_type3A_3 : vector<128x100xf32>
    %convert_element_type3A_845 = arith.extui %eq3A_844 : vector<128x100xi1> to vector<128x100xi32>
    %convert_element_type3A_846 = arith.sitofp %convert_element_type3A_845 : vector<128x100xi32> to vector<128x100xf32>
    %swap3A_847 = arith.index_cast %rem3A_0 : i32 to index
    %swap3A_848 = arith.constant 6656 : index
    %swap3A_849 = arith.constant 0 : index
    %swap3A_850 = vector.load %arg3[%swap3A_847, %swap3A_848, %swap3A_849] : memref<4x16384x100xf32, #tpu.memory_space<vmem>>, vector<1x128x100xf32>
    %swap3A_851 = vector.shape_cast %swap3A_850 : vector<1x128x100xf32> to vector<128x100xf32>
    %swap3A_852 = vector.shape_cast %convert_element_type3A_846 : vector<128x100xf32> to vector<1x128x100xf32>
    tpu.vector_store %arg3[%swap3A_847, %swap3A_848, %swap3A_849], %swap3A_852 {strides = array<i32>} : memref<4x16384x100xf32, #tpu.memory_space<vmem>>, vector<1x128x100xf32>,
    %eq3A_853 = arith.constant 53 : i32
    %eq3A_854 = vector.broadcast %eq3A_853 : i32 to vector<128x100xi32>
    %eq3A_855 = arith.cmpi eq, %iota3A_4, %eq3A_854 : vector<128x100xi32>
    %convert_element_type3A_856 = arith.extui %eq3A_855 : vector<128x100xi1> to vector<128x100xi32>
    %convert_element_type3A_857 = arith.sitofp %convert_element_type3A_856 : vector<128x100xi32> to vector<128x100xf32>
    %dot_general3A_858 = arith.constant dense<0.000000e+00> : vector<128x100xf32>
    %dot_general3A_859 = tpu.matmul %convert_element_type3A, %convert_element_type3A_857, %dot_general3A_858 {dimension_numbers = #tpu.dot_dimension_numbers<[0], [0], [1], [1], [0, 1, 1, 1], [], []>, transpose_lhs_hint = false} : vector<128x128xf32>, vector<128x100xf32>, vector<128x100xf32> -> vector<128x100xf32>
    %eq3A_860 = arith.cmpf oeq, %dot_general3A_859, %convert_element_type3A_3 : vector<128x100xf32>
    %convert_element_type3A_861 = arith.extui %eq3A_860 : vector<128x100xi1> to vector<128x100xi32>
    %convert_element_type3A_862 = arith.sitofp %convert_element_type3A_861 : vector<128x100xi32> to vector<128x100xf32>
    %swap3A_863 = arith.index_cast %rem3A_0 : i32 to index
    %swap3A_864 = arith.constant 6784 : index
    %swap3A_865 = arith.constant 0 : index
    %swap3A_866 = vector.load %arg3[%swap3A_863, %swap3A_864, %swap3A_865] : memref<4x16384x100xf32, #tpu.memory_space<vmem>>, vector<1x128x100xf32>
    %swap3A_867 = vector.shape_cast %swap3A_866 : vector<1x128x100xf32> to vector<128x100xf32>
    %swap3A_868 = vector.shape_cast %convert_element_type3A_862 : vector<128x100xf32> to vector<1x128x100xf32>
    tpu.vector_store %arg3[%swap3A_863, %swap3A_864, %swap3A_865], %swap3A_868 {strides = array<i32>} : memref<4x16384x100xf32, #tpu.memory_space<vmem>>, vector<1x128x100xf32>,
    %eq3A_869 = arith.constant 54 : i32
    %eq3A_870 = vector.broadcast %eq3A_869 : i32 to vector<128x100xi32>
    %eq3A_871 = arith.cmpi eq, %iota3A_4, %eq3A_870 : vector<128x100xi32>
    %convert_element_type3A_872 = arith.extui %eq3A_871 : vector<128x100xi1> to vector<128x100xi32>
    %convert_element_type3A_873 = arith.sitofp %convert_element_type3A_872 : vector<128x100xi32> to vector<128x100xf32>
    %dot_general3A_874 = arith.constant dense<0.000000e+00> : vector<128x100xf32>
    %dot_general3A_875 = tpu.matmul %convert_element_type3A, %convert_element_type3A_873, %dot_general3A_874 {dimension_numbers = #tpu.dot_dimension_numbers<[0], [0], [1], [1], [0, 1, 1, 1], [], []>, transpose_lhs_hint = false} : vector<128x128xf32>, vector<128x100xf32>, vector<128x100xf32> -> vector<128x100xf32>
    %eq3A_876 = arith.cmpf oeq, %dot_general3A_875, %convert_element_type3A_3 : vector<128x100xf32>
    %convert_element_type3A_877 = arith.extui %eq3A_876 : vector<128x100xi1> to vector<128x100xi32>
    %convert_element_type3A_878 = arith.sitofp %convert_element_type3A_877 : vector<128x100xi32> to vector<128x100xf32>
    %swap3A_879 = arith.index_cast %rem3A_0 : i32 to index
    %swap3A_880 = arith.constant 6912 : index
    %swap3A_881 = arith.constant 0 : index
    %swap3A_882 = vector.load %arg3[%swap3A_879, %swap3A_880, %swap3A_881] : memref<4x16384x100xf32, #tpu.memory_space<vmem>>, vector<1x128x100xf32>
    %swap3A_883 = vector.shape_cast %swap3A_882 : vector<1x128x100xf32> to vector<128x100xf32>
    %swap3A_884 = vector.shape_cast %convert_element_type3A_878 : vector<128x100xf32> to vector<1x128x100xf32>
    tpu.vector_store %arg3[%swap3A_879, %swap3A_880, %swap3A_881], %swap3A_884 {strides = array<i32>} : memref<4x16384x100xf32, #tpu.memory_space<vmem>>, vector<1x128x100xf32>,
    %eq3A_885 = arith.constant 55 : i32
    %eq3A_886 = vector.broadcast %eq3A_885 : i32 to vector<128x100xi32>
    %eq3A_887 = arith.cmpi eq, %iota3A_4, %eq3A_886 : vector<128x100xi32>
    %convert_element_type3A_888 = arith.extui %eq3A_887 : vector<128x100xi1> to vector<128x100xi32>
    %convert_element_type3A_889 = arith.sitofp %convert_element_type3A_888 : vector<128x100xi32> to vector<128x100xf32>
    %dot_general3A_890 = arith.constant dense<0.000000e+00> : vector<128x100xf32>
    %dot_general3A_891 = tpu.matmul %convert_element_type3A, %convert_element_type3A_889, %dot_general3A_890 {dimension_numbers = #tpu.dot_dimension_numbers<[0], [0], [1], [1], [0, 1, 1, 1], [], []>, transpose_lhs_hint = false} : vector<128x128xf32>, vector<128x100xf32>, vector<128x100xf32> -> vector<128x100xf32>
    %eq3A_892 = arith.cmpf oeq, %dot_general3A_891, %convert_element_type3A_3 : vector<128x100xf32>
    %convert_element_type3A_893 = arith.extui %eq3A_892 : vector<128x100xi1> to vector<128x100xi32>
    %convert_element_type3A_894 = arith.sitofp %convert_element_type3A_893 : vector<128x100xi32> to vector<128x100xf32>
    %swap3A_895 = arith.index_cast %rem3A_0 : i32 to index
    %swap3A_896 = arith.constant 7040 : index
    %swap3A_897 = arith.constant 0 : index
    %swap3A_898 = vector.load %arg3[%swap3A_895, %swap3A_896, %swap3A_897] : memref<4x16384x100xf32, #tpu.memory_space<vmem>>, vector<1x128x100xf32>
    %swap3A_899 = vector.shape_cast %swap3A_898 : vector<1x128x100xf32> to vector<128x100xf32>
    %swap3A_900 = vector.shape_cast %convert_element_type3A_894 : vector<128x100xf32> to vector<1x128x100xf32>
    tpu.vector_store %arg3[%swap3A_895, %swap3A_896, %swap3A_897], %swap3A_900 {strides = array<i32>} : memref<4x16384x100xf32, #tpu.memory_space<vmem>>, vector<1x128x100xf32>,
    %eq3A_901 = arith.constant 56 : i32
    %eq3A_902 = vector.broadcast %eq3A_901 : i32 to vector<128x100xi32>
    %eq3A_903 = arith.cmpi eq, %iota3A_4, %eq3A_902 : vector<128x100xi32>
    %convert_element_type3A_904 = arith.extui %eq3A_903 : vector<128x100xi1> to vector<128x100xi32>
    %convert_element_type3A_905 = arith.sitofp %convert_element_type3A_904 : vector<128x100xi32> to vector<128x100xf32>
    %dot_general3A_906 = arith.constant dense<0.000000e+00> : vector<128x100xf32>
    %dot_general3A_907 = tpu.matmul %convert_element_type3A, %convert_element_type3A_905, %dot_general3A_906 {dimension_numbers = #tpu.dot_dimension_numbers<[0], [0], [1], [1], [0, 1, 1, 1], [], []>, transpose_lhs_hint = false} : vector<128x128xf32>, vector<128x100xf32>, vector<128x100xf32> -> vector<128x100xf32>
    %eq3A_908 = arith.cmpf oeq, %dot_general3A_907, %convert_element_type3A_3 : vector<128x100xf32>
    %convert_element_type3A_909 = arith.extui %eq3A_908 : vector<128x100xi1> to vector<128x100xi32>
    %convert_element_type3A_910 = arith.sitofp %convert_element_type3A_909 : vector<128x100xi32> to vector<128x100xf32>
    %swap3A_911 = arith.index_cast %rem3A_0 : i32 to index
    %swap3A_912 = arith.constant 7168 : index
    %swap3A_913 = arith.constant 0 : index
    %swap3A_914 = vector.load %arg3[%swap3A_911, %swap3A_912, %swap3A_913] : memref<4x16384x100xf32, #tpu.memory_space<vmem>>, vector<1x128x100xf32>
    %swap3A_915 = vector.shape_cast %swap3A_914 : vector<1x128x100xf32> to vector<128x100xf32>
    %swap3A_916 = vector.shape_cast %convert_element_type3A_910 : vector<128x100xf32> to vector<1x128x100xf32>
    tpu.vector_store %arg3[%swap3A_911, %swap3A_912, %swap3A_913], %swap3A_916 {strides = array<i32>} : memref<4x16384x100xf32, #tpu.memory_space<vmem>>, vector<1x128x100xf32>,
    %eq3A_917 = arith.constant 57 : i32
    %eq3A_918 = vector.broadcast %eq3A_917 : i32 to vector<128x100xi32>
    %eq3A_919 = arith.cmpi eq, %iota3A_4, %eq3A_918 : vector<128x100xi32>
    %convert_element_type3A_920 = arith.extui %eq3A_919 : vector<128x100xi1> to vector<128x100xi32>
    %convert_element_type3A_921 = arith.sitofp %convert_element_type3A_920 : vector<128x100xi32> to vector<128x100xf32>
    %dot_general3A_922 = arith.constant dense<0.000000e+00> : vector<128x100xf32>
    %dot_general3A_923 = tpu.matmul %convert_element_type3A, %convert_element_type3A_921, %dot_general3A_922 {dimension_numbers = #tpu.dot_dimension_numbers<[0], [0], [1], [1], [0, 1, 1, 1], [], []>, transpose_lhs_hint = false} : vector<128x128xf32>, vector<128x100xf32>, vector<128x100xf32> -> vector<128x100xf32>
    %eq3A_924 = arith.cmpf oeq, %dot_general3A_923, %convert_element_type3A_3 : vector<128x100xf32>
    %convert_element_type3A_925 = arith.extui %eq3A_924 : vector<128x100xi1> to vector<128x100xi32>
    %convert_element_type3A_926 = arith.sitofp %convert_element_type3A_925 : vector<128x100xi32> to vector<128x100xf32>
    %swap3A_927 = arith.index_cast %rem3A_0 : i32 to index
    %swap3A_928 = arith.constant 7296 : index
    %swap3A_929 = arith.constant 0 : index
    %swap3A_930 = vector.load %arg3[%swap3A_927, %swap3A_928, %swap3A_929] : memref<4x16384x100xf32, #tpu.memory_space<vmem>>, vector<1x128x100xf32>
    %swap3A_931 = vector.shape_cast %swap3A_930 : vector<1x128x100xf32> to vector<128x100xf32>
    %swap3A_932 = vector.shape_cast %convert_element_type3A_926 : vector<128x100xf32> to vector<1x128x100xf32>
    tpu.vector_store %arg3[%swap3A_927, %swap3A_928, %swap3A_929], %swap3A_932 {strides = array<i32>} : memref<4x16384x100xf32, #tpu.memory_space<vmem>>, vector<1x128x100xf32>,
    %eq3A_933 = arith.constant 58 : i32
    %eq3A_934 = vector.broadcast %eq3A_933 : i32 to vector<128x100xi32>
    %eq3A_935 = arith.cmpi eq, %iota3A_4, %eq3A_934 : vector<128x100xi32>
    %convert_element_type3A_936 = arith.extui %eq3A_935 : vector<128x100xi1> to vector<128x100xi32>
    %convert_element_type3A_937 = arith.sitofp %convert_element_type3A_936 : vector<128x100xi32> to vector<128x100xf32>
    %dot_general3A_938 = arith.constant dense<0.000000e+00> : vector<128x100xf32>
    %dot_general3A_939 = tpu.matmul %convert_element_type3A, %convert_element_type3A_937, %dot_general3A_938 {dimension_numbers = #tpu.dot_dimension_numbers<[0], [0], [1], [1], [0, 1, 1, 1], [], []>, transpose_lhs_hint = false} : vector<128x128xf32>, vector<128x100xf32>, vector<128x100xf32> -> vector<128x100xf32>
    %eq3A_940 = arith.cmpf oeq, %dot_general3A_939, %convert_element_type3A_3 : vector<128x100xf32>
    %convert_element_type3A_941 = arith.extui %eq3A_940 : vector<128x100xi1> to vector<128x100xi32>
    %convert_element_type3A_942 = arith.sitofp %convert_element_type3A_941 : vector<128x100xi32> to vector<128x100xf32>
    %swap3A_943 = arith.index_cast %rem3A_0 : i32 to index
    %swap3A_944 = arith.constant 7424 : index
    %swap3A_945 = arith.constant 0 : index
    %swap3A_946 = vector.load %arg3[%swap3A_943, %swap3A_944, %swap3A_945] : memref<4x16384x100xf32, #tpu.memory_space<vmem>>, vector<1x128x100xf32>
    %swap3A_947 = vector.shape_cast %swap3A_946 : vector<1x128x100xf32> to vector<128x100xf32>
    %swap3A_948 = vector.shape_cast %convert_element_type3A_942 : vector<128x100xf32> to vector<1x128x100xf32>
    tpu.vector_store %arg3[%swap3A_943, %swap3A_944, %swap3A_945], %swap3A_948 {strides = array<i32>} : memref<4x16384x100xf32, #tpu.memory_space<vmem>>, vector<1x128x100xf32>,
    %eq3A_949 = arith.constant 59 : i32
    %eq3A_950 = vector.broadcast %eq3A_949 : i32 to vector<128x100xi32>
    %eq3A_951 = arith.cmpi eq, %iota3A_4, %eq3A_950 : vector<128x100xi32>
    %convert_element_type3A_952 = arith.extui %eq3A_951 : vector<128x100xi1> to vector<128x100xi32>
    %convert_element_type3A_953 = arith.sitofp %convert_element_type3A_952 : vector<128x100xi32> to vector<128x100xf32>
    %dot_general3A_954 = arith.constant dense<0.000000e+00> : vector<128x100xf32>
    %dot_general3A_955 = tpu.matmul %convert_element_type3A, %convert_element_type3A_953, %dot_general3A_954 {dimension_numbers = #tpu.dot_dimension_numbers<[0], [0], [1], [1], [0, 1, 1, 1], [], []>, transpose_lhs_hint = false} : vector<128x128xf32>, vector<128x100xf32>, vector<128x100xf32> -> vector<128x100xf32>
    %eq3A_956 = arith.cmpf oeq, %dot_general3A_955, %convert_element_type3A_3 : vector<128x100xf32>
    %convert_element_type3A_957 = arith.extui %eq3A_956 : vector<128x100xi1> to vector<128x100xi32>
    %convert_element_type3A_958 = arith.sitofp %convert_element_type3A_957 : vector<128x100xi32> to vector<128x100xf32>
    %swap3A_959 = arith.index_cast %rem3A_0 : i32 to index
    %swap3A_960 = arith.constant 7552 : index
    %swap3A_961 = arith.constant 0 : index
    %swap3A_962 = vector.load %arg3[%swap3A_959, %swap3A_960, %swap3A_961] : memref<4x16384x100xf32, #tpu.memory_space<vmem>>, vector<1x128x100xf32>
    %swap3A_963 = vector.shape_cast %swap3A_962 : vector<1x128x100xf32> to vector<128x100xf32>
    %swap3A_964 = vector.shape_cast %convert_element_type3A_958 : vector<128x100xf32> to vector<1x128x100xf32>
    tpu.vector_store %arg3[%swap3A_959, %swap3A_960, %swap3A_961], %swap3A_964 {strides = array<i32>} : memref<4x16384x100xf32, #tpu.memory_space<vmem>>, vector<1x128x100xf32>,
    %eq3A_965 = arith.constant 60 : i32
    %eq3A_966 = vector.broadcast %eq3A_965 : i32 to vector<128x100xi32>
    %eq3A_967 = arith.cmpi eq, %iota3A_4, %eq3A_966 : vector<128x100xi32>
    %convert_element_type3A_968 = arith.extui %eq3A_967 : vector<128x100xi1> to vector<128x100xi32>
    %convert_element_type3A_969 = arith.sitofp %convert_element_type3A_968 : vector<128x100xi32> to vector<128x100xf32>
    %dot_general3A_970 = arith.constant dense<0.000000e+00> : vector<128x100xf32>
    %dot_general3A_971 = tpu.matmul %convert_element_type3A, %convert_element_type3A_969, %dot_general3A_970 {dimension_numbers = #tpu.dot_dimension_numbers<[0], [0], [1], [1], [0, 1, 1, 1], [], []>, transpose_lhs_hint = false} : vector<128x128xf32>, vector<128x100xf32>, vector<128x100xf32> -> vector<128x100xf32>
    %eq3A_972 = arith.cmpf oeq, %dot_general3A_971, %convert_element_type3A_3 : vector<128x100xf32>
    %convert_element_type3A_973 = arith.extui %eq3A_972 : vector<128x100xi1> to vector<128x100xi32>
    %convert_element_type3A_974 = arith.sitofp %convert_element_type3A_973 : vector<128x100xi32> to vector<128x100xf32>
    %swap3A_975 = arith.index_cast %rem3A_0 : i32 to index
    %swap3A_976 = arith.constant 7680 : index
    %swap3A_977 = arith.constant 0 : index
    %swap3A_978 = vector.load %arg3[%swap3A_975, %swap3A_976, %swap3A_977] : memref<4x16384x100xf32, #tpu.memory_space<vmem>>, vector<1x128x100xf32>
    %swap3A_979 = vector.shape_cast %swap3A_978 : vector<1x128x100xf32> to vector<128x100xf32>
    %swap3A_980 = vector.shape_cast %convert_element_type3A_974 : vector<128x100xf32> to vector<1x128x100xf32>
    tpu.vector_store %arg3[%swap3A_975, %swap3A_976, %swap3A_977], %swap3A_980 {strides = array<i32>} : memref<4x16384x100xf32, #tpu.memory_space<vmem>>, vector<1x128x100xf32>,
    %eq3A_981 = arith.constant 61 : i32
    %eq3A_982 = vector.broadcast %eq3A_981 : i32 to vector<128x100xi32>
    %eq3A_983 = arith.cmpi eq, %iota3A_4, %eq3A_982 : vector<128x100xi32>
    %convert_element_type3A_984 = arith.extui %eq3A_983 : vector<128x100xi1> to vector<128x100xi32>
    %convert_element_type3A_985 = arith.sitofp %convert_element_type3A_984 : vector<128x100xi32> to vector<128x100xf32>
    %dot_general3A_986 = arith.constant dense<0.000000e+00> : vector<128x100xf32>
    %dot_general3A_987 = tpu.matmul %convert_element_type3A, %convert_element_type3A_985, %dot_general3A_986 {dimension_numbers = #tpu.dot_dimension_numbers<[0], [0], [1], [1], [0, 1, 1, 1], [], []>, transpose_lhs_hint = false} : vector<128x128xf32>, vector<128x100xf32>, vector<128x100xf32> -> vector<128x100xf32>
    %eq3A_988 = arith.cmpf oeq, %dot_general3A_987, %convert_element_type3A_3 : vector<128x100xf32>
    %convert_element_type3A_989 = arith.extui %eq3A_988 : vector<128x100xi1> to vector<128x100xi32>
    %convert_element_type3A_990 = arith.sitofp %convert_element_type3A_989 : vector<128x100xi32> to vector<128x100xf32>
    %swap3A_991 = arith.index_cast %rem3A_0 : i32 to index
    %swap3A_992 = arith.constant 7808 : index
    %swap3A_993 = arith.constant 0 : index
    %swap3A_994 = vector.load %arg3[%swap3A_991, %swap3A_992, %swap3A_993] : memref<4x16384x100xf32, #tpu.memory_space<vmem>>, vector<1x128x100xf32>
    %swap3A_995 = vector.shape_cast %swap3A_994 : vector<1x128x100xf32> to vector<128x100xf32>
    %swap3A_996 = vector.shape_cast %convert_element_type3A_990 : vector<128x100xf32> to vector<1x128x100xf32>
    tpu.vector_store %arg3[%swap3A_991, %swap3A_992, %swap3A_993], %swap3A_996 {strides = array<i32>} : memref<4x16384x100xf32, #tpu.memory_space<vmem>>, vector<1x128x100xf32>,
    %eq3A_997 = arith.constant 62 : i32
    %eq3A_998 = vector.broadcast %eq3A_997 : i32 to vector<128x100xi32>
    %eq3A_999 = arith.cmpi eq, %iota3A_4, %eq3A_998 : vector<128x100xi32>
    %convert_element_type3A_1000 = arith.extui %eq3A_999 : vector<128x100xi1> to vector<128x100xi32>
    %convert_element_type3A_1001 = arith.sitofp %convert_element_type3A_1000 : vector<128x100xi32> to vector<128x100xf32>
    %dot_general3A_1002 = arith.constant dense<0.000000e+00> : vector<128x100xf32>
    %dot_general3A_1003 = tpu.matmul %convert_element_type3A, %convert_element_type3A_1001, %dot_general3A_1002 {dimension_numbers = #tpu.dot_dimension_numbers<[0], [0], [1], [1], [0, 1, 1, 1], [], []>, transpose_lhs_hint = false} : vector<128x128xf32>, vector<128x100xf32>, vector<128x100xf32> -> vector<128x100xf32>
    %eq3A_1004 = arith.cmpf oeq, %dot_general3A_1003, %convert_element_type3A_3 : vector<128x100xf32>
    %convert_element_type3A_1005 = arith.extui %eq3A_1004 : vector<128x100xi1> to vector<128x100xi32>
    %convert_element_type3A_1006 = arith.sitofp %convert_element_type3A_1005 : vector<128x100xi32> to vector<128x100xf32>
    %swap3A_1007 = arith.index_cast %rem3A_0 : i32 to index
    %swap3A_1008 = arith.constant 7936 : index
    %swap3A_1009 = arith.constant 0 : index
    %swap3A_1010 = vector.load %arg3[%swap3A_1007, %swap3A_1008, %swap3A_1009] : memref<4x16384x100xf32, #tpu.memory_space<vmem>>, vector<1x128x100xf32>
    %swap3A_1011 = vector.shape_cast %swap3A_1010 : vector<1x128x100xf32> to vector<128x100xf32>
    %swap3A_1012 = vector.shape_cast %convert_element_type3A_1006 : vector<128x100xf32> to vector<1x128x100xf32>
    tpu.vector_store %arg3[%swap3A_1007, %swap3A_1008, %swap3A_1009], %swap3A_1012 {strides = array<i32>} : memref<4x16384x100xf32, #tpu.memory_space<vmem>>, vector<1x128x100xf32>,
    %eq3A_1013 = arith.constant 63 : i32
    %eq3A_1014 = vector.broadcast %eq3A_1013 : i32 to vector<128x100xi32>
    %eq3A_1015 = arith.cmpi eq, %iota3A_4, %eq3A_1014 : vector<128x100xi32>
    %convert_element_type3A_1016 = arith.extui %eq3A_1015 : vector<128x100xi1> to vector<128x100xi32>
    %convert_element_type3A_1017 = arith.sitofp %convert_element_type3A_1016 : vector<128x100xi32> to vector<128x100xf32>
    %dot_general3A_1018 = arith.constant dense<0.000000e+00> : vector<128x100xf32>
    %dot_general3A_1019 = tpu.matmul %convert_element_type3A, %convert_element_type3A_1017, %dot_general3A_1018 {dimension_numbers = #tpu.dot_dimension_numbers<[0], [0], [1], [1], [0, 1, 1, 1], [], []>, transpose_lhs_hint = false} : vector<128x128xf32>, vector<128x100xf32>, vector<128x100xf32> -> vector<128x100xf32>
    %eq3A_1020 = arith.cmpf oeq, %dot_general3A_1019, %convert_element_type3A_3 : vector<128x100xf32>
    %convert_element_type3A_1021 = arith.extui %eq3A_1020 : vector<128x100xi1> to vector<128x100xi32>
    %convert_element_type3A_1022 = arith.sitofp %convert_element_type3A_1021 : vector<128x100xi32> to vector<128x100xf32>
    %swap3A_1023 = arith.index_cast %rem3A_0 : i32 to index
    %swap3A_1024 = arith.constant 8064 : index
    %swap3A_1025 = arith.constant 0 : index
    %swap3A_1026 = vector.load %arg3[%swap3A_1023, %swap3A_1024, %swap3A_1025] : memref<4x16384x100xf32, #tpu.memory_space<vmem>>, vector<1x128x100xf32>
    %swap3A_1027 = vector.shape_cast %swap3A_1026 : vector<1x128x100xf32> to vector<128x100xf32>
    %swap3A_1028 = vector.shape_cast %convert_element_type3A_1022 : vector<128x100xf32> to vector<1x128x100xf32>
    tpu.vector_store %arg3[%swap3A_1023, %swap3A_1024, %swap3A_1025], %swap3A_1028 {strides = array<i32>} : memref<4x16384x100xf32, #tpu.memory_space<vmem>>, vector<1x128x100xf32>,
    %eq3A_1029 = arith.constant 64 : i32
    %eq3A_1030 = vector.broadcast %eq3A_1029 : i32 to vector<128x100xi32>
    %eq3A_1031 = arith.cmpi eq, %iota3A_4, %eq3A_1030 : vector<128x100xi32>
    %convert_element_type3A_1032 = arith.extui %eq3A_1031 : vector<128x100xi1> to vector<128x100xi32>
    %convert_element_type3A_1033 = arith.sitofp %convert_element_type3A_1032 : vector<128x100xi32> to vector<128x100xf32>
    %dot_general3A_1034 = arith.constant dense<0.000000e+00> : vector<128x100xf32>
    %dot_general3A_1035 = tpu.matmul %convert_element_type3A, %convert_element_type3A_1033, %dot_general3A_1034 {dimension_numbers = #tpu.dot_dimension_numbers<[0], [0], [1], [1], [0, 1, 1, 1], [], []>, transpose_lhs_hint = false} : vector<128x128xf32>, vector<128x100xf32>, vector<128x100xf32> -> vector<128x100xf32>
    %eq3A_1036 = arith.cmpf oeq, %dot_general3A_1035, %convert_element_type3A_3 : vector<128x100xf32>
    %convert_element_type3A_1037 = arith.extui %eq3A_1036 : vector<128x100xi1> to vector<128x100xi32>
    %convert_element_type3A_1038 = arith.sitofp %convert_element_type3A_1037 : vector<128x100xi32> to vector<128x100xf32>
    %swap3A_1039 = arith.index_cast %rem3A_0 : i32 to index
    %swap3A_1040 = arith.constant 8192 : index
    %swap3A_1041 = arith.constant 0 : index
    %swap3A_1042 = vector.load %arg3[%swap3A_1039, %swap3A_1040, %swap3A_1041] : memref<4x16384x100xf32, #tpu.memory_space<vmem>>, vector<1x128x100xf32>
    %swap3A_1043 = vector.shape_cast %swap3A_1042 : vector<1x128x100xf32> to vector<128x100xf32>
    %swap3A_1044 = vector.shape_cast %convert_element_type3A_1038 : vector<128x100xf32> to vector<1x128x100xf32>
    tpu.vector_store %arg3[%swap3A_1039, %swap3A_1040, %swap3A_1041], %swap3A_1044 {strides = array<i32>} : memref<4x16384x100xf32, #tpu.memory_space<vmem>>, vector<1x128x100xf32>,
    %eq3A_1045 = arith.constant 65 : i32
    %eq3A_1046 = vector.broadcast %eq3A_1045 : i32 to vector<128x100xi32>
    %eq3A_1047 = arith.cmpi eq, %iota3A_4, %eq3A_1046 : vector<128x100xi32>
    %convert_element_type3A_1048 = arith.extui %eq3A_1047 : vector<128x100xi1> to vector<128x100xi32>
    %convert_element_type3A_1049 = arith.sitofp %convert_element_type3A_1048 : vector<128x100xi32> to vector<128x100xf32>
    %dot_general3A_1050 = arith.constant dense<0.000000e+00> : vector<128x100xf32>
    %dot_general3A_1051 = tpu.matmul %convert_element_type3A, %convert_element_type3A_1049, %dot_general3A_1050 {dimension_numbers = #tpu.dot_dimension_numbers<[0], [0], [1], [1], [0, 1, 1, 1], [], []>, transpose_lhs_hint = false} : vector<128x128xf32>, vector<128x100xf32>, vector<128x100xf32> -> vector<128x100xf32>
    %eq3A_1052 = arith.cmpf oeq, %dot_general3A_1051, %convert_element_type3A_3 : vector<128x100xf32>
    %convert_element_type3A_1053 = arith.extui %eq3A_1052 : vector<128x100xi1> to vector<128x100xi32>
    %convert_element_type3A_1054 = arith.sitofp %convert_element_type3A_1053 : vector<128x100xi32> to vector<128x100xf32>
    %swap3A_1055 = arith.index_cast %rem3A_0 : i32 to index
    %swap3A_1056 = arith.constant 8320 : index
    %swap3A_1057 = arith.constant 0 : index
    %swap3A_1058 = vector.load %arg3[%swap3A_1055, %swap3A_1056, %swap3A_1057] : memref<4x16384x100xf32, #tpu.memory_space<vmem>>, vector<1x128x100xf32>
    %swap3A_1059 = vector.shape_cast %swap3A_1058 : vector<1x128x100xf32> to vector<128x100xf32>
    %swap3A_1060 = vector.shape_cast %convert_element_type3A_1054 : vector<128x100xf32> to vector<1x128x100xf32>
    tpu.vector_store %arg3[%swap3A_1055, %swap3A_1056, %swap3A_1057], %swap3A_1060 {strides = array<i32>} : memref<4x16384x100xf32, #tpu.memory_space<vmem>>, vector<1x128x100xf32>,
    %eq3A_1061 = arith.constant 66 : i32
    %eq3A_1062 = vector.broadcast %eq3A_1061 : i32 to vector<128x100xi32>
    %eq3A_1063 = arith.cmpi eq, %iota3A_4, %eq3A_1062 : vector<128x100xi32>
    %convert_element_type3A_1064 = arith.extui %eq3A_1063 : vector<128x100xi1> to vector<128x100xi32>
    %convert_element_type3A_1065 = arith.sitofp %convert_element_type3A_1064 : vector<128x100xi32> to vector<128x100xf32>
    %dot_general3A_1066 = arith.constant dense<0.000000e+00> : vector<128x100xf32>
    %dot_general3A_1067 = tpu.matmul %convert_element_type3A, %convert_element_type3A_1065, %dot_general3A_1066 {dimension_numbers = #tpu.dot_dimension_numbers<[0], [0], [1], [1], [0, 1, 1, 1], [], []>, transpose_lhs_hint = false} : vector<128x128xf32>, vector<128x100xf32>, vector<128x100xf32> -> vector<128x100xf32>
    %eq3A_1068 = arith.cmpf oeq, %dot_general3A_1067, %convert_element_type3A_3 : vector<128x100xf32>
    %convert_element_type3A_1069 = arith.extui %eq3A_1068 : vector<128x100xi1> to vector<128x100xi32>
    %convert_element_type3A_1070 = arith.sitofp %convert_element_type3A_1069 : vector<128x100xi32> to vector<128x100xf32>
    %swap3A_1071 = arith.index_cast %rem3A_0 : i32 to index
    %swap3A_1072 = arith.constant 8448 : index
    %swap3A_1073 = arith.constant 0 : index
    %swap3A_1074 = vector.load %arg3[%swap3A_1071, %swap3A_1072, %swap3A_1073] : memref<4x16384x100xf32, #tpu.memory_space<vmem>>, vector<1x128x100xf32>
    %swap3A_1075 = vector.shape_cast %swap3A_1074 : vector<1x128x100xf32> to vector<128x100xf32>
    %swap3A_1076 = vector.shape_cast %convert_element_type3A_1070 : vector<128x100xf32> to vector<1x128x100xf32>
    tpu.vector_store %arg3[%swap3A_1071, %swap3A_1072, %swap3A_1073], %swap3A_1076 {strides = array<i32>} : memref<4x16384x100xf32, #tpu.memory_space<vmem>>, vector<1x128x100xf32>,
    %eq3A_1077 = arith.constant 67 : i32
    %eq3A_1078 = vector.broadcast %eq3A_1077 : i32 to vector<128x100xi32>
    %eq3A_1079 = arith.cmpi eq, %iota3A_4, %eq3A_1078 : vector<128x100xi32>
    %convert_element_type3A_1080 = arith.extui %eq3A_1079 : vector<128x100xi1> to vector<128x100xi32>
    %convert_element_type3A_1081 = arith.sitofp %convert_element_type3A_1080 : vector<128x100xi32> to vector<128x100xf32>
    %dot_general3A_1082 = arith.constant dense<0.000000e+00> : vector<128x100xf32>
    %dot_general3A_1083 = tpu.matmul %convert_element_type3A, %convert_element_type3A_1081, %dot_general3A_1082 {dimension_numbers = #tpu.dot_dimension_numbers<[0], [0], [1], [1], [0, 1, 1, 1], [], []>, transpose_lhs_hint = false} : vector<128x128xf32>, vector<128x100xf32>, vector<128x100xf32> -> vector<128x100xf32>
    %eq3A_1084 = arith.cmpf oeq, %dot_general3A_1083, %convert_element_type3A_3 : vector<128x100xf32>
    %convert_element_type3A_1085 = arith.extui %eq3A_1084 : vector<128x100xi1> to vector<128x100xi32>
    %convert_element_type3A_1086 = arith.sitofp %convert_element_type3A_1085 : vector<128x100xi32> to vector<128x100xf32>
    %swap3A_1087 = arith.index_cast %rem3A_0 : i32 to index
    %swap3A_1088 = arith.constant 8576 : index
    %swap3A_1089 = arith.constant 0 : index
    %swap3A_1090 = vector.load %arg3[%swap3A_1087, %swap3A_1088, %swap3A_1089] : memref<4x16384x100xf32, #tpu.memory_space<vmem>>, vector<1x128x100xf32>
    %swap3A_1091 = vector.shape_cast %swap3A_1090 : vector<1x128x100xf32> to vector<128x100xf32>
    %swap3A_1092 = vector.shape_cast %convert_element_type3A_1086 : vector<128x100xf32> to vector<1x128x100xf32>
    tpu.vector_store %arg3[%swap3A_1087, %swap3A_1088, %swap3A_1089], %swap3A_1092 {strides = array<i32>} : memref<4x16384x100xf32, #tpu.memory_space<vmem>>, vector<1x128x100xf32>,
    %eq3A_1093 = arith.constant 68 : i32
    %eq3A_1094 = vector.broadcast %eq3A_1093 : i32 to vector<128x100xi32>
    %eq3A_1095 = arith.cmpi eq, %iota3A_4, %eq3A_1094 : vector<128x100xi32>
    %convert_element_type3A_1096 = arith.extui %eq3A_1095 : vector<128x100xi1> to vector<128x100xi32>
    %convert_element_type3A_1097 = arith.sitofp %convert_element_type3A_1096 : vector<128x100xi32> to vector<128x100xf32>
    %dot_general3A_1098 = arith.constant dense<0.000000e+00> : vector<128x100xf32>
    %dot_general3A_1099 = tpu.matmul %convert_element_type3A, %convert_element_type3A_1097, %dot_general3A_1098 {dimension_numbers = #tpu.dot_dimension_numbers<[0], [0], [1], [1], [0, 1, 1, 1], [], []>, transpose_lhs_hint = false} : vector<128x128xf32>, vector<128x100xf32>, vector<128x100xf32> -> vector<128x100xf32>
    %eq3A_1100 = arith.cmpf oeq, %dot_general3A_1099, %convert_element_type3A_3 : vector<128x100xf32>
    %convert_element_type3A_1101 = arith.extui %eq3A_1100 : vector<128x100xi1> to vector<128x100xi32>
    %convert_element_type3A_1102 = arith.sitofp %convert_element_type3A_1101 : vector<128x100xi32> to vector<128x100xf32>
    %swap3A_1103 = arith.index_cast %rem3A_0 : i32 to index
    %swap3A_1104 = arith.constant 8704 : index
    %swap3A_1105 = arith.constant 0 : index
    %swap3A_1106 = vector.load %arg3[%swap3A_1103, %swap3A_1104, %swap3A_1105] : memref<4x16384x100xf32, #tpu.memory_space<vmem>>, vector<1x128x100xf32>
    %swap3A_1107 = vector.shape_cast %swap3A_1106 : vector<1x128x100xf32> to vector<128x100xf32>
    %swap3A_1108 = vector.shape_cast %convert_element_type3A_1102 : vector<128x100xf32> to vector<1x128x100xf32>
    tpu.vector_store %arg3[%swap3A_1103, %swap3A_1104, %swap3A_1105], %swap3A_1108 {strides = array<i32>} : memref<4x16384x100xf32, #tpu.memory_space<vmem>>, vector<1x128x100xf32>,
    %eq3A_1109 = arith.constant 69 : i32
    %eq3A_1110 = vector.broadcast %eq3A_1109 : i32 to vector<128x100xi32>
    %eq3A_1111 = arith.cmpi eq, %iota3A_4, %eq3A_1110 : vector<128x100xi32>
    %convert_element_type3A_1112 = arith.extui %eq3A_1111 : vector<128x100xi1> to vector<128x100xi32>
    %convert_element_type3A_1113 = arith.sitofp %convert_element_type3A_1112 : vector<128x100xi32> to vector<128x100xf32>
    %dot_general3A_1114 = arith.constant dense<0.000000e+00> : vector<128x100xf32>
    %dot_general3A_1115 = tpu.matmul %convert_element_type3A, %convert_element_type3A_1113, %dot_general3A_1114 {dimension_numbers = #tpu.dot_dimension_numbers<[0], [0], [1], [1], [0, 1, 1, 1], [], []>, transpose_lhs_hint = false} : vector<128x128xf32>, vector<128x100xf32>, vector<128x100xf32> -> vector<128x100xf32>
    %eq3A_1116 = arith.cmpf oeq, %dot_general3A_1115, %convert_element_type3A_3 : vector<128x100xf32>
    %convert_element_type3A_1117 = arith.extui %eq3A_1116 : vector<128x100xi1> to vector<128x100xi32>
    %convert_element_type3A_1118 = arith.sitofp %convert_element_type3A_1117 : vector<128x100xi32> to vector<128x100xf32>
    %swap3A_1119 = arith.index_cast %rem3A_0 : i32 to index
    %swap3A_1120 = arith.constant 8832 : index
    %swap3A_1121 = arith.constant 0 : index
    %swap3A_1122 = vector.load %arg3[%swap3A_1119, %swap3A_1120, %swap3A_1121] : memref<4x16384x100xf32, #tpu.memory_space<vmem>>, vector<1x128x100xf32>
    %swap3A_1123 = vector.shape_cast %swap3A_1122 : vector<1x128x100xf32> to vector<128x100xf32>
    %swap3A_1124 = vector.shape_cast %convert_element_type3A_1118 : vector<128x100xf32> to vector<1x128x100xf32>
    tpu.vector_store %arg3[%swap3A_1119, %swap3A_1120, %swap3A_1121], %swap3A_1124 {strides = array<i32>} : memref<4x16384x100xf32, #tpu.memory_space<vmem>>, vector<1x128x100xf32>,
    %eq3A_1125 = arith.constant 70 : i32
    %eq3A_1126 = vector.broadcast %eq3A_1125 : i32 to vector<128x100xi32>
    %eq3A_1127 = arith.cmpi eq, %iota3A_4, %eq3A_1126 : vector<128x100xi32>
    %convert_element_type3A_1128 = arith.extui %eq3A_1127 : vector<128x100xi1> to vector<128x100xi32>
    %convert_element_type3A_1129 = arith.sitofp %convert_element_type3A_1128 : vector<128x100xi32> to vector<128x100xf32>
    %dot_general3A_1130 = arith.constant dense<0.000000e+00> : vector<128x100xf32>
    %dot_general3A_1131 = tpu.matmul %convert_element_type3A, %convert_element_type3A_1129, %dot_general3A_1130 {dimension_numbers = #tpu.dot_dimension_numbers<[0], [0], [1], [1], [0, 1, 1, 1], [], []>, transpose_lhs_hint = false} : vector<128x128xf32>, vector<128x100xf32>, vector<128x100xf32> -> vector<128x100xf32>
    %eq3A_1132 = arith.cmpf oeq, %dot_general3A_1131, %convert_element_type3A_3 : vector<128x100xf32>
    %convert_element_type3A_1133 = arith.extui %eq3A_1132 : vector<128x100xi1> to vector<128x100xi32>
    %convert_element_type3A_1134 = arith.sitofp %convert_element_type3A_1133 : vector<128x100xi32> to vector<128x100xf32>
    %swap3A_1135 = arith.index_cast %rem3A_0 : i32 to index
    %swap3A_1136 = arith.constant 8960 : index
    %swap3A_1137 = arith.constant 0 : index
    %swap3A_1138 = vector.load %arg3[%swap3A_1135, %swap3A_1136, %swap3A_1137] : memref<4x16384x100xf32, #tpu.memory_space<vmem>>, vector<1x128x100xf32>
    %swap3A_1139 = vector.shape_cast %swap3A_1138 : vector<1x128x100xf32> to vector<128x100xf32>
    %swap3A_1140 = vector.shape_cast %convert_element_type3A_1134 : vector<128x100xf32> to vector<1x128x100xf32>
    tpu.vector_store %arg3[%swap3A_1135, %swap3A_1136, %swap3A_1137], %swap3A_1140 {strides = array<i32>} : memref<4x16384x100xf32, #tpu.memory_space<vmem>>, vector<1x128x100xf32>,
    %eq3A_1141 = arith.constant 71 : i32
    %eq3A_1142 = vector.broadcast %eq3A_1141 : i32 to vector<128x100xi32>
    %eq3A_1143 = arith.cmpi eq, %iota3A_4, %eq3A_1142 : vector<128x100xi32>
    %convert_element_type3A_1144 = arith.extui %eq3A_1143 : vector<128x100xi1> to vector<128x100xi32>
    %convert_element_type3A_1145 = arith.sitofp %convert_element_type3A_1144 : vector<128x100xi32> to vector<128x100xf32>
    %dot_general3A_1146 = arith.constant dense<0.000000e+00> : vector<128x100xf32>
    %dot_general3A_1147 = tpu.matmul %convert_element_type3A, %convert_element_type3A_1145, %dot_general3A_1146 {dimension_numbers = #tpu.dot_dimension_numbers<[0], [0], [1], [1], [0, 1, 1, 1], [], []>, transpose_lhs_hint = false} : vector<128x128xf32>, vector<128x100xf32>, vector<128x100xf32> -> vector<128x100xf32>
    %eq3A_1148 = arith.cmpf oeq, %dot_general3A_1147, %convert_element_type3A_3 : vector<128x100xf32>
    %convert_element_type3A_1149 = arith.extui %eq3A_1148 : vector<128x100xi1> to vector<128x100xi32>
    %convert_element_type3A_1150 = arith.sitofp %convert_element_type3A_1149 : vector<128x100xi32> to vector<128x100xf32>
    %swap3A_1151 = arith.index_cast %rem3A_0 : i32 to index
    %swap3A_1152 = arith.constant 9088 : index
    %swap3A_1153 = arith.constant 0 : index
    %swap3A_1154 = vector.load %arg3[%swap3A_1151, %swap3A_1152, %swap3A_1153] : memref<4x16384x100xf32, #tpu.memory_space<vmem>>, vector<1x128x100xf32>
    %swap3A_1155 = vector.shape_cast %swap3A_1154 : vector<1x128x100xf32> to vector<128x100xf32>
    %swap3A_1156 = vector.shape_cast %convert_element_type3A_1150 : vector<128x100xf32> to vector<1x128x100xf32>
    tpu.vector_store %arg3[%swap3A_1151, %swap3A_1152, %swap3A_1153], %swap3A_1156 {strides = array<i32>} : memref<4x16384x100xf32, #tpu.memory_space<vmem>>, vector<1x128x100xf32>,
    %eq3A_1157 = arith.constant 72 : i32
    %eq3A_1158 = vector.broadcast %eq3A_1157 : i32 to vector<128x100xi32>
    %eq3A_1159 = arith.cmpi eq, %iota3A_4, %eq3A_1158 : vector<128x100xi32>
    %convert_element_type3A_1160 = arith.extui %eq3A_1159 : vector<128x100xi1> to vector<128x100xi32>
    %convert_element_type3A_1161 = arith.sitofp %convert_element_type3A_1160 : vector<128x100xi32> to vector<128x100xf32>
    %dot_general3A_1162 = arith.constant dense<0.000000e+00> : vector<128x100xf32>
    %dot_general3A_1163 = tpu.matmul %convert_element_type3A, %convert_element_type3A_1161, %dot_general3A_1162 {dimension_numbers = #tpu.dot_dimension_numbers<[0], [0], [1], [1], [0, 1, 1, 1], [], []>, transpose_lhs_hint = false} : vector<128x128xf32>, vector<128x100xf32>, vector<128x100xf32> -> vector<128x100xf32>
    %eq3A_1164 = arith.cmpf oeq, %dot_general3A_1163, %convert_element_type3A_3 : vector<128x100xf32>
    %convert_element_type3A_1165 = arith.extui %eq3A_1164 : vector<128x100xi1> to vector<128x100xi32>
    %convert_element_type3A_1166 = arith.sitofp %convert_element_type3A_1165 : vector<128x100xi32> to vector<128x100xf32>
    %swap3A_1167 = arith.index_cast %rem3A_0 : i32 to index
    %swap3A_1168 = arith.constant 9216 : index
    %swap3A_1169 = arith.constant 0 : index
    %swap3A_1170 = vector.load %arg3[%swap3A_1167, %swap3A_1168, %swap3A_1169] : memref<4x16384x100xf32, #tpu.memory_space<vmem>>, vector<1x128x100xf32>
    %swap3A_1171 = vector.shape_cast %swap3A_1170 : vector<1x128x100xf32> to vector<128x100xf32>
    %swap3A_1172 = vector.shape_cast %convert_element_type3A_1166 : vector<128x100xf32> to vector<1x128x100xf32>
    tpu.vector_store %arg3[%swap3A_1167, %swap3A_1168, %swap3A_1169], %swap3A_1172 {strides = array<i32>} : memref<4x16384x100xf32, #tpu.memory_space<vmem>>, vector<1x128x100xf32>,
    %eq3A_1173 = arith.constant 73 : i32
    %eq3A_1174 = vector.broadcast %eq3A_1173 : i32 to vector<128x100xi32>
    %eq3A_1175 = arith.cmpi eq, %iota3A_4, %eq3A_1174 : vector<128x100xi32>
    %convert_element_type3A_1176 = arith.extui %eq3A_1175 : vector<128x100xi1> to vector<128x100xi32>
    %convert_element_type3A_1177 = arith.sitofp %convert_element_type3A_1176 : vector<128x100xi32> to vector<128x100xf32>
    %dot_general3A_1178 = arith.constant dense<0.000000e+00> : vector<128x100xf32>
    %dot_general3A_1179 = tpu.matmul %convert_element_type3A, %convert_element_type3A_1177, %dot_general3A_1178 {dimension_numbers = #tpu.dot_dimension_numbers<[0], [0], [1], [1], [0, 1, 1, 1], [], []>, transpose_lhs_hint = false} : vector<128x128xf32>, vector<128x100xf32>, vector<128x100xf32> -> vector<128x100xf32>
    %eq3A_1180 = arith.cmpf oeq, %dot_general3A_1179, %convert_element_type3A_3 : vector<128x100xf32>
    %convert_element_type3A_1181 = arith.extui %eq3A_1180 : vector<128x100xi1> to vector<128x100xi32>
    %convert_element_type3A_1182 = arith.sitofp %convert_element_type3A_1181 : vector<128x100xi32> to vector<128x100xf32>
    %swap3A_1183 = arith.index_cast %rem3A_0 : i32 to index
    %swap3A_1184 = arith.constant 9344 : index
    %swap3A_1185 = arith.constant 0 : index
    %swap3A_1186 = vector.load %arg3[%swap3A_1183, %swap3A_1184, %swap3A_1185] : memref<4x16384x100xf32, #tpu.memory_space<vmem>>, vector<1x128x100xf32>
    %swap3A_1187 = vector.shape_cast %swap3A_1186 : vector<1x128x100xf32> to vector<128x100xf32>
    %swap3A_1188 = vector.shape_cast %convert_element_type3A_1182 : vector<128x100xf32> to vector<1x128x100xf32>
    tpu.vector_store %arg3[%swap3A_1183, %swap3A_1184, %swap3A_1185], %swap3A_1188 {strides = array<i32>} : memref<4x16384x100xf32, #tpu.memory_space<vmem>>, vector<1x128x100xf32>,
    %eq3A_1189 = arith.constant 74 : i32
    %eq3A_1190 = vector.broadcast %eq3A_1189 : i32 to vector<128x100xi32>
    %eq3A_1191 = arith.cmpi eq, %iota3A_4, %eq3A_1190 : vector<128x100xi32>
    %convert_element_type3A_1192 = arith.extui %eq3A_1191 : vector<128x100xi1> to vector<128x100xi32>
    %convert_element_type3A_1193 = arith.sitofp %convert_element_type3A_1192 : vector<128x100xi32> to vector<128x100xf32>
    %dot_general3A_1194 = arith.constant dense<0.000000e+00> : vector<128x100xf32>
    %dot_general3A_1195 = tpu.matmul %convert_element_type3A, %convert_element_type3A_1193, %dot_general3A_1194 {dimension_numbers = #tpu.dot_dimension_numbers<[0], [0], [1], [1], [0, 1, 1, 1], [], []>, transpose_lhs_hint = false} : vector<128x128xf32>, vector<128x100xf32>, vector<128x100xf32> -> vector<128x100xf32>
    %eq3A_1196 = arith.cmpf oeq, %dot_general3A_1195, %convert_element_type3A_3 : vector<128x100xf32>
    %convert_element_type3A_1197 = arith.extui %eq3A_1196 : vector<128x100xi1> to vector<128x100xi32>
    %convert_element_type3A_1198 = arith.sitofp %convert_element_type3A_1197 : vector<128x100xi32> to vector<128x100xf32>
    %swap3A_1199 = arith.index_cast %rem3A_0 : i32 to index
    %swap3A_1200 = arith.constant 9472 : index
    %swap3A_1201 = arith.constant 0 : index
    %swap3A_1202 = vector.load %arg3[%swap3A_1199, %swap3A_1200, %swap3A_1201] : memref<4x16384x100xf32, #tpu.memory_space<vmem>>, vector<1x128x100xf32>
    %swap3A_1203 = vector.shape_cast %swap3A_1202 : vector<1x128x100xf32> to vector<128x100xf32>
    %swap3A_1204 = vector.shape_cast %convert_element_type3A_1198 : vector<128x100xf32> to vector<1x128x100xf32>
    tpu.vector_store %arg3[%swap3A_1199, %swap3A_1200, %swap3A_1201], %swap3A_1204 {strides = array<i32>} : memref<4x16384x100xf32, #tpu.memory_space<vmem>>, vector<1x128x100xf32>,
    %eq3A_1205 = arith.constant 75 : i32
    %eq3A_1206 = vector.broadcast %eq3A_1205 : i32 to vector<128x100xi32>
    %eq3A_1207 = arith.cmpi eq, %iota3A_4, %eq3A_1206 : vector<128x100xi32>
    %convert_element_type3A_1208 = arith.extui %eq3A_1207 : vector<128x100xi1> to vector<128x100xi32>
    %convert_element_type3A_1209 = arith.sitofp %convert_element_type3A_1208 : vector<128x100xi32> to vector<128x100xf32>
    %dot_general3A_1210 = arith.constant dense<0.000000e+00> : vector<128x100xf32>
    %dot_general3A_1211 = tpu.matmul %convert_element_type3A, %convert_element_type3A_1209, %dot_general3A_1210 {dimension_numbers = #tpu.dot_dimension_numbers<[0], [0], [1], [1], [0, 1, 1, 1], [], []>, transpose_lhs_hint = false} : vector<128x128xf32>, vector<128x100xf32>, vector<128x100xf32> -> vector<128x100xf32>
    %eq3A_1212 = arith.cmpf oeq, %dot_general3A_1211, %convert_element_type3A_3 : vector<128x100xf32>
    %convert_element_type3A_1213 = arith.extui %eq3A_1212 : vector<128x100xi1> to vector<128x100xi32>
    %convert_element_type3A_1214 = arith.sitofp %convert_element_type3A_1213 : vector<128x100xi32> to vector<128x100xf32>
    %swap3A_1215 = arith.index_cast %rem3A_0 : i32 to index
    %swap3A_1216 = arith.constant 9600 : index
    %swap3A_1217 = arith.constant 0 : index
    %swap3A_1218 = vector.load %arg3[%swap3A_1215, %swap3A_1216, %swap3A_1217] : memref<4x16384x100xf32, #tpu.memory_space<vmem>>, vector<1x128x100xf32>
    %swap3A_1219 = vector.shape_cast %swap3A_1218 : vector<1x128x100xf32> to vector<128x100xf32>
    %swap3A_1220 = vector.shape_cast %convert_element_type3A_1214 : vector<128x100xf32> to vector<1x128x100xf32>
    tpu.vector_store %arg3[%swap3A_1215, %swap3A_1216, %swap3A_1217], %swap3A_1220 {strides = array<i32>} : memref<4x16384x100xf32, #tpu.memory_space<vmem>>, vector<1x128x100xf32>,
    %eq3A_1221 = arith.constant 76 : i32
    %eq3A_1222 = vector.broadcast %eq3A_1221 : i32 to vector<128x100xi32>
    %eq3A_1223 = arith.cmpi eq, %iota3A_4, %eq3A_1222 : vector<128x100xi32>
    %convert_element_type3A_1224 = arith.extui %eq3A_1223 : vector<128x100xi1> to vector<128x100xi32>
    %convert_element_type3A_1225 = arith.sitofp %convert_element_type3A_1224 : vector<128x100xi32> to vector<128x100xf32>
    %dot_general3A_1226 = arith.constant dense<0.000000e+00> : vector<128x100xf32>
    %dot_general3A_1227 = tpu.matmul %convert_element_type3A, %convert_element_type3A_1225, %dot_general3A_1226 {dimension_numbers = #tpu.dot_dimension_numbers<[0], [0], [1], [1], [0, 1, 1, 1], [], []>, transpose_lhs_hint = false} : vector<128x128xf32>, vector<128x100xf32>, vector<128x100xf32> -> vector<128x100xf32>
    %eq3A_1228 = arith.cmpf oeq, %dot_general3A_1227, %convert_element_type3A_3 : vector<128x100xf32>
    %convert_element_type3A_1229 = arith.extui %eq3A_1228 : vector<128x100xi1> to vector<128x100xi32>
    %convert_element_type3A_1230 = arith.sitofp %convert_element_type3A_1229 : vector<128x100xi32> to vector<128x100xf32>
    %swap3A_1231 = arith.index_cast %rem3A_0 : i32 to index
    %swap3A_1232 = arith.constant 9728 : index
    %swap3A_1233 = arith.constant 0 : index
    %swap3A_1234 = vector.load %arg3[%swap3A_1231, %swap3A_1232, %swap3A_1233] : memref<4x16384x100xf32, #tpu.memory_space<vmem>>, vector<1x128x100xf32>
    %swap3A_1235 = vector.shape_cast %swap3A_1234 : vector<1x128x100xf32> to vector<128x100xf32>
    %swap3A_1236 = vector.shape_cast %convert_element_type3A_1230 : vector<128x100xf32> to vector<1x128x100xf32>
    tpu.vector_store %arg3[%swap3A_1231, %swap3A_1232, %swap3A_1233], %swap3A_1236 {strides = array<i32>} : memref<4x16384x100xf32, #tpu.memory_space<vmem>>, vector<1x128x100xf32>,
    %eq3A_1237 = arith.constant 77 : i32
    %eq3A_1238 = vector.broadcast %eq3A_1237 : i32 to vector<128x100xi32>
    %eq3A_1239 = arith.cmpi eq, %iota3A_4, %eq3A_1238 : vector<128x100xi32>
    %convert_element_type3A_1240 = arith.extui %eq3A_1239 : vector<128x100xi1> to vector<128x100xi32>
    %convert_element_type3A_1241 = arith.sitofp %convert_element_type3A_1240 : vector<128x100xi32> to vector<128x100xf32>
    %dot_general3A_1242 = arith.constant dense<0.000000e+00> : vector<128x100xf32>
    %dot_general3A_1243 = tpu.matmul %convert_element_type3A, %convert_element_type3A_1241, %dot_general3A_1242 {dimension_numbers = #tpu.dot_dimension_numbers<[0], [0], [1], [1], [0, 1, 1, 1], [], []>, transpose_lhs_hint = false} : vector<128x128xf32>, vector<128x100xf32>, vector<128x100xf32> -> vector<128x100xf32>
    %eq3A_1244 = arith.cmpf oeq, %dot_general3A_1243, %convert_element_type3A_3 : vector<128x100xf32>
    %convert_element_type3A_1245 = arith.extui %eq3A_1244 : vector<128x100xi1> to vector<128x100xi32>
    %convert_element_type3A_1246 = arith.sitofp %convert_element_type3A_1245 : vector<128x100xi32> to vector<128x100xf32>
    %swap3A_1247 = arith.index_cast %rem3A_0 : i32 to index
    %swap3A_1248 = arith.constant 9856 : index
    %swap3A_1249 = arith.constant 0 : index
    %swap3A_1250 = vector.load %arg3[%swap3A_1247, %swap3A_1248, %swap3A_1249] : memref<4x16384x100xf32, #tpu.memory_space<vmem>>, vector<1x128x100xf32>
    %swap3A_1251 = vector.shape_cast %swap3A_1250 : vector<1x128x100xf32> to vector<128x100xf32>
    %swap3A_1252 = vector.shape_cast %convert_element_type3A_1246 : vector<128x100xf32> to vector<1x128x100xf32>
    tpu.vector_store %arg3[%swap3A_1247, %swap3A_1248, %swap3A_1249], %swap3A_1252 {strides = array<i32>} : memref<4x16384x100xf32, #tpu.memory_space<vmem>>, vector<1x128x100xf32>,
    %eq3A_1253 = arith.constant 78 : i32
    %eq3A_1254 = vector.broadcast %eq3A_1253 : i32 to vector<128x100xi32>
    %eq3A_1255 = arith.cmpi eq, %iota3A_4, %eq3A_1254 : vector<128x100xi32>
    %convert_element_type3A_1256 = arith.extui %eq3A_1255 : vector<128x100xi1> to vector<128x100xi32>
    %convert_element_type3A_1257 = arith.sitofp %convert_element_type3A_1256 : vector<128x100xi32> to vector<128x100xf32>
    %dot_general3A_1258 = arith.constant dense<0.000000e+00> : vector<128x100xf32>
    %dot_general3A_1259 = tpu.matmul %convert_element_type3A, %convert_element_type3A_1257, %dot_general3A_1258 {dimension_numbers = #tpu.dot_dimension_numbers<[0], [0], [1], [1], [0, 1, 1, 1], [], []>, transpose_lhs_hint = false} : vector<128x128xf32>, vector<128x100xf32>, vector<128x100xf32> -> vector<128x100xf32>
    %eq3A_1260 = arith.cmpf oeq, %dot_general3A_1259, %convert_element_type3A_3 : vector<128x100xf32>
    %convert_element_type3A_1261 = arith.extui %eq3A_1260 : vector<128x100xi1> to vector<128x100xi32>
    %convert_element_type3A_1262 = arith.sitofp %convert_element_type3A_1261 : vector<128x100xi32> to vector<128x100xf32>
    %swap3A_1263 = arith.index_cast %rem3A_0 : i32 to index
    %swap3A_1264 = arith.constant 9984 : index
    %swap3A_1265 = arith.constant 0 : index
    %swap3A_1266 = vector.load %arg3[%swap3A_1263, %swap3A_1264, %swap3A_1265] : memref<4x16384x100xf32, #tpu.memory_space<vmem>>, vector<1x128x100xf32>
    %swap3A_1267 = vector.shape_cast %swap3A_1266 : vector<1x128x100xf32> to vector<128x100xf32>
    %swap3A_1268 = vector.shape_cast %convert_element_type3A_1262 : vector<128x100xf32> to vector<1x128x100xf32>
    tpu.vector_store %arg3[%swap3A_1263, %swap3A_1264, %swap3A_1265], %swap3A_1268 {strides = array<i32>} : memref<4x16384x100xf32, #tpu.memory_space<vmem>>, vector<1x128x100xf32>,
    %eq3A_1269 = arith.constant 79 : i32
    %eq3A_1270 = vector.broadcast %eq3A_1269 : i32 to vector<128x100xi32>
    %eq3A_1271 = arith.cmpi eq, %iota3A_4, %eq3A_1270 : vector<128x100xi32>
    %convert_element_type3A_1272 = arith.extui %eq3A_1271 : vector<128x100xi1> to vector<128x100xi32>
    %convert_element_type3A_1273 = arith.sitofp %convert_element_type3A_1272 : vector<128x100xi32> to vector<128x100xf32>
    %dot_general3A_1274 = arith.constant dense<0.000000e+00> : vector<128x100xf32>
    %dot_general3A_1275 = tpu.matmul %convert_element_type3A, %convert_element_type3A_1273, %dot_general3A_1274 {dimension_numbers = #tpu.dot_dimension_numbers<[0], [0], [1], [1], [0, 1, 1, 1], [], []>, transpose_lhs_hint = false} : vector<128x128xf32>, vector<128x100xf32>, vector<128x100xf32> -> vector<128x100xf32>
    %eq3A_1276 = arith.cmpf oeq, %dot_general3A_1275, %convert_element_type3A_3 : vector<128x100xf32>
    %convert_element_type3A_1277 = arith.extui %eq3A_1276 : vector<128x100xi1> to vector<128x100xi32>
    %convert_element_type3A_1278 = arith.sitofp %convert_element_type3A_1277 : vector<128x100xi32> to vector<128x100xf32>
    %swap3A_1279 = arith.index_cast %rem3A_0 : i32 to index
    %swap3A_1280 = arith.constant 10112 : index
    %swap3A_1281 = arith.constant 0 : index
    %swap3A_1282 = vector.load %arg3[%swap3A_1279, %swap3A_1280, %swap3A_1281] : memref<4x16384x100xf32, #tpu.memory_space<vmem>>, vector<1x128x100xf32>
    %swap3A_1283 = vector.shape_cast %swap3A_1282 : vector<1x128x100xf32> to vector<128x100xf32>
    %swap3A_1284 = vector.shape_cast %convert_element_type3A_1278 : vector<128x100xf32> to vector<1x128x100xf32>
    tpu.vector_store %arg3[%swap3A_1279, %swap3A_1280, %swap3A_1281], %swap3A_1284 {strides = array<i32>} : memref<4x16384x100xf32, #tpu.memory_space<vmem>>, vector<1x128x100xf32>,
    %eq3A_1285 = arith.constant 80 : i32
    %eq3A_1286 = vector.broadcast %eq3A_1285 : i32 to vector<128x100xi32>
    %eq3A_1287 = arith.cmpi eq, %iota3A_4, %eq3A_1286 : vector<128x100xi32>
    %convert_element_type3A_1288 = arith.extui %eq3A_1287 : vector<128x100xi1> to vector<128x100xi32>
    %convert_element_type3A_1289 = arith.sitofp %convert_element_type3A_1288 : vector<128x100xi32> to vector<128x100xf32>
    %dot_general3A_1290 = arith.constant dense<0.000000e+00> : vector<128x100xf32>
    %dot_general3A_1291 = tpu.matmul %convert_element_type3A, %convert_element_type3A_1289, %dot_general3A_1290 {dimension_numbers = #tpu.dot_dimension_numbers<[0], [0], [1], [1], [0, 1, 1, 1], [], []>, transpose_lhs_hint = false} : vector<128x128xf32>, vector<128x100xf32>, vector<128x100xf32> -> vector<128x100xf32>
    %eq3A_1292 = arith.cmpf oeq, %dot_general3A_1291, %convert_element_type3A_3 : vector<128x100xf32>
    %convert_element_type3A_1293 = arith.extui %eq3A_1292 : vector<128x100xi1> to vector<128x100xi32>
    %convert_element_type3A_1294 = arith.sitofp %convert_element_type3A_1293 : vector<128x100xi32> to vector<128x100xf32>
    %swap3A_1295 = arith.index_cast %rem3A_0 : i32 to index
    %swap3A_1296 = arith.constant 10240 : index
    %swap3A_1297 = arith.constant 0 : index
    %swap3A_1298 = vector.load %arg3[%swap3A_1295, %swap3A_1296, %swap3A_1297] : memref<4x16384x100xf32, #tpu.memory_space<vmem>>, vector<1x128x100xf32>
    %swap3A_1299 = vector.shape_cast %swap3A_1298 : vector<1x128x100xf32> to vector<128x100xf32>
    %swap3A_1300 = vector.shape_cast %convert_element_type3A_1294 : vector<128x100xf32> to vector<1x128x100xf32>
    tpu.vector_store %arg3[%swap3A_1295, %swap3A_1296, %swap3A_1297], %swap3A_1300 {strides = array<i32>} : memref<4x16384x100xf32, #tpu.memory_space<vmem>>, vector<1x128x100xf32>,
    %eq3A_1301 = arith.constant 81 : i32
    %eq3A_1302 = vector.broadcast %eq3A_1301 : i32 to vector<128x100xi32>
    %eq3A_1303 = arith.cmpi eq, %iota3A_4, %eq3A_1302 : vector<128x100xi32>
    %convert_element_type3A_1304 = arith.extui %eq3A_1303 : vector<128x100xi1> to vector<128x100xi32>
    %convert_element_type3A_1305 = arith.sitofp %convert_element_type3A_1304 : vector<128x100xi32> to vector<128x100xf32>
    %dot_general3A_1306 = arith.constant dense<0.000000e+00> : vector<128x100xf32>
    %dot_general3A_1307 = tpu.matmul %convert_element_type3A, %convert_element_type3A_1305, %dot_general3A_1306 {dimension_numbers = #tpu.dot_dimension_numbers<[0], [0], [1], [1], [0, 1, 1, 1], [], []>, transpose_lhs_hint = false} : vector<128x128xf32>, vector<128x100xf32>, vector<128x100xf32> -> vector<128x100xf32>
    %eq3A_1308 = arith.cmpf oeq, %dot_general3A_1307, %convert_element_type3A_3 : vector<128x100xf32>
    %convert_element_type3A_1309 = arith.extui %eq3A_1308 : vector<128x100xi1> to vector<128x100xi32>
    %convert_element_type3A_1310 = arith.sitofp %convert_element_type3A_1309 : vector<128x100xi32> to vector<128x100xf32>
    %swap3A_1311 = arith.index_cast %rem3A_0 : i32 to index
    %swap3A_1312 = arith.constant 10368 : index
    %swap3A_1313 = arith.constant 0 : index
    %swap3A_1314 = vector.load %arg3[%swap3A_1311, %swap3A_1312, %swap3A_1313] : memref<4x16384x100xf32, #tpu.memory_space<vmem>>, vector<1x128x100xf32>
    %swap3A_1315 = vector.shape_cast %swap3A_1314 : vector<1x128x100xf32> to vector<128x100xf32>
    %swap3A_1316 = vector.shape_cast %convert_element_type3A_1310 : vector<128x100xf32> to vector<1x128x100xf32>
    tpu.vector_store %arg3[%swap3A_1311, %swap3A_1312, %swap3A_1313], %swap3A_1316 {strides = array<i32>} : memref<4x16384x100xf32, #tpu.memory_space<vmem>>, vector<1x128x100xf32>,
    %eq3A_1317 = arith.constant 82 : i32
    %eq3A_1318 = vector.broadcast %eq3A_1317 : i32 to vector<128x100xi32>
    %eq3A_1319 = arith.cmpi eq, %iota3A_4, %eq3A_1318 : vector<128x100xi32>
    %convert_element_type3A_1320 = arith.extui %eq3A_1319 : vector<128x100xi1> to vector<128x100xi32>
    %convert_element_type3A_1321 = arith.sitofp %convert_element_type3A_1320 : vector<128x100xi32> to vector<128x100xf32>
    %dot_general3A_1322 = arith.constant dense<0.000000e+00> : vector<128x100xf32>
    %dot_general3A_1323 = tpu.matmul %convert_element_type3A, %convert_element_type3A_1321, %dot_general3A_1322 {dimension_numbers = #tpu.dot_dimension_numbers<[0], [0], [1], [1], [0, 1, 1, 1], [], []>, transpose_lhs_hint = false} : vector<128x128xf32>, vector<128x100xf32>, vector<128x100xf32> -> vector<128x100xf32>
    %eq3A_1324 = arith.cmpf oeq, %dot_general3A_1323, %convert_element_type3A_3 : vector<128x100xf32>
    %convert_element_type3A_1325 = arith.extui %eq3A_1324 : vector<128x100xi1> to vector<128x100xi32>
    %convert_element_type3A_1326 = arith.sitofp %convert_element_type3A_1325 : vector<128x100xi32> to vector<128x100xf32>
    %swap3A_1327 = arith.index_cast %rem3A_0 : i32 to index
    %swap3A_1328 = arith.constant 10496 : index
    %swap3A_1329 = arith.constant 0 : index
    %swap3A_1330 = vector.load %arg3[%swap3A_1327, %swap3A_1328, %swap3A_1329] : memref<4x16384x100xf32, #tpu.memory_space<vmem>>, vector<1x128x100xf32>
    %swap3A_1331 = vector.shape_cast %swap3A_1330 : vector<1x128x100xf32> to vector<128x100xf32>
    %swap3A_1332 = vector.shape_cast %convert_element_type3A_1326 : vector<128x100xf32> to vector<1x128x100xf32>
    tpu.vector_store %arg3[%swap3A_1327, %swap3A_1328, %swap3A_1329], %swap3A_1332 {strides = array<i32>} : memref<4x16384x100xf32, #tpu.memory_space<vmem>>, vector<1x128x100xf32>,
    %eq3A_1333 = arith.constant 83 : i32
    %eq3A_1334 = vector.broadcast %eq3A_1333 : i32 to vector<128x100xi32>
    %eq3A_1335 = arith.cmpi eq, %iota3A_4, %eq3A_1334 : vector<128x100xi32>
    %convert_element_type3A_1336 = arith.extui %eq3A_1335 : vector<128x100xi1> to vector<128x100xi32>
    %convert_element_type3A_1337 = arith.sitofp %convert_element_type3A_1336 : vector<128x100xi32> to vector<128x100xf32>
    %dot_general3A_1338 = arith.constant dense<0.000000e+00> : vector<128x100xf32>
    %dot_general3A_1339 = tpu.matmul %convert_element_type3A, %convert_element_type3A_1337, %dot_general3A_1338 {dimension_numbers = #tpu.dot_dimension_numbers<[0], [0], [1], [1], [0, 1, 1, 1], [], []>, transpose_lhs_hint = false} : vector<128x128xf32>, vector<128x100xf32>, vector<128x100xf32> -> vector<128x100xf32>
    %eq3A_1340 = arith.cmpf oeq, %dot_general3A_1339, %convert_element_type3A_3 : vector<128x100xf32>
    %convert_element_type3A_1341 = arith.extui %eq3A_1340 : vector<128x100xi1> to vector<128x100xi32>
    %convert_element_type3A_1342 = arith.sitofp %convert_element_type3A_1341 : vector<128x100xi32> to vector<128x100xf32>
    %swap3A_1343 = arith.index_cast %rem3A_0 : i32 to index
    %swap3A_1344 = arith.constant 10624 : index
    %swap3A_1345 = arith.constant 0 : index
    %swap3A_1346 = vector.load %arg3[%swap3A_1343, %swap3A_1344, %swap3A_1345] : memref<4x16384x100xf32, #tpu.memory_space<vmem>>, vector<1x128x100xf32>
    %swap3A_1347 = vector.shape_cast %swap3A_1346 : vector<1x128x100xf32> to vector<128x100xf32>
    %swap3A_1348 = vector.shape_cast %convert_element_type3A_1342 : vector<128x100xf32> to vector<1x128x100xf32>
    tpu.vector_store %arg3[%swap3A_1343, %swap3A_1344, %swap3A_1345], %swap3A_1348 {strides = array<i32>} : memref<4x16384x100xf32, #tpu.memory_space<vmem>>, vector<1x128x100xf32>,
    %eq3A_1349 = arith.constant 84 : i32
    %eq3A_1350 = vector.broadcast %eq3A_1349 : i32 to vector<128x100xi32>
    %eq3A_1351 = arith.cmpi eq, %iota3A_4, %eq3A_1350 : vector<128x100xi32>
    %convert_element_type3A_1352 = arith.extui %eq3A_1351 : vector<128x100xi1> to vector<128x100xi32>
    %convert_element_type3A_1353 = arith.sitofp %convert_element_type3A_1352 : vector<128x100xi32> to vector<128x100xf32>
    %dot_general3A_1354 = arith.constant dense<0.000000e+00> : vector<128x100xf32>
    %dot_general3A_1355 = tpu.matmul %convert_element_type3A, %convert_element_type3A_1353, %dot_general3A_1354 {dimension_numbers = #tpu.dot_dimension_numbers<[0], [0], [1], [1], [0, 1, 1, 1], [], []>, transpose_lhs_hint = false} : vector<128x128xf32>, vector<128x100xf32>, vector<128x100xf32> -> vector<128x100xf32>
    %eq3A_1356 = arith.cmpf oeq, %dot_general3A_1355, %convert_element_type3A_3 : vector<128x100xf32>
    %convert_element_type3A_1357 = arith.extui %eq3A_1356 : vector<128x100xi1> to vector<128x100xi32>
    %convert_element_type3A_1358 = arith.sitofp %convert_element_type3A_1357 : vector<128x100xi32> to vector<128x100xf32>
    %swap3A_1359 = arith.index_cast %rem3A_0 : i32 to index
    %swap3A_1360 = arith.constant 10752 : index
    %swap3A_1361 = arith.constant 0 : index
    %swap3A_1362 = vector.load %arg3[%swap3A_1359, %swap3A_1360, %swap3A_1361] : memref<4x16384x100xf32, #tpu.memory_space<vmem>>, vector<1x128x100xf32>
    %swap3A_1363 = vector.shape_cast %swap3A_1362 : vector<1x128x100xf32> to vector<128x100xf32>
    %swap3A_1364 = vector.shape_cast %convert_element_type3A_1358 : vector<128x100xf32> to vector<1x128x100xf32>
    tpu.vector_store %arg3[%swap3A_1359, %swap3A_1360, %swap3A_1361], %swap3A_1364 {strides = array<i32>} : memref<4x16384x100xf32, #tpu.memory_space<vmem>>, vector<1x128x100xf32>,
    %eq3A_1365 = arith.constant 85 : i32
    %eq3A_1366 = vector.broadcast %eq3A_1365 : i32 to vector<128x100xi32>
    %eq3A_1367 = arith.cmpi eq, %iota3A_4, %eq3A_1366 : vector<128x100xi32>
    %convert_element_type3A_1368 = arith.extui %eq3A_1367 : vector<128x100xi1> to vector<128x100xi32>
    %convert_element_type3A_1369 = arith.sitofp %convert_element_type3A_1368 : vector<128x100xi32> to vector<128x100xf32>
    %dot_general3A_1370 = arith.constant dense<0.000000e+00> : vector<128x100xf32>
    %dot_general3A_1371 = tpu.matmul %convert_element_type3A, %convert_element_type3A_1369, %dot_general3A_1370 {dimension_numbers = #tpu.dot_dimension_numbers<[0], [0], [1], [1], [0, 1, 1, 1], [], []>, transpose_lhs_hint = false} : vector<128x128xf32>, vector<128x100xf32>, vector<128x100xf32> -> vector<128x100xf32>
    %eq3A_1372 = arith.cmpf oeq, %dot_general3A_1371, %convert_element_type3A_3 : vector<128x100xf32>
    %convert_element_type3A_1373 = arith.extui %eq3A_1372 : vector<128x100xi1> to vector<128x100xi32>
    %convert_element_type3A_1374 = arith.sitofp %convert_element_type3A_1373 : vector<128x100xi32> to vector<128x100xf32>
    %swap3A_1375 = arith.index_cast %rem3A_0 : i32 to index
    %swap3A_1376 = arith.constant 10880 : index
    %swap3A_1377 = arith.constant 0 : index
    %swap3A_1378 = vector.load %arg3[%swap3A_1375, %swap3A_1376, %swap3A_1377] : memref<4x16384x100xf32, #tpu.memory_space<vmem>>, vector<1x128x100xf32>
    %swap3A_1379 = vector.shape_cast %swap3A_1378 : vector<1x128x100xf32> to vector<128x100xf32>
    %swap3A_1380 = vector.shape_cast %convert_element_type3A_1374 : vector<128x100xf32> to vector<1x128x100xf32>
    tpu.vector_store %arg3[%swap3A_1375, %swap3A_1376, %swap3A_1377], %swap3A_1380 {strides = array<i32>} : memref<4x16384x100xf32, #tpu.memory_space<vmem>>, vector<1x128x100xf32>,
    %eq3A_1381 = arith.constant 86 : i32
    %eq3A_1382 = vector.broadcast %eq3A_1381 : i32 to vector<128x100xi32>
    %eq3A_1383 = arith.cmpi eq, %iota3A_4, %eq3A_1382 : vector<128x100xi32>
    %convert_element_type3A_1384 = arith.extui %eq3A_1383 : vector<128x100xi1> to vector<128x100xi32>
    %convert_element_type3A_1385 = arith.sitofp %convert_element_type3A_1384 : vector<128x100xi32> to vector<128x100xf32>
    %dot_general3A_1386 = arith.constant dense<0.000000e+00> : vector<128x100xf32>
    %dot_general3A_1387 = tpu.matmul %convert_element_type3A, %convert_element_type3A_1385, %dot_general3A_1386 {dimension_numbers = #tpu.dot_dimension_numbers<[0], [0], [1], [1], [0, 1, 1, 1], [], []>, transpose_lhs_hint = false} : vector<128x128xf32>, vector<128x100xf32>, vector<128x100xf32> -> vector<128x100xf32>
    %eq3A_1388 = arith.cmpf oeq, %dot_general3A_1387, %convert_element_type3A_3 : vector<128x100xf32>
    %convert_element_type3A_1389 = arith.extui %eq3A_1388 : vector<128x100xi1> to vector<128x100xi32>
    %convert_element_type3A_1390 = arith.sitofp %convert_element_type3A_1389 : vector<128x100xi32> to vector<128x100xf32>
    %swap3A_1391 = arith.index_cast %rem3A_0 : i32 to index
    %swap3A_1392 = arith.constant 11008 : index
    %swap3A_1393 = arith.constant 0 : index
    %swap3A_1394 = vector.load %arg3[%swap3A_1391, %swap3A_1392, %swap3A_1393] : memref<4x16384x100xf32, #tpu.memory_space<vmem>>, vector<1x128x100xf32>
    %swap3A_1395 = vector.shape_cast %swap3A_1394 : vector<1x128x100xf32> to vector<128x100xf32>
    %swap3A_1396 = vector.shape_cast %convert_element_type3A_1390 : vector<128x100xf32> to vector<1x128x100xf32>
    tpu.vector_store %arg3[%swap3A_1391, %swap3A_1392, %swap3A_1393], %swap3A_1396 {strides = array<i32>} : memref<4x16384x100xf32, #tpu.memory_space<vmem>>, vector<1x128x100xf32>,
    %eq3A_1397 = arith.constant 87 : i32
    %eq3A_1398 = vector.broadcast %eq3A_1397 : i32 to vector<128x100xi32>
    %eq3A_1399 = arith.cmpi eq, %iota3A_4, %eq3A_1398 : vector<128x100xi32>
    %convert_element_type3A_1400 = arith.extui %eq3A_1399 : vector<128x100xi1> to vector<128x100xi32>
    %convert_element_type3A_1401 = arith.sitofp %convert_element_type3A_1400 : vector<128x100xi32> to vector<128x100xf32>
    %dot_general3A_1402 = arith.constant dense<0.000000e+00> : vector<128x100xf32>
    %dot_general3A_1403 = tpu.matmul %convert_element_type3A, %convert_element_type3A_1401, %dot_general3A_1402 {dimension_numbers = #tpu.dot_dimension_numbers<[0], [0], [1], [1], [0, 1, 1, 1], [], []>, transpose_lhs_hint = false} : vector<128x128xf32>, vector<128x100xf32>, vector<128x100xf32> -> vector<128x100xf32>
    %eq3A_1404 = arith.cmpf oeq, %dot_general3A_1403, %convert_element_type3A_3 : vector<128x100xf32>
    %convert_element_type3A_1405 = arith.extui %eq3A_1404 : vector<128x100xi1> to vector<128x100xi32>
    %convert_element_type3A_1406 = arith.sitofp %convert_element_type3A_1405 : vector<128x100xi32> to vector<128x100xf32>
    %swap3A_1407 = arith.index_cast %rem3A_0 : i32 to index
    %swap3A_1408 = arith.constant 11136 : index
    %swap3A_1409 = arith.constant 0 : index
    %swap3A_1410 = vector.load %arg3[%swap3A_1407, %swap3A_1408, %swap3A_1409] : memref<4x16384x100xf32, #tpu.memory_space<vmem>>, vector<1x128x100xf32>
    %swap3A_1411 = vector.shape_cast %swap3A_1410 : vector<1x128x100xf32> to vector<128x100xf32>
    %swap3A_1412 = vector.shape_cast %convert_element_type3A_1406 : vector<128x100xf32> to vector<1x128x100xf32>
    tpu.vector_store %arg3[%swap3A_1407, %swap3A_1408, %swap3A_1409], %swap3A_1412 {strides = array<i32>} : memref<4x16384x100xf32, #tpu.memory_space<vmem>>, vector<1x128x100xf32>,
    %eq3A_1413 = arith.constant 88 : i32
    %eq3A_1414 = vector.broadcast %eq3A_1413 : i32 to vector<128x100xi32>
    %eq3A_1415 = arith.cmpi eq, %iota3A_4, %eq3A_1414 : vector<128x100xi32>
    %convert_element_type3A_1416 = arith.extui %eq3A_1415 : vector<128x100xi1> to vector<128x100xi32>
    %convert_element_type3A_1417 = arith.sitofp %convert_element_type3A_1416 : vector<128x100xi32> to vector<128x100xf32>
    %dot_general3A_1418 = arith.constant dense<0.000000e+00> : vector<128x100xf32>
    %dot_general3A_1419 = tpu.matmul %convert_element_type3A, %convert_element_type3A_1417, %dot_general3A_1418 {dimension_numbers = #tpu.dot_dimension_numbers<[0], [0], [1], [1], [0, 1, 1, 1], [], []>, transpose_lhs_hint = false} : vector<128x128xf32>, vector<128x100xf32>, vector<128x100xf32> -> vector<128x100xf32>
    %eq3A_1420 = arith.cmpf oeq, %dot_general3A_1419, %convert_element_type3A_3 : vector<128x100xf32>
    %convert_element_type3A_1421 = arith.extui %eq3A_1420 : vector<128x100xi1> to vector<128x100xi32>
    %convert_element_type3A_1422 = arith.sitofp %convert_element_type3A_1421 : vector<128x100xi32> to vector<128x100xf32>
    %swap3A_1423 = arith.index_cast %rem3A_0 : i32 to index
    %swap3A_1424 = arith.constant 11264 : index
    %swap3A_1425 = arith.constant 0 : index
    %swap3A_1426 = vector.load %arg3[%swap3A_1423, %swap3A_1424, %swap3A_1425] : memref<4x16384x100xf32, #tpu.memory_space<vmem>>, vector<1x128x100xf32>
    %swap3A_1427 = vector.shape_cast %swap3A_1426 : vector<1x128x100xf32> to vector<128x100xf32>
    %swap3A_1428 = vector.shape_cast %convert_element_type3A_1422 : vector<128x100xf32> to vector<1x128x100xf32>
    tpu.vector_store %arg3[%swap3A_1423, %swap3A_1424, %swap3A_1425], %swap3A_1428 {strides = array<i32>} : memref<4x16384x100xf32, #tpu.memory_space<vmem>>, vector<1x128x100xf32>,
    %eq3A_1429 = arith.constant 89 : i32
    %eq3A_1430 = vector.broadcast %eq3A_1429 : i32 to vector<128x100xi32>
    %eq3A_1431 = arith.cmpi eq, %iota3A_4, %eq3A_1430 : vector<128x100xi32>
    %convert_element_type3A_1432 = arith.extui %eq3A_1431 : vector<128x100xi1> to vector<128x100xi32>
    %convert_element_type3A_1433 = arith.sitofp %convert_element_type3A_1432 : vector<128x100xi32> to vector<128x100xf32>
    %dot_general3A_1434 = arith.constant dense<0.000000e+00> : vector<128x100xf32>
    %dot_general3A_1435 = tpu.matmul %convert_element_type3A, %convert_element_type3A_1433, %dot_general3A_1434 {dimension_numbers = #tpu.dot_dimension_numbers<[0], [0], [1], [1], [0, 1, 1, 1], [], []>, transpose_lhs_hint = false} : vector<128x128xf32>, vector<128x100xf32>, vector<128x100xf32> -> vector<128x100xf32>
    %eq3A_1436 = arith.cmpf oeq, %dot_general3A_1435, %convert_element_type3A_3 : vector<128x100xf32>
    %convert_element_type3A_1437 = arith.extui %eq3A_1436 : vector<128x100xi1> to vector<128x100xi32>
    %convert_element_type3A_1438 = arith.sitofp %convert_element_type3A_1437 : vector<128x100xi32> to vector<128x100xf32>
    %swap3A_1439 = arith.index_cast %rem3A_0 : i32 to index
    %swap3A_1440 = arith.constant 11392 : index
    %swap3A_1441 = arith.constant 0 : index
    %swap3A_1442 = vector.load %arg3[%swap3A_1439, %swap3A_1440, %swap3A_1441] : memref<4x16384x100xf32, #tpu.memory_space<vmem>>, vector<1x128x100xf32>
    %swap3A_1443 = vector.shape_cast %swap3A_1442 : vector<1x128x100xf32> to vector<128x100xf32>
    %swap3A_1444 = vector.shape_cast %convert_element_type3A_1438 : vector<128x100xf32> to vector<1x128x100xf32>
    tpu.vector_store %arg3[%swap3A_1439, %swap3A_1440, %swap3A_1441], %swap3A_1444 {strides = array<i32>} : memref<4x16384x100xf32, #tpu.memory_space<vmem>>, vector<1x128x100xf32>,
    %eq3A_1445 = arith.constant 90 : i32
    %eq3A_1446 = vector.broadcast %eq3A_1445 : i32 to vector<128x100xi32>
    %eq3A_1447 = arith.cmpi eq, %iota3A_4, %eq3A_1446 : vector<128x100xi32>
    %convert_element_type3A_1448 = arith.extui %eq3A_1447 : vector<128x100xi1> to vector<128x100xi32>
    %convert_element_type3A_1449 = arith.sitofp %convert_element_type3A_1448 : vector<128x100xi32> to vector<128x100xf32>
    %dot_general3A_1450 = arith.constant dense<0.000000e+00> : vector<128x100xf32>
    %dot_general3A_1451 = tpu.matmul %convert_element_type3A, %convert_element_type3A_1449, %dot_general3A_1450 {dimension_numbers = #tpu.dot_dimension_numbers<[0], [0], [1], [1], [0, 1, 1, 1], [], []>, transpose_lhs_hint = false} : vector<128x128xf32>, vector<128x100xf32>, vector<128x100xf32> -> vector<128x100xf32>
    %eq3A_1452 = arith.cmpf oeq, %dot_general3A_1451, %convert_element_type3A_3 : vector<128x100xf32>
    %convert_element_type3A_1453 = arith.extui %eq3A_1452 : vector<128x100xi1> to vector<128x100xi32>
    %convert_element_type3A_1454 = arith.sitofp %convert_element_type3A_1453 : vector<128x100xi32> to vector<128x100xf32>
    %swap3A_1455 = arith.index_cast %rem3A_0 : i32 to index
    %swap3A_1456 = arith.constant 11520 : index
    %swap3A_1457 = arith.constant 0 : index
    %swap3A_1458 = vector.load %arg3[%swap3A_1455, %swap3A_1456, %swap3A_1457] : memref<4x16384x100xf32, #tpu.memory_space<vmem>>, vector<1x128x100xf32>
    %swap3A_1459 = vector.shape_cast %swap3A_1458 : vector<1x128x100xf32> to vector<128x100xf32>
    %swap3A_1460 = vector.shape_cast %convert_element_type3A_1454 : vector<128x100xf32> to vector<1x128x100xf32>
    tpu.vector_store %arg3[%swap3A_1455, %swap3A_1456, %swap3A_1457], %swap3A_1460 {strides = array<i32>} : memref<4x16384x100xf32, #tpu.memory_space<vmem>>, vector<1x128x100xf32>,
    %eq3A_1461 = arith.constant 91 : i32
    %eq3A_1462 = vector.broadcast %eq3A_1461 : i32 to vector<128x100xi32>
    %eq3A_1463 = arith.cmpi eq, %iota3A_4, %eq3A_1462 : vector<128x100xi32>
    %convert_element_type3A_1464 = arith.extui %eq3A_1463 : vector<128x100xi1> to vector<128x100xi32>
    %convert_element_type3A_1465 = arith.sitofp %convert_element_type3A_1464 : vector<128x100xi32> to vector<128x100xf32>
    %dot_general3A_1466 = arith.constant dense<0.000000e+00> : vector<128x100xf32>
    %dot_general3A_1467 = tpu.matmul %convert_element_type3A, %convert_element_type3A_1465, %dot_general3A_1466 {dimension_numbers = #tpu.dot_dimension_numbers<[0], [0], [1], [1], [0, 1, 1, 1], [], []>, transpose_lhs_hint = false} : vector<128x128xf32>, vector<128x100xf32>, vector<128x100xf32> -> vector<128x100xf32>
    %eq3A_1468 = arith.cmpf oeq, %dot_general3A_1467, %convert_element_type3A_3 : vector<128x100xf32>
    %convert_element_type3A_1469 = arith.extui %eq3A_1468 : vector<128x100xi1> to vector<128x100xi32>
    %convert_element_type3A_1470 = arith.sitofp %convert_element_type3A_1469 : vector<128x100xi32> to vector<128x100xf32>
    %swap3A_1471 = arith.index_cast %rem3A_0 : i32 to index
    %swap3A_1472 = arith.constant 11648 : index
    %swap3A_1473 = arith.constant 0 : index
    %swap3A_1474 = vector.load %arg3[%swap3A_1471, %swap3A_1472, %swap3A_1473] : memref<4x16384x100xf32, #tpu.memory_space<vmem>>, vector<1x128x100xf32>
    %swap3A_1475 = vector.shape_cast %swap3A_1474 : vector<1x128x100xf32> to vector<128x100xf32>
    %swap3A_1476 = vector.shape_cast %convert_element_type3A_1470 : vector<128x100xf32> to vector<1x128x100xf32>
    tpu.vector_store %arg3[%swap3A_1471, %swap3A_1472, %swap3A_1473], %swap3A_1476 {strides = array<i32>} : memref<4x16384x100xf32, #tpu.memory_space<vmem>>, vector<1x128x100xf32>,
    %eq3A_1477 = arith.constant 92 : i32
    %eq3A_1478 = vector.broadcast %eq3A_1477 : i32 to vector<128x100xi32>
    %eq3A_1479 = arith.cmpi eq, %iota3A_4, %eq3A_1478 : vector<128x100xi32>
    %convert_element_type3A_1480 = arith.extui %eq3A_1479 : vector<128x100xi1> to vector<128x100xi32>
    %convert_element_type3A_1481 = arith.sitofp %convert_element_type3A_1480 : vector<128x100xi32> to vector<128x100xf32>
    %dot_general3A_1482 = arith.constant dense<0.000000e+00> : vector<128x100xf32>
    %dot_general3A_1483 = tpu.matmul %convert_element_type3A, %convert_element_type3A_1481, %dot_general3A_1482 {dimension_numbers = #tpu.dot_dimension_numbers<[0], [0], [1], [1], [0, 1, 1, 1], [], []>, transpose_lhs_hint = false} : vector<128x128xf32>, vector<128x100xf32>, vector<128x100xf32> -> vector<128x100xf32>
    %eq3A_1484 = arith.cmpf oeq, %dot_general3A_1483, %convert_element_type3A_3 : vector<128x100xf32>
    %convert_element_type3A_1485 = arith.extui %eq3A_1484 : vector<128x100xi1> to vector<128x100xi32>
    %convert_element_type3A_1486 = arith.sitofp %convert_element_type3A_1485 : vector<128x100xi32> to vector<128x100xf32>
    %swap3A_1487 = arith.index_cast %rem3A_0 : i32 to index
    %swap3A_1488 = arith.constant 11776 : index
    %swap3A_1489 = arith.constant 0 : index
    %swap3A_1490 = vector.load %arg3[%swap3A_1487, %swap3A_1488, %swap3A_1489] : memref<4x16384x100xf32, #tpu.memory_space<vmem>>, vector<1x128x100xf32>
    %swap3A_1491 = vector.shape_cast %swap3A_1490 : vector<1x128x100xf32> to vector<128x100xf32>
    %swap3A_1492 = vector.shape_cast %convert_element_type3A_1486 : vector<128x100xf32> to vector<1x128x100xf32>
    tpu.vector_store %arg3[%swap3A_1487, %swap3A_1488, %swap3A_1489], %swap3A_1492 {strides = array<i32>} : memref<4x16384x100xf32, #tpu.memory_space<vmem>>, vector<1x128x100xf32>,
    %eq3A_1493 = arith.constant 93 : i32
    %eq3A_1494 = vector.broadcast %eq3A_1493 : i32 to vector<128x100xi32>
    %eq3A_1495 = arith.cmpi eq, %iota3A_4, %eq3A_1494 : vector<128x100xi32>
    %convert_element_type3A_1496 = arith.extui %eq3A_1495 : vector<128x100xi1> to vector<128x100xi32>
    %convert_element_type3A_1497 = arith.sitofp %convert_element_type3A_1496 : vector<128x100xi32> to vector<128x100xf32>
    %dot_general3A_1498 = arith.constant dense<0.000000e+00> : vector<128x100xf32>
    %dot_general3A_1499 = tpu.matmul %convert_element_type3A, %convert_element_type3A_1497, %dot_general3A_1498 {dimension_numbers = #tpu.dot_dimension_numbers<[0], [0], [1], [1], [0, 1, 1, 1], [], []>, transpose_lhs_hint = false} : vector<128x128xf32>, vector<128x100xf32>, vector<128x100xf32> -> vector<128x100xf32>
    %eq3A_1500 = arith.cmpf oeq, %dot_general3A_1499, %convert_element_type3A_3 : vector<128x100xf32>
    %convert_element_type3A_1501 = arith.extui %eq3A_1500 : vector<128x100xi1> to vector<128x100xi32>
    %convert_element_type3A_1502 = arith.sitofp %convert_element_type3A_1501 : vector<128x100xi32> to vector<128x100xf32>
    %swap3A_1503 = arith.index_cast %rem3A_0 : i32 to index
    %swap3A_1504 = arith.constant 11904 : index
    %swap3A_1505 = arith.constant 0 : index
    %swap3A_1506 = vector.load %arg3[%swap3A_1503, %swap3A_1504, %swap3A_1505] : memref<4x16384x100xf32, #tpu.memory_space<vmem>>, vector<1x128x100xf32>
    %swap3A_1507 = vector.shape_cast %swap3A_1506 : vector<1x128x100xf32> to vector<128x100xf32>
    %swap3A_1508 = vector.shape_cast %convert_element_type3A_1502 : vector<128x100xf32> to vector<1x128x100xf32>
    tpu.vector_store %arg3[%swap3A_1503, %swap3A_1504, %swap3A_1505], %swap3A_1508 {strides = array<i32>} : memref<4x16384x100xf32, #tpu.memory_space<vmem>>, vector<1x128x100xf32>,
    %eq3A_1509 = arith.constant 94 : i32
    %eq3A_1510 = vector.broadcast %eq3A_1509 : i32 to vector<128x100xi32>
    %eq3A_1511 = arith.cmpi eq, %iota3A_4, %eq3A_1510 : vector<128x100xi32>
    %convert_element_type3A_1512 = arith.extui %eq3A_1511 : vector<128x100xi1> to vector<128x100xi32>
    %convert_element_type3A_1513 = arith.sitofp %convert_element_type3A_1512 : vector<128x100xi32> to vector<128x100xf32>
    %dot_general3A_1514 = arith.constant dense<0.000000e+00> : vector<128x100xf32>
    %dot_general3A_1515 = tpu.matmul %convert_element_type3A, %convert_element_type3A_1513, %dot_general3A_1514 {dimension_numbers = #tpu.dot_dimension_numbers<[0], [0], [1], [1], [0, 1, 1, 1], [], []>, transpose_lhs_hint = false} : vector<128x128xf32>, vector<128x100xf32>, vector<128x100xf32> -> vector<128x100xf32>
    %eq3A_1516 = arith.cmpf oeq, %dot_general3A_1515, %convert_element_type3A_3 : vector<128x100xf32>
    %convert_element_type3A_1517 = arith.extui %eq3A_1516 : vector<128x100xi1> to vector<128x100xi32>
    %convert_element_type3A_1518 = arith.sitofp %convert_element_type3A_1517 : vector<128x100xi32> to vector<128x100xf32>
    %swap3A_1519 = arith.index_cast %rem3A_0 : i32 to index
    %swap3A_1520 = arith.constant 12032 : index
    %swap3A_1521 = arith.constant 0 : index
    %swap3A_1522 = vector.load %arg3[%swap3A_1519, %swap3A_1520, %swap3A_1521] : memref<4x16384x100xf32, #tpu.memory_space<vmem>>, vector<1x128x100xf32>
    %swap3A_1523 = vector.shape_cast %swap3A_1522 : vector<1x128x100xf32> to vector<128x100xf32>
    %swap3A_1524 = vector.shape_cast %convert_element_type3A_1518 : vector<128x100xf32> to vector<1x128x100xf32>
    tpu.vector_store %arg3[%swap3A_1519, %swap3A_1520, %swap3A_1521], %swap3A_1524 {strides = array<i32>} : memref<4x16384x100xf32, #tpu.memory_space<vmem>>, vector<1x128x100xf32>,
    %eq3A_1525 = arith.constant 95 : i32
    %eq3A_1526 = vector.broadcast %eq3A_1525 : i32 to vector<128x100xi32>
    %eq3A_1527 = arith.cmpi eq, %iota3A_4, %eq3A_1526 : vector<128x100xi32>
    %convert_element_type3A_1528 = arith.extui %eq3A_1527 : vector<128x100xi1> to vector<128x100xi32>
    %convert_element_type3A_1529 = arith.sitofp %convert_element_type3A_1528 : vector<128x100xi32> to vector<128x100xf32>
    %dot_general3A_1530 = arith.constant dense<0.000000e+00> : vector<128x100xf32>
    %dot_general3A_1531 = tpu.matmul %convert_element_type3A, %convert_element_type3A_1529, %dot_general3A_1530 {dimension_numbers = #tpu.dot_dimension_numbers<[0], [0], [1], [1], [0, 1, 1, 1], [], []>, transpose_lhs_hint = false} : vector<128x128xf32>, vector<128x100xf32>, vector<128x100xf32> -> vector<128x100xf32>
    %eq3A_1532 = arith.cmpf oeq, %dot_general3A_1531, %convert_element_type3A_3 : vector<128x100xf32>
    %convert_element_type3A_1533 = arith.extui %eq3A_1532 : vector<128x100xi1> to vector<128x100xi32>
    %convert_element_type3A_1534 = arith.sitofp %convert_element_type3A_1533 : vector<128x100xi32> to vector<128x100xf32>
    %swap3A_1535 = arith.index_cast %rem3A_0 : i32 to index
    %swap3A_1536 = arith.constant 12160 : index
    %swap3A_1537 = arith.constant 0 : index
    %swap3A_1538 = vector.load %arg3[%swap3A_1535, %swap3A_1536, %swap3A_1537] : memref<4x16384x100xf32, #tpu.memory_space<vmem>>, vector<1x128x100xf32>
    %swap3A_1539 = vector.shape_cast %swap3A_1538 : vector<1x128x100xf32> to vector<128x100xf32>
    %swap3A_1540 = vector.shape_cast %convert_element_type3A_1534 : vector<128x100xf32> to vector<1x128x100xf32>
    tpu.vector_store %arg3[%swap3A_1535, %swap3A_1536, %swap3A_1537], %swap3A_1540 {strides = array<i32>} : memref<4x16384x100xf32, #tpu.memory_space<vmem>>, vector<1x128x100xf32>,
    %eq3A_1541 = arith.constant 96 : i32
    %eq3A_1542 = vector.broadcast %eq3A_1541 : i32 to vector<128x100xi32>
    %eq3A_1543 = arith.cmpi eq, %iota3A_4, %eq3A_1542 : vector<128x100xi32>
    %convert_element_type3A_1544 = arith.extui %eq3A_1543 : vector<128x100xi1> to vector<128x100xi32>
    %convert_element_type3A_1545 = arith.sitofp %convert_element_type3A_1544 : vector<128x100xi32> to vector<128x100xf32>
    %dot_general3A_1546 = arith.constant dense<0.000000e+00> : vector<128x100xf32>
    %dot_general3A_1547 = tpu.matmul %convert_element_type3A, %convert_element_type3A_1545, %dot_general3A_1546 {dimension_numbers = #tpu.dot_dimension_numbers<[0], [0], [1], [1], [0, 1, 1, 1], [], []>, transpose_lhs_hint = false} : vector<128x128xf32>, vector<128x100xf32>, vector<128x100xf32> -> vector<128x100xf32>
    %eq3A_1548 = arith.cmpf oeq, %dot_general3A_1547, %convert_element_type3A_3 : vector<128x100xf32>
    %convert_element_type3A_1549 = arith.extui %eq3A_1548 : vector<128x100xi1> to vector<128x100xi32>
    %convert_element_type3A_1550 = arith.sitofp %convert_element_type3A_1549 : vector<128x100xi32> to vector<128x100xf32>
    %swap3A_1551 = arith.index_cast %rem3A_0 : i32 to index
    %swap3A_1552 = arith.constant 12288 : index
    %swap3A_1553 = arith.constant 0 : index
    %swap3A_1554 = vector.load %arg3[%swap3A_1551, %swap3A_1552, %swap3A_1553] : memref<4x16384x100xf32, #tpu.memory_space<vmem>>, vector<1x128x100xf32>
    %swap3A_1555 = vector.shape_cast %swap3A_1554 : vector<1x128x100xf32> to vector<128x100xf32>
    %swap3A_1556 = vector.shape_cast %convert_element_type3A_1550 : vector<128x100xf32> to vector<1x128x100xf32>
    tpu.vector_store %arg3[%swap3A_1551, %swap3A_1552, %swap3A_1553], %swap3A_1556 {strides = array<i32>} : memref<4x16384x100xf32, #tpu.memory_space<vmem>>, vector<1x128x100xf32>,
    %eq3A_1557 = arith.constant 97 : i32
    %eq3A_1558 = vector.broadcast %eq3A_1557 : i32 to vector<128x100xi32>
    %eq3A_1559 = arith.cmpi eq, %iota3A_4, %eq3A_1558 : vector<128x100xi32>
    %convert_element_type3A_1560 = arith.extui %eq3A_1559 : vector<128x100xi1> to vector<128x100xi32>
    %convert_element_type3A_1561 = arith.sitofp %convert_element_type3A_1560 : vector<128x100xi32> to vector<128x100xf32>
    %dot_general3A_1562 = arith.constant dense<0.000000e+00> : vector<128x100xf32>
    %dot_general3A_1563 = tpu.matmul %convert_element_type3A, %convert_element_type3A_1561, %dot_general3A_1562 {dimension_numbers = #tpu.dot_dimension_numbers<[0], [0], [1], [1], [0, 1, 1, 1], [], []>, transpose_lhs_hint = false} : vector<128x128xf32>, vector<128x100xf32>, vector<128x100xf32> -> vector<128x100xf32>
    %eq3A_1564 = arith.cmpf oeq, %dot_general3A_1563, %convert_element_type3A_3 : vector<128x100xf32>
    %convert_element_type3A_1565 = arith.extui %eq3A_1564 : vector<128x100xi1> to vector<128x100xi32>
    %convert_element_type3A_1566 = arith.sitofp %convert_element_type3A_1565 : vector<128x100xi32> to vector<128x100xf32>
    %swap3A_1567 = arith.index_cast %rem3A_0 : i32 to index
    %swap3A_1568 = arith.constant 12416 : index
    %swap3A_1569 = arith.constant 0 : index
    %swap3A_1570 = vector.load %arg3[%swap3A_1567, %swap3A_1568, %swap3A_1569] : memref<4x16384x100xf32, #tpu.memory_space<vmem>>, vector<1x128x100xf32>
    %swap3A_1571 = vector.shape_cast %swap3A_1570 : vector<1x128x100xf32> to vector<128x100xf32>
    %swap3A_1572 = vector.shape_cast %convert_element_type3A_1566 : vector<128x100xf32> to vector<1x128x100xf32>
    tpu.vector_store %arg3[%swap3A_1567, %swap3A_1568, %swap3A_1569], %swap3A_1572 {strides = array<i32>} : memref<4x16384x100xf32, #tpu.memory_space<vmem>>, vector<1x128x100xf32>,
    %eq3A_1573 = arith.constant 98 : i32
    %eq3A_1574 = vector.broadcast %eq3A_1573 : i32 to vector<128x100xi32>
    %eq3A_1575 = arith.cmpi eq, %iota3A_4, %eq3A_1574 : vector<128x100xi32>
    %convert_element_type3A_1576 = arith.extui %eq3A_1575 : vector<128x100xi1> to vector<128x100xi32>
    %convert_element_type3A_1577 = arith.sitofp %convert_element_type3A_1576 : vector<128x100xi32> to vector<128x100xf32>
    %dot_general3A_1578 = arith.constant dense<0.000000e+00> : vector<128x100xf32>
    %dot_general3A_1579 = tpu.matmul %convert_element_type3A, %convert_element_type3A_1577, %dot_general3A_1578 {dimension_numbers = #tpu.dot_dimension_numbers<[0], [0], [1], [1], [0, 1, 1, 1], [], []>, transpose_lhs_hint = false} : vector<128x128xf32>, vector<128x100xf32>, vector<128x100xf32> -> vector<128x100xf32>
    %eq3A_1580 = arith.cmpf oeq, %dot_general3A_1579, %convert_element_type3A_3 : vector<128x100xf32>
    %convert_element_type3A_1581 = arith.extui %eq3A_1580 : vector<128x100xi1> to vector<128x100xi32>
    %convert_element_type3A_1582 = arith.sitofp %convert_element_type3A_1581 : vector<128x100xi32> to vector<128x100xf32>
    %swap3A_1583 = arith.index_cast %rem3A_0 : i32 to index
    %swap3A_1584 = arith.constant 12544 : index
    %swap3A_1585 = arith.constant 0 : index
    %swap3A_1586 = vector.load %arg3[%swap3A_1583, %swap3A_1584, %swap3A_1585] : memref<4x16384x100xf32, #tpu.memory_space<vmem>>, vector<1x128x100xf32>
    %swap3A_1587 = vector.shape_cast %swap3A_1586 : vector<1x128x100xf32> to vector<128x100xf32>
    %swap3A_1588 = vector.shape_cast %convert_element_type3A_1582 : vector<128x100xf32> to vector<1x128x100xf32>
    tpu.vector_store %arg3[%swap3A_1583, %swap3A_1584, %swap3A_1585], %swap3A_1588 {strides = array<i32>} : memref<4x16384x100xf32, #tpu.memory_space<vmem>>, vector<1x128x100xf32>,
    %eq3A_1589 = arith.constant 99 : i32
    %eq3A_1590 = vector.broadcast %eq3A_1589 : i32 to vector<128x100xi32>
    %eq3A_1591 = arith.cmpi eq, %iota3A_4, %eq3A_1590 : vector<128x100xi32>
    %convert_element_type3A_1592 = arith.extui %eq3A_1591 : vector<128x100xi1> to vector<128x100xi32>
    %convert_element_type3A_1593 = arith.sitofp %convert_element_type3A_1592 : vector<128x100xi32> to vector<128x100xf32>
    %dot_general3A_1594 = arith.constant dense<0.000000e+00> : vector<128x100xf32>
    %dot_general3A_1595 = tpu.matmul %convert_element_type3A, %convert_element_type3A_1593, %dot_general3A_1594 {dimension_numbers = #tpu.dot_dimension_numbers<[0], [0], [1], [1], [0, 1, 1, 1], [], []>, transpose_lhs_hint = false} : vector<128x128xf32>, vector<128x100xf32>, vector<128x100xf32> -> vector<128x100xf32>
    %eq3A_1596 = arith.cmpf oeq, %dot_general3A_1595, %convert_element_type3A_3 : vector<128x100xf32>
    %convert_element_type3A_1597 = arith.extui %eq3A_1596 : vector<128x100xi1> to vector<128x100xi32>
    %convert_element_type3A_1598 = arith.sitofp %convert_element_type3A_1597 : vector<128x100xi32> to vector<128x100xf32>
    %swap3A_1599 = arith.index_cast %rem3A_0 : i32 to index
    %swap3A_1600 = arith.constant 12672 : index
    %swap3A_1601 = arith.constant 0 : index
    %swap3A_1602 = vector.load %arg3[%swap3A_1599, %swap3A_1600, %swap3A_1601] : memref<4x16384x100xf32, #tpu.memory_space<vmem>>, vector<1x128x100xf32>
    %swap3A_1603 = vector.shape_cast %swap3A_1602 : vector<1x128x100xf32> to vector<128x100xf32>
    %swap3A_1604 = vector.shape_cast %convert_element_type3A_1598 : vector<128x100xf32> to vector<1x128x100xf32>
    tpu.vector_store %arg3[%swap3A_1599, %swap3A_1600, %swap3A_1601], %swap3A_1604 {strides = array<i32>} : memref<4x16384x100xf32, #tpu.memory_space<vmem>>, vector<1x128x100xf32>,
    %eq3A_1605 = arith.constant 100 : i32
    %eq3A_1606 = vector.broadcast %eq3A_1605 : i32 to vector<128x100xi32>
    %eq3A_1607 = arith.cmpi eq, %iota3A_4, %eq3A_1606 : vector<128x100xi32>
    %convert_element_type3A_1608 = arith.extui %eq3A_1607 : vector<128x100xi1> to vector<128x100xi32>
    %convert_element_type3A_1609 = arith.sitofp %convert_element_type3A_1608 : vector<128x100xi32> to vector<128x100xf32>
    %dot_general3A_1610 = arith.constant dense<0.000000e+00> : vector<128x100xf32>
    %dot_general3A_1611 = tpu.matmul %convert_element_type3A, %convert_element_type3A_1609, %dot_general3A_1610 {dimension_numbers = #tpu.dot_dimension_numbers<[0], [0], [1], [1], [0, 1, 1, 1], [], []>, transpose_lhs_hint = false} : vector<128x128xf32>, vector<128x100xf32>, vector<128x100xf32> -> vector<128x100xf32>
    %eq3A_1612 = arith.cmpf oeq, %dot_general3A_1611, %convert_element_type3A_3 : vector<128x100xf32>
    %convert_element_type3A_1613 = arith.extui %eq3A_1612 : vector<128x100xi1> to vector<128x100xi32>
    %convert_element_type3A_1614 = arith.sitofp %convert_element_type3A_1613 : vector<128x100xi32> to vector<128x100xf32>
    %swap3A_1615 = arith.index_cast %rem3A_0 : i32 to index
    %swap3A_1616 = arith.constant 12800 : index
    %swap3A_1617 = arith.constant 0 : index
    %swap3A_1618 = vector.load %arg3[%swap3A_1615, %swap3A_1616, %swap3A_1617] : memref<4x16384x100xf32, #tpu.memory_space<vmem>>, vector<1x128x100xf32>
    %swap3A_1619 = vector.shape_cast %swap3A_1618 : vector<1x128x100xf32> to vector<128x100xf32>
    %swap3A_1620 = vector.shape_cast %convert_element_type3A_1614 : vector<128x100xf32> to vector<1x128x100xf32>
    tpu.vector_store %arg3[%swap3A_1615, %swap3A_1616, %swap3A_1617], %swap3A_1620 {strides = array<i32>} : memref<4x16384x100xf32, #tpu.memory_space<vmem>>, vector<1x128x100xf32>,
    %eq3A_1621 = arith.constant 101 : i32
    %eq3A_1622 = vector.broadcast %eq3A_1621 : i32 to vector<128x100xi32>
    %eq3A_1623 = arith.cmpi eq, %iota3A_4, %eq3A_1622 : vector<128x100xi32>
    %convert_element_type3A_1624 = arith.extui %eq3A_1623 : vector<128x100xi1> to vector<128x100xi32>
    %convert_element_type3A_1625 = arith.sitofp %convert_element_type3A_1624 : vector<128x100xi32> to vector<128x100xf32>
    %dot_general3A_1626 = arith.constant dense<0.000000e+00> : vector<128x100xf32>
    %dot_general3A_1627 = tpu.matmul %convert_element_type3A, %convert_element_type3A_1625, %dot_general3A_1626 {dimension_numbers = #tpu.dot_dimension_numbers<[0], [0], [1], [1], [0, 1, 1, 1], [], []>, transpose_lhs_hint = false} : vector<128x128xf32>, vector<128x100xf32>, vector<128x100xf32> -> vector<128x100xf32>
    %eq3A_1628 = arith.cmpf oeq, %dot_general3A_1627, %convert_element_type3A_3 : vector<128x100xf32>
    %convert_element_type3A_1629 = arith.extui %eq3A_1628 : vector<128x100xi1> to vector<128x100xi32>
    %convert_element_type3A_1630 = arith.sitofp %convert_element_type3A_1629 : vector<128x100xi32> to vector<128x100xf32>
    %swap3A_1631 = arith.index_cast %rem3A_0 : i32 to index
    %swap3A_1632 = arith.constant 12928 : index
    %swap3A_1633 = arith.constant 0 : index
    %swap3A_1634 = vector.load %arg3[%swap3A_1631, %swap3A_1632, %swap3A_1633] : memref<4x16384x100xf32, #tpu.memory_space<vmem>>, vector<1x128x100xf32>
    %swap3A_1635 = vector.shape_cast %swap3A_1634 : vector<1x128x100xf32> to vector<128x100xf32>
    %swap3A_1636 = vector.shape_cast %convert_element_type3A_1630 : vector<128x100xf32> to vector<1x128x100xf32>
    tpu.vector_store %arg3[%swap3A_1631, %swap3A_1632, %swap3A_1633], %swap3A_1636 {strides = array<i32>} : memref<4x16384x100xf32, #tpu.memory_space<vmem>>, vector<1x128x100xf32>,
    %eq3A_1637 = arith.constant 102 : i32
    %eq3A_1638 = vector.broadcast %eq3A_1637 : i32 to vector<128x100xi32>
    %eq3A_1639 = arith.cmpi eq, %iota3A_4, %eq3A_1638 : vector<128x100xi32>
    %convert_element_type3A_1640 = arith.extui %eq3A_1639 : vector<128x100xi1> to vector<128x100xi32>
    %convert_element_type3A_1641 = arith.sitofp %convert_element_type3A_1640 : vector<128x100xi32> to vector<128x100xf32>
    %dot_general3A_1642 = arith.constant dense<0.000000e+00> : vector<128x100xf32>
    %dot_general3A_1643 = tpu.matmul %convert_element_type3A, %convert_element_type3A_1641, %dot_general3A_1642 {dimension_numbers = #tpu.dot_dimension_numbers<[0], [0], [1], [1], [0, 1, 1, 1], [], []>, transpose_lhs_hint = false} : vector<128x128xf32>, vector<128x100xf32>, vector<128x100xf32> -> vector<128x100xf32>
    %eq3A_1644 = arith.cmpf oeq, %dot_general3A_1643, %convert_element_type3A_3 : vector<128x100xf32>
    %convert_element_type3A_1645 = arith.extui %eq3A_1644 : vector<128x100xi1> to vector<128x100xi32>
    %convert_element_type3A_1646 = arith.sitofp %convert_element_type3A_1645 : vector<128x100xi32> to vector<128x100xf32>
    %swap3A_1647 = arith.index_cast %rem3A_0 : i32 to index
    %swap3A_1648 = arith.constant 13056 : index
    %swap3A_1649 = arith.constant 0 : index
    %swap3A_1650 = vector.load %arg3[%swap3A_1647, %swap3A_1648, %swap3A_1649] : memref<4x16384x100xf32, #tpu.memory_space<vmem>>, vector<1x128x100xf32>
    %swap3A_1651 = vector.shape_cast %swap3A_1650 : vector<1x128x100xf32> to vector<128x100xf32>
    %swap3A_1652 = vector.shape_cast %convert_element_type3A_1646 : vector<128x100xf32> to vector<1x128x100xf32>
    tpu.vector_store %arg3[%swap3A_1647, %swap3A_1648, %swap3A_1649], %swap3A_1652 {strides = array<i32>} : memref<4x16384x100xf32, #tpu.memory_space<vmem>>, vector<1x128x100xf32>,
    %eq3A_1653 = arith.constant 103 : i32
    %eq3A_1654 = vector.broadcast %eq3A_1653 : i32 to vector<128x100xi32>
    %eq3A_1655 = arith.cmpi eq, %iota3A_4, %eq3A_1654 : vector<128x100xi32>
    %convert_element_type3A_1656 = arith.extui %eq3A_1655 : vector<128x100xi1> to vector<128x100xi32>
    %convert_element_type3A_1657 = arith.sitofp %convert_element_type3A_1656 : vector<128x100xi32> to vector<128x100xf32>
    %dot_general3A_1658 = arith.constant dense<0.000000e+00> : vector<128x100xf32>
    %dot_general3A_1659 = tpu.matmul %convert_element_type3A, %convert_element_type3A_1657, %dot_general3A_1658 {dimension_numbers = #tpu.dot_dimension_numbers<[0], [0], [1], [1], [0, 1, 1, 1], [], []>, transpose_lhs_hint = false} : vector<128x128xf32>, vector<128x100xf32>, vector<128x100xf32> -> vector<128x100xf32>
    %eq3A_1660 = arith.cmpf oeq, %dot_general3A_1659, %convert_element_type3A_3 : vector<128x100xf32>
    %convert_element_type3A_1661 = arith.extui %eq3A_1660 : vector<128x100xi1> to vector<128x100xi32>
    %convert_element_type3A_1662 = arith.sitofp %convert_element_type3A_1661 : vector<128x100xi32> to vector<128x100xf32>
    %swap3A_1663 = arith.index_cast %rem3A_0 : i32 to index
    %swap3A_1664 = arith.constant 13184 : index
    %swap3A_1665 = arith.constant 0 : index
    %swap3A_1666 = vector.load %arg3[%swap3A_1663, %swap3A_1664, %swap3A_1665] : memref<4x16384x100xf32, #tpu.memory_space<vmem>>, vector<1x128x100xf32>
    %swap3A_1667 = vector.shape_cast %swap3A_1666 : vector<1x128x100xf32> to vector<128x100xf32>
    %swap3A_1668 = vector.shape_cast %convert_element_type3A_1662 : vector<128x100xf32> to vector<1x128x100xf32>
    tpu.vector_store %arg3[%swap3A_1663, %swap3A_1664, %swap3A_1665], %swap3A_1668 {strides = array<i32>} : memref<4x16384x100xf32, #tpu.memory_space<vmem>>, vector<1x128x100xf32>,
    %eq3A_1669 = arith.constant 104 : i32
    %eq3A_1670 = vector.broadcast %eq3A_1669 : i32 to vector<128x100xi32>
    %eq3A_1671 = arith.cmpi eq, %iota3A_4, %eq3A_1670 : vector<128x100xi32>
    %convert_element_type3A_1672 = arith.extui %eq3A_1671 : vector<128x100xi1> to vector<128x100xi32>
    %convert_element_type3A_1673 = arith.sitofp %convert_element_type3A_1672 : vector<128x100xi32> to vector<128x100xf32>
    %dot_general3A_1674 = arith.constant dense<0.000000e+00> : vector<128x100xf32>
    %dot_general3A_1675 = tpu.matmul %convert_element_type3A, %convert_element_type3A_1673, %dot_general3A_1674 {dimension_numbers = #tpu.dot_dimension_numbers<[0], [0], [1], [1], [0, 1, 1, 1], [], []>, transpose_lhs_hint = false} : vector<128x128xf32>, vector<128x100xf32>, vector<128x100xf32> -> vector<128x100xf32>
    %eq3A_1676 = arith.cmpf oeq, %dot_general3A_1675, %convert_element_type3A_3 : vector<128x100xf32>
    %convert_element_type3A_1677 = arith.extui %eq3A_1676 : vector<128x100xi1> to vector<128x100xi32>
    %convert_element_type3A_1678 = arith.sitofp %convert_element_type3A_1677 : vector<128x100xi32> to vector<128x100xf32>
    %swap3A_1679 = arith.index_cast %rem3A_0 : i32 to index
    %swap3A_1680 = arith.constant 13312 : index
    %swap3A_1681 = arith.constant 0 : index
    %swap3A_1682 = vector.load %arg3[%swap3A_1679, %swap3A_1680, %swap3A_1681] : memref<4x16384x100xf32, #tpu.memory_space<vmem>>, vector<1x128x100xf32>
    %swap3A_1683 = vector.shape_cast %swap3A_1682 : vector<1x128x100xf32> to vector<128x100xf32>
    %swap3A_1684 = vector.shape_cast %convert_element_type3A_1678 : vector<128x100xf32> to vector<1x128x100xf32>
    tpu.vector_store %arg3[%swap3A_1679, %swap3A_1680, %swap3A_1681], %swap3A_1684 {strides = array<i32>} : memref<4x16384x100xf32, #tpu.memory_space<vmem>>, vector<1x128x100xf32>,
    %eq3A_1685 = arith.constant 105 : i32
    %eq3A_1686 = vector.broadcast %eq3A_1685 : i32 to vector<128x100xi32>
    %eq3A_1687 = arith.cmpi eq, %iota3A_4, %eq3A_1686 : vector<128x100xi32>
    %convert_element_type3A_1688 = arith.extui %eq3A_1687 : vector<128x100xi1> to vector<128x100xi32>
    %convert_element_type3A_1689 = arith.sitofp %convert_element_type3A_1688 : vector<128x100xi32> to vector<128x100xf32>
    %dot_general3A_1690 = arith.constant dense<0.000000e+00> : vector<128x100xf32>
    %dot_general3A_1691 = tpu.matmul %convert_element_type3A, %convert_element_type3A_1689, %dot_general3A_1690 {dimension_numbers = #tpu.dot_dimension_numbers<[0], [0], [1], [1], [0, 1, 1, 1], [], []>, transpose_lhs_hint = false} : vector<128x128xf32>, vector<128x100xf32>, vector<128x100xf32> -> vector<128x100xf32>
    %eq3A_1692 = arith.cmpf oeq, %dot_general3A_1691, %convert_element_type3A_3 : vector<128x100xf32>
    %convert_element_type3A_1693 = arith.extui %eq3A_1692 : vector<128x100xi1> to vector<128x100xi32>
    %convert_element_type3A_1694 = arith.sitofp %convert_element_type3A_1693 : vector<128x100xi32> to vector<128x100xf32>
    %swap3A_1695 = arith.index_cast %rem3A_0 : i32 to index
    %swap3A_1696 = arith.constant 13440 : index
    %swap3A_1697 = arith.constant 0 : index
    %swap3A_1698 = vector.load %arg3[%swap3A_1695, %swap3A_1696, %swap3A_1697] : memref<4x16384x100xf32, #tpu.memory_space<vmem>>, vector<1x128x100xf32>
    %swap3A_1699 = vector.shape_cast %swap3A_1698 : vector<1x128x100xf32> to vector<128x100xf32>
    %swap3A_1700 = vector.shape_cast %convert_element_type3A_1694 : vector<128x100xf32> to vector<1x128x100xf32>
    tpu.vector_store %arg3[%swap3A_1695, %swap3A_1696, %swap3A_1697], %swap3A_1700 {strides = array<i32>} : memref<4x16384x100xf32, #tpu.memory_space<vmem>>, vector<1x128x100xf32>,
    %eq3A_1701 = arith.constant 106 : i32
    %eq3A_1702 = vector.broadcast %eq3A_1701 : i32 to vector<128x100xi32>
    %eq3A_1703 = arith.cmpi eq, %iota3A_4, %eq3A_1702 : vector<128x100xi32>
    %convert_element_type3A_1704 = arith.extui %eq3A_1703 : vector<128x100xi1> to vector<128x100xi32>
    %convert_element_type3A_1705 = arith.sitofp %convert_element_type3A_1704 : vector<128x100xi32> to vector<128x100xf32>
    %dot_general3A_1706 = arith.constant dense<0.000000e+00> : vector<128x100xf32>
    %dot_general3A_1707 = tpu.matmul %convert_element_type3A, %convert_element_type3A_1705, %dot_general3A_1706 {dimension_numbers = #tpu.dot_dimension_numbers<[0], [0], [1], [1], [0, 1, 1, 1], [], []>, transpose_lhs_hint = false} : vector<128x128xf32>, vector<128x100xf32>, vector<128x100xf32> -> vector<128x100xf32>
    %eq3A_1708 = arith.cmpf oeq, %dot_general3A_1707, %convert_element_type3A_3 : vector<128x100xf32>
    %convert_element_type3A_1709 = arith.extui %eq3A_1708 : vector<128x100xi1> to vector<128x100xi32>
    %convert_element_type3A_1710 = arith.sitofp %convert_element_type3A_1709 : vector<128x100xi32> to vector<128x100xf32>
    %swap3A_1711 = arith.index_cast %rem3A_0 : i32 to index
    %swap3A_1712 = arith.constant 13568 : index
    %swap3A_1713 = arith.constant 0 : index
    %swap3A_1714 = vector.load %arg3[%swap3A_1711, %swap3A_1712, %swap3A_1713] : memref<4x16384x100xf32, #tpu.memory_space<vmem>>, vector<1x128x100xf32>
    %swap3A_1715 = vector.shape_cast %swap3A_1714 : vector<1x128x100xf32> to vector<128x100xf32>
    %swap3A_1716 = vector.shape_cast %convert_element_type3A_1710 : vector<128x100xf32> to vector<1x128x100xf32>
    tpu.vector_store %arg3[%swap3A_1711, %swap3A_1712, %swap3A_1713], %swap3A_1716 {strides = array<i32>} : memref<4x16384x100xf32, #tpu.memory_space<vmem>>, vector<1x128x100xf32>,
    %eq3A_1717 = arith.constant 107 : i32
    %eq3A_1718 = vector.broadcast %eq3A_1717 : i32 to vector<128x100xi32>
    %eq3A_1719 = arith.cmpi eq, %iota3A_4, %eq3A_1718 : vector<128x100xi32>
    %convert_element_type3A_1720 = arith.extui %eq3A_1719 : vector<128x100xi1> to vector<128x100xi32>
    %convert_element_type3A_1721 = arith.sitofp %convert_element_type3A_1720 : vector<128x100xi32> to vector<128x100xf32>
    %dot_general3A_1722 = arith.constant dense<0.000000e+00> : vector<128x100xf32>
    %dot_general3A_1723 = tpu.matmul %convert_element_type3A, %convert_element_type3A_1721, %dot_general3A_1722 {dimension_numbers = #tpu.dot_dimension_numbers<[0], [0], [1], [1], [0, 1, 1, 1], [], []>, transpose_lhs_hint = false} : vector<128x128xf32>, vector<128x100xf32>, vector<128x100xf32> -> vector<128x100xf32>
    %eq3A_1724 = arith.cmpf oeq, %dot_general3A_1723, %convert_element_type3A_3 : vector<128x100xf32>
    %convert_element_type3A_1725 = arith.extui %eq3A_1724 : vector<128x100xi1> to vector<128x100xi32>
    %convert_element_type3A_1726 = arith.sitofp %convert_element_type3A_1725 : vector<128x100xi32> to vector<128x100xf32>
    %swap3A_1727 = arith.index_cast %rem3A_0 : i32 to index
    %swap3A_1728 = arith.constant 13696 : index
    %swap3A_1729 = arith.constant 0 : index
    %swap3A_1730 = vector.load %arg3[%swap3A_1727, %swap3A_1728, %swap3A_1729] : memref<4x16384x100xf32, #tpu.memory_space<vmem>>, vector<1x128x100xf32>
    %swap3A_1731 = vector.shape_cast %swap3A_1730 : vector<1x128x100xf32> to vector<128x100xf32>
    %swap3A_1732 = vector.shape_cast %convert_element_type3A_1726 : vector<128x100xf32> to vector<1x128x100xf32>
    tpu.vector_store %arg3[%swap3A_1727, %swap3A_1728, %swap3A_1729], %swap3A_1732 {strides = array<i32>} : memref<4x16384x100xf32, #tpu.memory_space<vmem>>, vector<1x128x100xf32>,
    %eq3A_1733 = arith.constant 108 : i32
    %eq3A_1734 = vector.broadcast %eq3A_1733 : i32 to vector<128x100xi32>
    %eq3A_1735 = arith.cmpi eq, %iota3A_4, %eq3A_1734 : vector<128x100xi32>
    %convert_element_type3A_1736 = arith.extui %eq3A_1735 : vector<128x100xi1> to vector<128x100xi32>
    %convert_element_type3A_1737 = arith.sitofp %convert_element_type3A_1736 : vector<128x100xi32> to vector<128x100xf32>
    %dot_general3A_1738 = arith.constant dense<0.000000e+00> : vector<128x100xf32>
    %dot_general3A_1739 = tpu.matmul %convert_element_type3A, %convert_element_type3A_1737, %dot_general3A_1738 {dimension_numbers = #tpu.dot_dimension_numbers<[0], [0], [1], [1], [0, 1, 1, 1], [], []>, transpose_lhs_hint = false} : vector<128x128xf32>, vector<128x100xf32>, vector<128x100xf32> -> vector<128x100xf32>
    %eq3A_1740 = arith.cmpf oeq, %dot_general3A_1739, %convert_element_type3A_3 : vector<128x100xf32>
    %convert_element_type3A_1741 = arith.extui %eq3A_1740 : vector<128x100xi1> to vector<128x100xi32>
    %convert_element_type3A_1742 = arith.sitofp %convert_element_type3A_1741 : vector<128x100xi32> to vector<128x100xf32>
    %swap3A_1743 = arith.index_cast %rem3A_0 : i32 to index
    %swap3A_1744 = arith.constant 13824 : index
    %swap3A_1745 = arith.constant 0 : index
    %swap3A_1746 = vector.load %arg3[%swap3A_1743, %swap3A_1744, %swap3A_1745] : memref<4x16384x100xf32, #tpu.memory_space<vmem>>, vector<1x128x100xf32>
    %swap3A_1747 = vector.shape_cast %swap3A_1746 : vector<1x128x100xf32> to vector<128x100xf32>
    %swap3A_1748 = vector.shape_cast %convert_element_type3A_1742 : vector<128x100xf32> to vector<1x128x100xf32>
    tpu.vector_store %arg3[%swap3A_1743, %swap3A_1744, %swap3A_1745], %swap3A_1748 {strides = array<i32>} : memref<4x16384x100xf32, #tpu.memory_space<vmem>>, vector<1x128x100xf32>,
    %eq3A_1749 = arith.constant 109 : i32
    %eq3A_1750 = vector.broadcast %eq3A_1749 : i32 to vector<128x100xi32>
    %eq3A_1751 = arith.cmpi eq, %iota3A_4, %eq3A_1750 : vector<128x100xi32>
    %convert_element_type3A_1752 = arith.extui %eq3A_1751 : vector<128x100xi1> to vector<128x100xi32>
    %convert_element_type3A_1753 = arith.sitofp %convert_element_type3A_1752 : vector<128x100xi32> to vector<128x100xf32>
    %dot_general3A_1754 = arith.constant dense<0.000000e+00> : vector<128x100xf32>
    %dot_general3A_1755 = tpu.matmul %convert_element_type3A, %convert_element_type3A_1753, %dot_general3A_1754 {dimension_numbers = #tpu.dot_dimension_numbers<[0], [0], [1], [1], [0, 1, 1, 1], [], []>, transpose_lhs_hint = false} : vector<128x128xf32>, vector<128x100xf32>, vector<128x100xf32> -> vector<128x100xf32>
    %eq3A_1756 = arith.cmpf oeq, %dot_general3A_1755, %convert_element_type3A_3 : vector<128x100xf32>
    %convert_element_type3A_1757 = arith.extui %eq3A_1756 : vector<128x100xi1> to vector<128x100xi32>
    %convert_element_type3A_1758 = arith.sitofp %convert_element_type3A_1757 : vector<128x100xi32> to vector<128x100xf32>
    %swap3A_1759 = arith.index_cast %rem3A_0 : i32 to index
    %swap3A_1760 = arith.constant 13952 : index
    %swap3A_1761 = arith.constant 0 : index
    %swap3A_1762 = vector.load %arg3[%swap3A_1759, %swap3A_1760, %swap3A_1761] : memref<4x16384x100xf32, #tpu.memory_space<vmem>>, vector<1x128x100xf32>
    %swap3A_1763 = vector.shape_cast %swap3A_1762 : vector<1x128x100xf32> to vector<128x100xf32>
    %swap3A_1764 = vector.shape_cast %convert_element_type3A_1758 : vector<128x100xf32> to vector<1x128x100xf32>
    tpu.vector_store %arg3[%swap3A_1759, %swap3A_1760, %swap3A_1761], %swap3A_1764 {strides = array<i32>} : memref<4x16384x100xf32, #tpu.memory_space<vmem>>, vector<1x128x100xf32>,
    %eq3A_1765 = arith.constant 110 : i32
    %eq3A_1766 = vector.broadcast %eq3A_1765 : i32 to vector<128x100xi32>
    %eq3A_1767 = arith.cmpi eq, %iota3A_4, %eq3A_1766 : vector<128x100xi32>
    %convert_element_type3A_1768 = arith.extui %eq3A_1767 : vector<128x100xi1> to vector<128x100xi32>
    %convert_element_type3A_1769 = arith.sitofp %convert_element_type3A_1768 : vector<128x100xi32> to vector<128x100xf32>
    %dot_general3A_1770 = arith.constant dense<0.000000e+00> : vector<128x100xf32>
    %dot_general3A_1771 = tpu.matmul %convert_element_type3A, %convert_element_type3A_1769, %dot_general3A_1770 {dimension_numbers = #tpu.dot_dimension_numbers<[0], [0], [1], [1], [0, 1, 1, 1], [], []>, transpose_lhs_hint = false} : vector<128x128xf32>, vector<128x100xf32>, vector<128x100xf32> -> vector<128x100xf32>
    %eq3A_1772 = arith.cmpf oeq, %dot_general3A_1771, %convert_element_type3A_3 : vector<128x100xf32>
    %convert_element_type3A_1773 = arith.extui %eq3A_1772 : vector<128x100xi1> to vector<128x100xi32>
    %convert_element_type3A_1774 = arith.sitofp %convert_element_type3A_1773 : vector<128x100xi32> to vector<128x100xf32>
    %swap3A_1775 = arith.index_cast %rem3A_0 : i32 to index
    %swap3A_1776 = arith.constant 14080 : index
    %swap3A_1777 = arith.constant 0 : index
    %swap3A_1778 = vector.load %arg3[%swap3A_1775, %swap3A_1776, %swap3A_1777] : memref<4x16384x100xf32, #tpu.memory_space<vmem>>, vector<1x128x100xf32>
    %swap3A_1779 = vector.shape_cast %swap3A_1778 : vector<1x128x100xf32> to vector<128x100xf32>
    %swap3A_1780 = vector.shape_cast %convert_element_type3A_1774 : vector<128x100xf32> to vector<1x128x100xf32>
    tpu.vector_store %arg3[%swap3A_1775, %swap3A_1776, %swap3A_1777], %swap3A_1780 {strides = array<i32>} : memref<4x16384x100xf32, #tpu.memory_space<vmem>>, vector<1x128x100xf32>,
    %eq3A_1781 = arith.constant 111 : i32
    %eq3A_1782 = vector.broadcast %eq3A_1781 : i32 to vector<128x100xi32>
    %eq3A_1783 = arith.cmpi eq, %iota3A_4, %eq3A_1782 : vector<128x100xi32>
    %convert_element_type3A_1784 = arith.extui %eq3A_1783 : vector<128x100xi1> to vector<128x100xi32>
    %convert_element_type3A_1785 = arith.sitofp %convert_element_type3A_1784 : vector<128x100xi32> to vector<128x100xf32>
    %dot_general3A_1786 = arith.constant dense<0.000000e+00> : vector<128x100xf32>
    %dot_general3A_1787 = tpu.matmul %convert_element_type3A, %convert_element_type3A_1785, %dot_general3A_1786 {dimension_numbers = #tpu.dot_dimension_numbers<[0], [0], [1], [1], [0, 1, 1, 1], [], []>, transpose_lhs_hint = false} : vector<128x128xf32>, vector<128x100xf32>, vector<128x100xf32> -> vector<128x100xf32>
    %eq3A_1788 = arith.cmpf oeq, %dot_general3A_1787, %convert_element_type3A_3 : vector<128x100xf32>
    %convert_element_type3A_1789 = arith.extui %eq3A_1788 : vector<128x100xi1> to vector<128x100xi32>
    %convert_element_type3A_1790 = arith.sitofp %convert_element_type3A_1789 : vector<128x100xi32> to vector<128x100xf32>
    %swap3A_1791 = arith.index_cast %rem3A_0 : i32 to index
    %swap3A_1792 = arith.constant 14208 : index
    %swap3A_1793 = arith.constant 0 : index
    %swap3A_1794 = vector.load %arg3[%swap3A_1791, %swap3A_1792, %swap3A_1793] : memref<4x16384x100xf32, #tpu.memory_space<vmem>>, vector<1x128x100xf32>
    %swap3A_1795 = vector.shape_cast %swap3A_1794 : vector<1x128x100xf32> to vector<128x100xf32>
    %swap3A_1796 = vector.shape_cast %convert_element_type3A_1790 : vector<128x100xf32> to vector<1x128x100xf32>
    tpu.vector_store %arg3[%swap3A_1791, %swap3A_1792, %swap3A_1793], %swap3A_1796 {strides = array<i32>} : memref<4x16384x100xf32, #tpu.memory_space<vmem>>, vector<1x128x100xf32>,
    %eq3A_1797 = arith.constant 112 : i32
    %eq3A_1798 = vector.broadcast %eq3A_1797 : i32 to vector<128x100xi32>
    %eq3A_1799 = arith.cmpi eq, %iota3A_4, %eq3A_1798 : vector<128x100xi32>
    %convert_element_type3A_1800 = arith.extui %eq3A_1799 : vector<128x100xi1> to vector<128x100xi32>
    %convert_element_type3A_1801 = arith.sitofp %convert_element_type3A_1800 : vector<128x100xi32> to vector<128x100xf32>
    %dot_general3A_1802 = arith.constant dense<0.000000e+00> : vector<128x100xf32>
    %dot_general3A_1803 = tpu.matmul %convert_element_type3A, %convert_element_type3A_1801, %dot_general3A_1802 {dimension_numbers = #tpu.dot_dimension_numbers<[0], [0], [1], [1], [0, 1, 1, 1], [], []>, transpose_lhs_hint = false} : vector<128x128xf32>, vector<128x100xf32>, vector<128x100xf32> -> vector<128x100xf32>
    %eq3A_1804 = arith.cmpf oeq, %dot_general3A_1803, %convert_element_type3A_3 : vector<128x100xf32>
    %convert_element_type3A_1805 = arith.extui %eq3A_1804 : vector<128x100xi1> to vector<128x100xi32>
    %convert_element_type3A_1806 = arith.sitofp %convert_element_type3A_1805 : vector<128x100xi32> to vector<128x100xf32>
    %swap3A_1807 = arith.index_cast %rem3A_0 : i32 to index
    %swap3A_1808 = arith.constant 14336 : index
    %swap3A_1809 = arith.constant 0 : index
    %swap3A_1810 = vector.load %arg3[%swap3A_1807, %swap3A_1808, %swap3A_1809] : memref<4x16384x100xf32, #tpu.memory_space<vmem>>, vector<1x128x100xf32>
    %swap3A_1811 = vector.shape_cast %swap3A_1810 : vector<1x128x100xf32> to vector<128x100xf32>
    %swap3A_1812 = vector.shape_cast %convert_element_type3A_1806 : vector<128x100xf32> to vector<1x128x100xf32>
    tpu.vector_store %arg3[%swap3A_1807, %swap3A_1808, %swap3A_1809], %swap3A_1812 {strides = array<i32>} : memref<4x16384x100xf32, #tpu.memory_space<vmem>>, vector<1x128x100xf32>,
    %eq3A_1813 = arith.constant 113 : i32
    %eq3A_1814 = vector.broadcast %eq3A_1813 : i32 to vector<128x100xi32>
    %eq3A_1815 = arith.cmpi eq, %iota3A_4, %eq3A_1814 : vector<128x100xi32>
    %convert_element_type3A_1816 = arith.extui %eq3A_1815 : vector<128x100xi1> to vector<128x100xi32>
    %convert_element_type3A_1817 = arith.sitofp %convert_element_type3A_1816 : vector<128x100xi32> to vector<128x100xf32>
    %dot_general3A_1818 = arith.constant dense<0.000000e+00> : vector<128x100xf32>
    %dot_general3A_1819 = tpu.matmul %convert_element_type3A, %convert_element_type3A_1817, %dot_general3A_1818 {dimension_numbers = #tpu.dot_dimension_numbers<[0], [0], [1], [1], [0, 1, 1, 1], [], []>, transpose_lhs_hint = false} : vector<128x128xf32>, vector<128x100xf32>, vector<128x100xf32> -> vector<128x100xf32>
    %eq3A_1820 = arith.cmpf oeq, %dot_general3A_1819, %convert_element_type3A_3 : vector<128x100xf32>
    %convert_element_type3A_1821 = arith.extui %eq3A_1820 : vector<128x100xi1> to vector<128x100xi32>
    %convert_element_type3A_1822 = arith.sitofp %convert_element_type3A_1821 : vector<128x100xi32> to vector<128x100xf32>
    %swap3A_1823 = arith.index_cast %rem3A_0 : i32 to index
    %swap3A_1824 = arith.constant 14464 : index
    %swap3A_1825 = arith.constant 0 : index
    %swap3A_1826 = vector.load %arg3[%swap3A_1823, %swap3A_1824, %swap3A_1825] : memref<4x16384x100xf32, #tpu.memory_space<vmem>>, vector<1x128x100xf32>
    %swap3A_1827 = vector.shape_cast %swap3A_1826 : vector<1x128x100xf32> to vector<128x100xf32>
    %swap3A_1828 = vector.shape_cast %convert_element_type3A_1822 : vector<128x100xf32> to vector<1x128x100xf32>
    tpu.vector_store %arg3[%swap3A_1823, %swap3A_1824, %swap3A_1825], %swap3A_1828 {strides = array<i32>} : memref<4x16384x100xf32, #tpu.memory_space<vmem>>, vector<1x128x100xf32>,
    %eq3A_1829 = arith.constant 114 : i32
    %eq3A_1830 = vector.broadcast %eq3A_1829 : i32 to vector<128x100xi32>
    %eq3A_1831 = arith.cmpi eq, %iota3A_4, %eq3A_1830 : vector<128x100xi32>
    %convert_element_type3A_1832 = arith.extui %eq3A_1831 : vector<128x100xi1> to vector<128x100xi32>
    %convert_element_type3A_1833 = arith.sitofp %convert_element_type3A_1832 : vector<128x100xi32> to vector<128x100xf32>
    %dot_general3A_1834 = arith.constant dense<0.000000e+00> : vector<128x100xf32>
    %dot_general3A_1835 = tpu.matmul %convert_element_type3A, %convert_element_type3A_1833, %dot_general3A_1834 {dimension_numbers = #tpu.dot_dimension_numbers<[0], [0], [1], [1], [0, 1, 1, 1], [], []>, transpose_lhs_hint = false} : vector<128x128xf32>, vector<128x100xf32>, vector<128x100xf32> -> vector<128x100xf32>
    %eq3A_1836 = arith.cmpf oeq, %dot_general3A_1835, %convert_element_type3A_3 : vector<128x100xf32>
    %convert_element_type3A_1837 = arith.extui %eq3A_1836 : vector<128x100xi1> to vector<128x100xi32>
    %convert_element_type3A_1838 = arith.sitofp %convert_element_type3A_1837 : vector<128x100xi32> to vector<128x100xf32>
    %swap3A_1839 = arith.index_cast %rem3A_0 : i32 to index
    %swap3A_1840 = arith.constant 14592 : index
    %swap3A_1841 = arith.constant 0 : index
    %swap3A_1842 = vector.load %arg3[%swap3A_1839, %swap3A_1840, %swap3A_1841] : memref<4x16384x100xf32, #tpu.memory_space<vmem>>, vector<1x128x100xf32>
    %swap3A_1843 = vector.shape_cast %swap3A_1842 : vector<1x128x100xf32> to vector<128x100xf32>
    %swap3A_1844 = vector.shape_cast %convert_element_type3A_1838 : vector<128x100xf32> to vector<1x128x100xf32>
    tpu.vector_store %arg3[%swap3A_1839, %swap3A_1840, %swap3A_1841], %swap3A_1844 {strides = array<i32>} : memref<4x16384x100xf32, #tpu.memory_space<vmem>>, vector<1x128x100xf32>,
    %eq3A_1845 = arith.constant 115 : i32
    %eq3A_1846 = vector.broadcast %eq3A_1845 : i32 to vector<128x100xi32>
    %eq3A_1847 = arith.cmpi eq, %iota3A_4, %eq3A_1846 : vector<128x100xi32>
    %convert_element_type3A_1848 = arith.extui %eq3A_1847 : vector<128x100xi1> to vector<128x100xi32>
    %convert_element_type3A_1849 = arith.sitofp %convert_element_type3A_1848 : vector<128x100xi32> to vector<128x100xf32>
    %dot_general3A_1850 = arith.constant dense<0.000000e+00> : vector<128x100xf32>
    %dot_general3A_1851 = tpu.matmul %convert_element_type3A, %convert_element_type3A_1849, %dot_general3A_1850 {dimension_numbers = #tpu.dot_dimension_numbers<[0], [0], [1], [1], [0, 1, 1, 1], [], []>, transpose_lhs_hint = false} : vector<128x128xf32>, vector<128x100xf32>, vector<128x100xf32> -> vector<128x100xf32>
    %eq3A_1852 = arith.cmpf oeq, %dot_general3A_1851, %convert_element_type3A_3 : vector<128x100xf32>
    %convert_element_type3A_1853 = arith.extui %eq3A_1852 : vector<128x100xi1> to vector<128x100xi32>
    %convert_element_type3A_1854 = arith.sitofp %convert_element_type3A_1853 : vector<128x100xi32> to vector<128x100xf32>
    %swap3A_1855 = arith.index_cast %rem3A_0 : i32 to index
    %swap3A_1856 = arith.constant 14720 : index
    %swap3A_1857 = arith.constant 0 : index
    %swap3A_1858 = vector.load %arg3[%swap3A_1855, %swap3A_1856, %swap3A_1857] : memref<4x16384x100xf32, #tpu.memory_space<vmem>>, vector<1x128x100xf32>
    %swap3A_1859 = vector.shape_cast %swap3A_1858 : vector<1x128x100xf32> to vector<128x100xf32>
    %swap3A_1860 = vector.shape_cast %convert_element_type3A_1854 : vector<128x100xf32> to vector<1x128x100xf32>
    tpu.vector_store %arg3[%swap3A_1855, %swap3A_1856, %swap3A_1857], %swap3A_1860 {strides = array<i32>} : memref<4x16384x100xf32, #tpu.memory_space<vmem>>, vector<1x128x100xf32>,
    %eq3A_1861 = arith.constant 116 : i32
    %eq3A_1862 = vector.broadcast %eq3A_1861 : i32 to vector<128x100xi32>
    %eq3A_1863 = arith.cmpi eq, %iota3A_4, %eq3A_1862 : vector<128x100xi32>
    %convert_element_type3A_1864 = arith.extui %eq3A_1863 : vector<128x100xi1> to vector<128x100xi32>
    %convert_element_type3A_1865 = arith.sitofp %convert_element_type3A_1864 : vector<128x100xi32> to vector<128x100xf32>
    %dot_general3A_1866 = arith.constant dense<0.000000e+00> : vector<128x100xf32>
    %dot_general3A_1867 = tpu.matmul %convert_element_type3A, %convert_element_type3A_1865, %dot_general3A_1866 {dimension_numbers = #tpu.dot_dimension_numbers<[0], [0], [1], [1], [0, 1, 1, 1], [], []>, transpose_lhs_hint = false} : vector<128x128xf32>, vector<128x100xf32>, vector<128x100xf32> -> vector<128x100xf32>
    %eq3A_1868 = arith.cmpf oeq, %dot_general3A_1867, %convert_element_type3A_3 : vector<128x100xf32>
    %convert_element_type3A_1869 = arith.extui %eq3A_1868 : vector<128x100xi1> to vector<128x100xi32>
    %convert_element_type3A_1870 = arith.sitofp %convert_element_type3A_1869 : vector<128x100xi32> to vector<128x100xf32>
    %swap3A_1871 = arith.index_cast %rem3A_0 : i32 to index
    %swap3A_1872 = arith.constant 14848 : index
    %swap3A_1873 = arith.constant 0 : index
    %swap3A_1874 = vector.load %arg3[%swap3A_1871, %swap3A_1872, %swap3A_1873] : memref<4x16384x100xf32, #tpu.memory_space<vmem>>, vector<1x128x100xf32>
    %swap3A_1875 = vector.shape_cast %swap3A_1874 : vector<1x128x100xf32> to vector<128x100xf32>
    %swap3A_1876 = vector.shape_cast %convert_element_type3A_1870 : vector<128x100xf32> to vector<1x128x100xf32>
    tpu.vector_store %arg3[%swap3A_1871, %swap3A_1872, %swap3A_1873], %swap3A_1876 {strides = array<i32>} : memref<4x16384x100xf32, #tpu.memory_space<vmem>>, vector<1x128x100xf32>,
    %eq3A_1877 = arith.constant 117 : i32
    %eq3A_1878 = vector.broadcast %eq3A_1877 : i32 to vector<128x100xi32>
    %eq3A_1879 = arith.cmpi eq, %iota3A_4, %eq3A_1878 : vector<128x100xi32>
    %convert_element_type3A_1880 = arith.extui %eq3A_1879 : vector<128x100xi1> to vector<128x100xi32>
    %convert_element_type3A_1881 = arith.sitofp %convert_element_type3A_1880 : vector<128x100xi32> to vector<128x100xf32>
    %dot_general3A_1882 = arith.constant dense<0.000000e+00> : vector<128x100xf32>
    %dot_general3A_1883 = tpu.matmul %convert_element_type3A, %convert_element_type3A_1881, %dot_general3A_1882 {dimension_numbers = #tpu.dot_dimension_numbers<[0], [0], [1], [1], [0, 1, 1, 1], [], []>, transpose_lhs_hint = false} : vector<128x128xf32>, vector<128x100xf32>, vector<128x100xf32> -> vector<128x100xf32>
    %eq3A_1884 = arith.cmpf oeq, %dot_general3A_1883, %convert_element_type3A_3 : vector<128x100xf32>
    %convert_element_type3A_1885 = arith.extui %eq3A_1884 : vector<128x100xi1> to vector<128x100xi32>
    %convert_element_type3A_1886 = arith.sitofp %convert_element_type3A_1885 : vector<128x100xi32> to vector<128x100xf32>
    %swap3A_1887 = arith.index_cast %rem3A_0 : i32 to index
    %swap3A_1888 = arith.constant 14976 : index
    %swap3A_1889 = arith.constant 0 : index
    %swap3A_1890 = vector.load %arg3[%swap3A_1887, %swap3A_1888, %swap3A_1889] : memref<4x16384x100xf32, #tpu.memory_space<vmem>>, vector<1x128x100xf32>
    %swap3A_1891 = vector.shape_cast %swap3A_1890 : vector<1x128x100xf32> to vector<128x100xf32>
    %swap3A_1892 = vector.shape_cast %convert_element_type3A_1886 : vector<128x100xf32> to vector<1x128x100xf32>
    tpu.vector_store %arg3[%swap3A_1887, %swap3A_1888, %swap3A_1889], %swap3A_1892 {strides = array<i32>} : memref<4x16384x100xf32, #tpu.memory_space<vmem>>, vector<1x128x100xf32>,
    %eq3A_1893 = arith.constant 118 : i32
    %eq3A_1894 = vector.broadcast %eq3A_1893 : i32 to vector<128x100xi32>
    %eq3A_1895 = arith.cmpi eq, %iota3A_4, %eq3A_1894 : vector<128x100xi32>
    %convert_element_type3A_1896 = arith.extui %eq3A_1895 : vector<128x100xi1> to vector<128x100xi32>
    %convert_element_type3A_1897 = arith.sitofp %convert_element_type3A_1896 : vector<128x100xi32> to vector<128x100xf32>
    %dot_general3A_1898 = arith.constant dense<0.000000e+00> : vector<128x100xf32>
    %dot_general3A_1899 = tpu.matmul %convert_element_type3A, %convert_element_type3A_1897, %dot_general3A_1898 {dimension_numbers = #tpu.dot_dimension_numbers<[0], [0], [1], [1], [0, 1, 1, 1], [], []>, transpose_lhs_hint = false} : vector<128x128xf32>, vector<128x100xf32>, vector<128x100xf32> -> vector<128x100xf32>
    %eq3A_1900 = arith.cmpf oeq, %dot_general3A_1899, %convert_element_type3A_3 : vector<128x100xf32>
    %convert_element_type3A_1901 = arith.extui %eq3A_1900 : vector<128x100xi1> to vector<128x100xi32>
    %convert_element_type3A_1902 = arith.sitofp %convert_element_type3A_1901 : vector<128x100xi32> to vector<128x100xf32>
    %swap3A_1903 = arith.index_cast %rem3A_0 : i32 to index
    %swap3A_1904 = arith.constant 15104 : index
    %swap3A_1905 = arith.constant 0 : index
    %swap3A_1906 = vector.load %arg3[%swap3A_1903, %swap3A_1904, %swap3A_1905] : memref<4x16384x100xf32, #tpu.memory_space<vmem>>, vector<1x128x100xf32>
    %swap3A_1907 = vector.shape_cast %swap3A_1906 : vector<1x128x100xf32> to vector<128x100xf32>
    %swap3A_1908 = vector.shape_cast %convert_element_type3A_1902 : vector<128x100xf32> to vector<1x128x100xf32>
    tpu.vector_store %arg3[%swap3A_1903, %swap3A_1904, %swap3A_1905], %swap3A_1908 {strides = array<i32>} : memref<4x16384x100xf32, #tpu.memory_space<vmem>>, vector<1x128x100xf32>,
    %eq3A_1909 = arith.constant 119 : i32
    %eq3A_1910 = vector.broadcast %eq3A_1909 : i32 to vector<128x100xi32>
    %eq3A_1911 = arith.cmpi eq, %iota3A_4, %eq3A_1910 : vector<128x100xi32>
    %convert_element_type3A_1912 = arith.extui %eq3A_1911 : vector<128x100xi1> to vector<128x100xi32>
    %convert_element_type3A_1913 = arith.sitofp %convert_element_type3A_1912 : vector<128x100xi32> to vector<128x100xf32>
    %dot_general3A_1914 = arith.constant dense<0.000000e+00> : vector<128x100xf32>
    %dot_general3A_1915 = tpu.matmul %convert_element_type3A, %convert_element_type3A_1913, %dot_general3A_1914 {dimension_numbers = #tpu.dot_dimension_numbers<[0], [0], [1], [1], [0, 1, 1, 1], [], []>, transpose_lhs_hint = false} : vector<128x128xf32>, vector<128x100xf32>, vector<128x100xf32> -> vector<128x100xf32>
    %eq3A_1916 = arith.cmpf oeq, %dot_general3A_1915, %convert_element_type3A_3 : vector<128x100xf32>
    %convert_element_type3A_1917 = arith.extui %eq3A_1916 : vector<128x100xi1> to vector<128x100xi32>
    %convert_element_type3A_1918 = arith.sitofp %convert_element_type3A_1917 : vector<128x100xi32> to vector<128x100xf32>
    %swap3A_1919 = arith.index_cast %rem3A_0 : i32 to index
    %swap3A_1920 = arith.constant 15232 : index
    %swap3A_1921 = arith.constant 0 : index
    %swap3A_1922 = vector.load %arg3[%swap3A_1919, %swap3A_1920, %swap3A_1921] : memref<4x16384x100xf32, #tpu.memory_space<vmem>>, vector<1x128x100xf32>
    %swap3A_1923 = vector.shape_cast %swap3A_1922 : vector<1x128x100xf32> to vector<128x100xf32>
    %swap3A_1924 = vector.shape_cast %convert_element_type3A_1918 : vector<128x100xf32> to vector<1x128x100xf32>
    tpu.vector_store %arg3[%swap3A_1919, %swap3A_1920, %swap3A_1921], %swap3A_1924 {strides = array<i32>} : memref<4x16384x100xf32, #tpu.memory_space<vmem>>, vector<1x128x100xf32>,
    %eq3A_1925 = arith.constant 120 : i32
    %eq3A_1926 = vector.broadcast %eq3A_1925 : i32 to vector<128x100xi32>
    %eq3A_1927 = arith.cmpi eq, %iota3A_4, %eq3A_1926 : vector<128x100xi32>
    %convert_element_type3A_1928 = arith.extui %eq3A_1927 : vector<128x100xi1> to vector<128x100xi32>
    %convert_element_type3A_1929 = arith.sitofp %convert_element_type3A_1928 : vector<128x100xi32> to vector<128x100xf32>
    %dot_general3A_1930 = arith.constant dense<0.000000e+00> : vector<128x100xf32>
    %dot_general3A_1931 = tpu.matmul %convert_element_type3A, %convert_element_type3A_1929, %dot_general3A_1930 {dimension_numbers = #tpu.dot_dimension_numbers<[0], [0], [1], [1], [0, 1, 1, 1], [], []>, transpose_lhs_hint = false} : vector<128x128xf32>, vector<128x100xf32>, vector<128x100xf32> -> vector<128x100xf32>
    %eq3A_1932 = arith.cmpf oeq, %dot_general3A_1931, %convert_element_type3A_3 : vector<128x100xf32>
    %convert_element_type3A_1933 = arith.extui %eq3A_1932 : vector<128x100xi1> to vector<128x100xi32>
    %convert_element_type3A_1934 = arith.sitofp %convert_element_type3A_1933 : vector<128x100xi32> to vector<128x100xf32>
    %swap3A_1935 = arith.index_cast %rem3A_0 : i32 to index
    %swap3A_1936 = arith.constant 15360 : index
    %swap3A_1937 = arith.constant 0 : index
    %swap3A_1938 = vector.load %arg3[%swap3A_1935, %swap3A_1936, %swap3A_1937] : memref<4x16384x100xf32, #tpu.memory_space<vmem>>, vector<1x128x100xf32>
    %swap3A_1939 = vector.shape_cast %swap3A_1938 : vector<1x128x100xf32> to vector<128x100xf32>
    %swap3A_1940 = vector.shape_cast %convert_element_type3A_1934 : vector<128x100xf32> to vector<1x128x100xf32>
    tpu.vector_store %arg3[%swap3A_1935, %swap3A_1936, %swap3A_1937], %swap3A_1940 {strides = array<i32>} : memref<4x16384x100xf32, #tpu.memory_space<vmem>>, vector<1x128x100xf32>,
    %eq3A_1941 = arith.constant 121 : i32
    %eq3A_1942 = vector.broadcast %eq3A_1941 : i32 to vector<128x100xi32>
    %eq3A_1943 = arith.cmpi eq, %iota3A_4, %eq3A_1942 : vector<128x100xi32>
    %convert_element_type3A_1944 = arith.extui %eq3A_1943 : vector<128x100xi1> to vector<128x100xi32>
    %convert_element_type3A_1945 = arith.sitofp %convert_element_type3A_1944 : vector<128x100xi32> to vector<128x100xf32>
    %dot_general3A_1946 = arith.constant dense<0.000000e+00> : vector<128x100xf32>
    %dot_general3A_1947 = tpu.matmul %convert_element_type3A, %convert_element_type3A_1945, %dot_general3A_1946 {dimension_numbers = #tpu.dot_dimension_numbers<[0], [0], [1], [1], [0, 1, 1, 1], [], []>, transpose_lhs_hint = false} : vector<128x128xf32>, vector<128x100xf32>, vector<128x100xf32> -> vector<128x100xf32>
    %eq3A_1948 = arith.cmpf oeq, %dot_general3A_1947, %convert_element_type3A_3 : vector<128x100xf32>
    %convert_element_type3A_1949 = arith.extui %eq3A_1948 : vector<128x100xi1> to vector<128x100xi32>
    %convert_element_type3A_1950 = arith.sitofp %convert_element_type3A_1949 : vector<128x100xi32> to vector<128x100xf32>
    %swap3A_1951 = arith.index_cast %rem3A_0 : i32 to index
    %swap3A_1952 = arith.constant 15488 : index
    %swap3A_1953 = arith.constant 0 : index
    %swap3A_1954 = vector.load %arg3[%swap3A_1951, %swap3A_1952, %swap3A_1953] : memref<4x16384x100xf32, #tpu.memory_space<vmem>>, vector<1x128x100xf32>
    %swap3A_1955 = vector.shape_cast %swap3A_1954 : vector<1x128x100xf32> to vector<128x100xf32>
    %swap3A_1956 = vector.shape_cast %convert_element_type3A_1950 : vector<128x100xf32> to vector<1x128x100xf32>
    tpu.vector_store %arg3[%swap3A_1951, %swap3A_1952, %swap3A_1953], %swap3A_1956 {strides = array<i32>} : memref<4x16384x100xf32, #tpu.memory_space<vmem>>, vector<1x128x100xf32>,
    %eq3A_1957 = arith.constant 122 : i32
    %eq3A_1958 = vector.broadcast %eq3A_1957 : i32 to vector<128x100xi32>
    %eq3A_1959 = arith.cmpi eq, %iota3A_4, %eq3A_1958 : vector<128x100xi32>
    %convert_element_type3A_1960 = arith.extui %eq3A_1959 : vector<128x100xi1> to vector<128x100xi32>
    %convert_element_type3A_1961 = arith.sitofp %convert_element_type3A_1960 : vector<128x100xi32> to vector<128x100xf32>
    %dot_general3A_1962 = arith.constant dense<0.000000e+00> : vector<128x100xf32>
    %dot_general3A_1963 = tpu.matmul %convert_element_type3A, %convert_element_type3A_1961, %dot_general3A_1962 {dimension_numbers = #tpu.dot_dimension_numbers<[0], [0], [1], [1], [0, 1, 1, 1], [], []>, transpose_lhs_hint = false} : vector<128x128xf32>, vector<128x100xf32>, vector<128x100xf32> -> vector<128x100xf32>
    %eq3A_1964 = arith.cmpf oeq, %dot_general3A_1963, %convert_element_type3A_3 : vector<128x100xf32>
    %convert_element_type3A_1965 = arith.extui %eq3A_1964 : vector<128x100xi1> to vector<128x100xi32>
    %convert_element_type3A_1966 = arith.sitofp %convert_element_type3A_1965 : vector<128x100xi32> to vector<128x100xf32>
    %swap3A_1967 = arith.index_cast %rem3A_0 : i32 to index
    %swap3A_1968 = arith.constant 15616 : index
    %swap3A_1969 = arith.constant 0 : index
    %swap3A_1970 = vector.load %arg3[%swap3A_1967, %swap3A_1968, %swap3A_1969] : memref<4x16384x100xf32, #tpu.memory_space<vmem>>, vector<1x128x100xf32>
    %swap3A_1971 = vector.shape_cast %swap3A_1970 : vector<1x128x100xf32> to vector<128x100xf32>
    %swap3A_1972 = vector.shape_cast %convert_element_type3A_1966 : vector<128x100xf32> to vector<1x128x100xf32>
    tpu.vector_store %arg3[%swap3A_1967, %swap3A_1968, %swap3A_1969], %swap3A_1972 {strides = array<i32>} : memref<4x16384x100xf32, #tpu.memory_space<vmem>>, vector<1x128x100xf32>,
    %eq3A_1973 = arith.constant 123 : i32
    %eq3A_1974 = vector.broadcast %eq3A_1973 : i32 to vector<128x100xi32>
    %eq3A_1975 = arith.cmpi eq, %iota3A_4, %eq3A_1974 : vector<128x100xi32>
    %convert_element_type3A_1976 = arith.extui %eq3A_1975 : vector<128x100xi1> to vector<128x100xi32>
    %convert_element_type3A_1977 = arith.sitofp %convert_element_type3A_1976 : vector<128x100xi32> to vector<128x100xf32>
    %dot_general3A_1978 = arith.constant dense<0.000000e+00> : vector<128x100xf32>
    %dot_general3A_1979 = tpu.matmul %convert_element_type3A, %convert_element_type3A_1977, %dot_general3A_1978 {dimension_numbers = #tpu.dot_dimension_numbers<[0], [0], [1], [1], [0, 1, 1, 1], [], []>, transpose_lhs_hint = false} : vector<128x128xf32>, vector<128x100xf32>, vector<128x100xf32> -> vector<128x100xf32>
    %eq3A_1980 = arith.cmpf oeq, %dot_general3A_1979, %convert_element_type3A_3 : vector<128x100xf32>
    %convert_element_type3A_1981 = arith.extui %eq3A_1980 : vector<128x100xi1> to vector<128x100xi32>
    %convert_element_type3A_1982 = arith.sitofp %convert_element_type3A_1981 : vector<128x100xi32> to vector<128x100xf32>
    %swap3A_1983 = arith.index_cast %rem3A_0 : i32 to index
    %swap3A_1984 = arith.constant 15744 : index
    %swap3A_1985 = arith.constant 0 : index
    %swap3A_1986 = vector.load %arg3[%swap3A_1983, %swap3A_1984, %swap3A_1985] : memref<4x16384x100xf32, #tpu.memory_space<vmem>>, vector<1x128x100xf32>
    %swap3A_1987 = vector.shape_cast %swap3A_1986 : vector<1x128x100xf32> to vector<128x100xf32>
    %swap3A_1988 = vector.shape_cast %convert_element_type3A_1982 : vector<128x100xf32> to vector<1x128x100xf32>
    tpu.vector_store %arg3[%swap3A_1983, %swap3A_1984, %swap3A_1985], %swap3A_1988 {strides = array<i32>} : memref<4x16384x100xf32, #tpu.memory_space<vmem>>, vector<1x128x100xf32>,
    %eq3A_1989 = arith.constant 124 : i32
    %eq3A_1990 = vector.broadcast %eq3A_1989 : i32 to vector<128x100xi32>
    %eq3A_1991 = arith.cmpi eq, %iota3A_4, %eq3A_1990 : vector<128x100xi32>
    %convert_element_type3A_1992 = arith.extui %eq3A_1991 : vector<128x100xi1> to vector<128x100xi32>
    %convert_element_type3A_1993 = arith.sitofp %convert_element_type3A_1992 : vector<128x100xi32> to vector<128x100xf32>
    %dot_general3A_1994 = arith.constant dense<0.000000e+00> : vector<128x100xf32>
    %dot_general3A_1995 = tpu.matmul %convert_element_type3A, %convert_element_type3A_1993, %dot_general3A_1994 {dimension_numbers = #tpu.dot_dimension_numbers<[0], [0], [1], [1], [0, 1, 1, 1], [], []>, transpose_lhs_hint = false} : vector<128x128xf32>, vector<128x100xf32>, vector<128x100xf32> -> vector<128x100xf32>
    %eq3A_1996 = arith.cmpf oeq, %dot_general3A_1995, %convert_element_type3A_3 : vector<128x100xf32>
    %convert_element_type3A_1997 = arith.extui %eq3A_1996 : vector<128x100xi1> to vector<128x100xi32>
    %convert_element_type3A_1998 = arith.sitofp %convert_element_type3A_1997 : vector<128x100xi32> to vector<128x100xf32>
    %swap3A_1999 = arith.index_cast %rem3A_0 : i32 to index
    %swap3A_2000 = arith.constant 15872 : index
    %swap3A_2001 = arith.constant 0 : index
    %swap3A_2002 = vector.load %arg3[%swap3A_1999, %swap3A_2000, %swap3A_2001] : memref<4x16384x100xf32, #tpu.memory_space<vmem>>, vector<1x128x100xf32>
    %swap3A_2003 = vector.shape_cast %swap3A_2002 : vector<1x128x100xf32> to vector<128x100xf32>
    %swap3A_2004 = vector.shape_cast %convert_element_type3A_1998 : vector<128x100xf32> to vector<1x128x100xf32>
    tpu.vector_store %arg3[%swap3A_1999, %swap3A_2000, %swap3A_2001], %swap3A_2004 {strides = array<i32>} : memref<4x16384x100xf32, #tpu.memory_space<vmem>>, vector<1x128x100xf32>,
    %eq3A_2005 = arith.constant 125 : i32
    %eq3A_2006 = vector.broadcast %eq3A_2005 : i32 to vector<128x100xi32>
    %eq3A_2007 = arith.cmpi eq, %iota3A_4, %eq3A_2006 : vector<128x100xi32>
    %convert_element_type3A_2008 = arith.extui %eq3A_2007 : vector<128x100xi1> to vector<128x100xi32>
    %convert_element_type3A_2009 = arith.sitofp %convert_element_type3A_2008 : vector<128x100xi32> to vector<128x100xf32>
    %dot_general3A_2010 = arith.constant dense<0.000000e+00> : vector<128x100xf32>
    %dot_general3A_2011 = tpu.matmul %convert_element_type3A, %convert_element_type3A_2009, %dot_general3A_2010 {dimension_numbers = #tpu.dot_dimension_numbers<[0], [0], [1], [1], [0, 1, 1, 1], [], []>, transpose_lhs_hint = false} : vector<128x128xf32>, vector<128x100xf32>, vector<128x100xf32> -> vector<128x100xf32>
    %eq3A_2012 = arith.cmpf oeq, %dot_general3A_2011, %convert_element_type3A_3 : vector<128x100xf32>
    %convert_element_type3A_2013 = arith.extui %eq3A_2012 : vector<128x100xi1> to vector<128x100xi32>
    %convert_element_type3A_2014 = arith.sitofp %convert_element_type3A_2013 : vector<128x100xi32> to vector<128x100xf32>
    %swap3A_2015 = arith.index_cast %rem3A_0 : i32 to index
    %swap3A_2016 = arith.constant 16000 : index
    %swap3A_2017 = arith.constant 0 : index
    %swap3A_2018 = vector.load %arg3[%swap3A_2015, %swap3A_2016, %swap3A_2017] : memref<4x16384x100xf32, #tpu.memory_space<vmem>>, vector<1x128x100xf32>
    %swap3A_2019 = vector.shape_cast %swap3A_2018 : vector<1x128x100xf32> to vector<128x100xf32>
    %swap3A_2020 = vector.shape_cast %convert_element_type3A_2014 : vector<128x100xf32> to vector<1x128x100xf32>
    tpu.vector_store %arg3[%swap3A_2015, %swap3A_2016, %swap3A_2017], %swap3A_2020 {strides = array<i32>} : memref<4x16384x100xf32, #tpu.memory_space<vmem>>, vector<1x128x100xf32>,
    %eq3A_2021 = arith.constant 126 : i32
    %eq3A_2022 = vector.broadcast %eq3A_2021 : i32 to vector<128x100xi32>
    %eq3A_2023 = arith.cmpi eq, %iota3A_4, %eq3A_2022 : vector<128x100xi32>
    %convert_element_type3A_2024 = arith.extui %eq3A_2023 : vector<128x100xi1> to vector<128x100xi32>
    %convert_element_type3A_2025 = arith.sitofp %convert_element_type3A_2024 : vector<128x100xi32> to vector<128x100xf32>
    %dot_general3A_2026 = arith.constant dense<0.000000e+00> : vector<128x100xf32>
    %dot_general3A_2027 = tpu.matmul %convert_element_type3A, %convert_element_type3A_2025, %dot_general3A_2026 {dimension_numbers = #tpu.dot_dimension_numbers<[0], [0], [1], [1], [0, 1, 1, 1], [], []>, transpose_lhs_hint = false} : vector<128x128xf32>, vector<128x100xf32>, vector<128x100xf32> -> vector<128x100xf32>
    %eq3A_2028 = arith.cmpf oeq, %dot_general3A_2027, %convert_element_type3A_3 : vector<128x100xf32>
    %convert_element_type3A_2029 = arith.extui %eq3A_2028 : vector<128x100xi1> to vector<128x100xi32>
    %convert_element_type3A_2030 = arith.sitofp %convert_element_type3A_2029 : vector<128x100xi32> to vector<128x100xf32>
    %swap3A_2031 = arith.index_cast %rem3A_0 : i32 to index
    %swap3A_2032 = arith.constant 16128 : index
    %swap3A_2033 = arith.constant 0 : index
    %swap3A_2034 = vector.load %arg3[%swap3A_2031, %swap3A_2032, %swap3A_2033] : memref<4x16384x100xf32, #tpu.memory_space<vmem>>, vector<1x128x100xf32>
    %swap3A_2035 = vector.shape_cast %swap3A_2034 : vector<1x128x100xf32> to vector<128x100xf32>
    %swap3A_2036 = vector.shape_cast %convert_element_type3A_2030 : vector<128x100xf32> to vector<1x128x100xf32>
    tpu.vector_store %arg3[%swap3A_2031, %swap3A_2032, %swap3A_2033], %swap3A_2036 {strides = array<i32>} : memref<4x16384x100xf32, #tpu.memory_space<vmem>>, vector<1x128x100xf32>,
    %eq3A_2037 = arith.constant 127 : i32
    %eq3A_2038 = vector.broadcast %eq3A_2037 : i32 to vector<128x100xi32>
    %eq3A_2039 = arith.cmpi eq, %iota3A_4, %eq3A_2038 : vector<128x100xi32>
    %convert_element_type3A_2040 = arith.extui %eq3A_2039 : vector<128x100xi1> to vector<128x100xi32>
    %convert_element_type3A_2041 = arith.sitofp %convert_element_type3A_2040 : vector<128x100xi32> to vector<128x100xf32>
    %dot_general3A_2042 = arith.constant dense<0.000000e+00> : vector<128x100xf32>
    %dot_general3A_2043 = tpu.matmul %convert_element_type3A, %convert_element_type3A_2041, %dot_general3A_2042 {dimension_numbers = #tpu.dot_dimension_numbers<[0], [0], [1], [1], [0, 1, 1, 1], [], []>, transpose_lhs_hint = false} : vector<128x128xf32>, vector<128x100xf32>, vector<128x100xf32> -> vector<128x100xf32>
    %eq3A_2044 = arith.cmpf oeq, %dot_general3A_2043, %convert_element_type3A_3 : vector<128x100xf32>
    %convert_element_type3A_2045 = arith.extui %eq3A_2044 : vector<128x100xi1> to vector<128x100xi32>
    %convert_element_type3A_2046 = arith.sitofp %convert_element_type3A_2045 : vector<128x100xi32> to vector<128x100xf32>
    %swap3A_2047 = arith.index_cast %rem3A_0 : i32 to index
    %swap3A_2048 = arith.constant 16256 : index
    %swap3A_2049 = arith.constant 0 : index
    %swap3A_2050 = vector.load %arg3[%swap3A_2047, %swap3A_2048, %swap3A_2049] : memref<4x16384x100xf32, #tpu.memory_space<vmem>>, vector<1x128x100xf32>
    %swap3A_2051 = vector.shape_cast %swap3A_2050 : vector<1x128x100xf32> to vector<128x100xf32>
    %swap3A_2052 = vector.shape_cast %convert_element_type3A_2046 : vector<128x100xf32> to vector<1x128x100xf32>
    tpu.vector_store %arg3[%swap3A_2047, %swap3A_2048, %swap3A_2049], %swap3A_2052 {strides = array<i32>} : memref<4x16384x100xf32, #tpu.memory_space<vmem>>, vector<1x128x100xf32>,
    %lt3A = arith.constant 61 : i32
    %lt3A_2053 = arith.cmpi slt, %arg0, %lt3A : i32
    %convert_element_type3A_2054 = arith.extui %lt3A_2053 : i1 to i32
    %cond3A_2055 = arith.constant 0 : i32
    %cond3A_2056 = arith.cmpi ne, %convert_element_type3A_2054, %cond3A_2055 : i32
    scf.if %cond3A_2056 {
      %mul3A = arith.constant 16384 : i32
      %mul3A_2062 = arith.muli %arg0, %mul3A : i32
      %dma_start3A = tpu.memref_slice %arg4[%rem3A_0] : memref<4x!tpu.dma_semaphore, #tpu.memory_space<semaphore_mem>> -> memref<1x!tpu.dma_semaphore, #tpu.memory_space<semaphore_mem>>
      %dma_start3A_2063 = tpu.memref_squeeze %dma_start3A : memref<1x!tpu.dma_semaphore, #tpu.memory_space<semaphore_mem>> -> memref<!tpu.dma_semaphore, #tpu.memory_space<semaphore_mem>>
      %dma_start3A_2064 = arith.constant 0 : i32
      %dma_start3A_2065 = tpu.memref_slice %arg2[%mul3A_2062, %dma_start3A_2064] : memref<1000000x100xf32, #tpu.memory_space<hbm>> -> memref<16384x100xf32, #tpu.memory_space<hbm>>
      %dma_start3A_2066 = arith.constant 0 : i32
      %dma_start3A_2067 = arith.constant 0 : i32
      %dma_start3A_2068 = tpu.memref_slice %arg3[%rem3A_0, %dma_start3A_2066, %dma_start3A_2067] : memref<4x16384x100xf32, #tpu.memory_space<vmem>> -> memref<1x16384x100xf32, #tpu.memory_space<vmem>>
      %dma_start3A_2069 = tpu.memref_squeeze %dma_start3A_2068 : memref<1x16384x100xf32, #tpu.memory_space<vmem>> -> memref<16384x100xf32, #tpu.memory_space<vmem>>
      tpu.enqueue_dma source(%dma_start3A_2069 : memref<16384x100xf32, #tpu.memory_space<vmem>>) target(%dma_start3A_2065 : memref<16384x100xf32, #tpu.memory_space<hbm>>) target_semaphore(%dma_start3A_2063 : memref<!tpu.dma_semaphore, #tpu.memory_space<semaphore_mem>>)
    } else {
    }
    %eq3A_2057 = arith.constant 61 : i32
    %eq3A_2058 = arith.cmpi eq, %arg0, %eq3A_2057 : i32
    %convert_element_type3A_2059 = arith.extui %eq3A_2058 : i1 to i32
    %cond3A_2060 = arith.constant 0 : i32
    %cond3A_2061 = arith.cmpi ne, %convert_element_type3A_2059, %cond3A_2060 : i32
    scf.if %cond3A_2061 {
      %dma_start3A = arith.constant 1 : i32
      %dma_start3A_2062 = arith.constant 1 : i32
      %dma_start3A_2063 = tpu.memref_slice %arg4[%dma_start3A_2062] : memref<4x!tpu.dma_semaphore, #tpu.memory_space<semaphore_mem>> -> memref<1x!tpu.dma_semaphore, #tpu.memory_space<semaphore_mem>>
      %dma_start3A_2064 = tpu.memref_squeeze %dma_start3A_2063 : memref<1x!tpu.dma_semaphore, #tpu.memory_space<semaphore_mem>> -> memref<!tpu.dma_semaphore, #tpu.memory_space<semaphore_mem>>
      %dma_start3A_2065 = arith.constant 999424 : i32
      %dma_start3A_2066 = arith.constant 0 : i32
      %dma_start3A_2067 = tpu.memref_slice %arg2[%dma_start3A_2065, %dma_start3A_2066] : memref<1000000x100xf32, #tpu.memory_space<hbm>> -> memref<576x100xf32, #tpu.memory_space<hbm>>
      %dma_start3A_2068 = arith.constant 0 : i32
      %dma_start3A_2069 = arith.constant 0 : i32
      %dma_start3A_2070 = tpu.memref_slice %arg3[%dma_start3A, %dma_start3A_2068, %dma_start3A_2069] : memref<4x16384x100xf32, #tpu.memory_space<vmem>> -> memref<1x576x100xf32, #tpu.memory_space<vmem>>
      %dma_start3A_2071 = tpu.memref_squeeze %dma_start3A_2070 : memref<1x576x100xf32, #tpu.memory_space<vmem>> -> memref<576x100xf32, #tpu.memory_space<vmem>>
      tpu.enqueue_dma source(%dma_start3A_2071 : memref<576x100xf32, #tpu.memory_space<vmem>>) target(%dma_start3A_2067 : memref<576x100xf32, #tpu.memory_space<hbm>>) target_semaphore(%dma_start3A_2064 : memref<!tpu.dma_semaphore, #tpu.memory_space<semaphore_mem>>)
      %dma_wait3A = arith.constant 1 : i32
      %dma_wait3A_2072 = arith.constant 1 : i32
      %dma_wait3A_2073 = tpu.memref_slice %arg4[%dma_wait3A_2072] : memref<4x!tpu.dma_semaphore, #tpu.memory_space<semaphore_mem>> -> memref<1x!tpu.dma_semaphore, #tpu.memory_space<semaphore_mem>>
      %dma_wait3A_2074 = tpu.memref_squeeze %dma_wait3A_2073 : memref<1x!tpu.dma_semaphore, #tpu.memory_space<semaphore_mem>> -> memref<!tpu.dma_semaphore, #tpu.memory_space<semaphore_mem>>
      %dma_wait3A_2075 = arith.constant 999424 : i32
      %dma_wait3A_2076 = arith.constant 0 : i32
      %dma_wait3A_2077 = tpu.memref_slice %arg2[%dma_wait3A_2075, %dma_wait3A_2076] : memref<1000000x100xf32, #tpu.memory_space<hbm>> -> memref<576x100xf32, #tpu.memory_space<hbm>>
      %dma_wait3A_2078 = arith.constant 0 : i32
      %dma_wait3A_2079 = arith.constant 0 : i32
      %dma_wait3A_2080 = tpu.memref_slice %arg3[%dma_wait3A, %dma_wait3A_2078, %dma_wait3A_2079] : memref<4x16384x100xf32, #tpu.memory_space<vmem>> -> memref<1x576x100xf32, #tpu.memory_space<vmem>>
      %dma_wait3A_2081 = tpu.memref_squeeze %dma_wait3A_2080 : memref<1x576x100xf32, #tpu.memory_space<vmem>> -> memref<576x100xf32, #tpu.memory_space<vmem>>
      tpu.wait_dma2 semaphore(%dma_wait3A_2074 : memref<!tpu.dma_semaphore, #tpu.memory_space<semaphore_mem>>) src(%dma_wait3A_2081 : memref<576x100xf32, #tpu.memory_space<vmem>>) dst(%dma_wait3A_2077 : memref<576x100xf32, #tpu.memory_space<hbm>>)
      %dma_wait3A_2082 = arith.constant 0 : i32
      %dma_wait3A_2083 = arith.constant 0 : i32
      %dma_wait3A_2084 = tpu.memref_slice %arg4[%dma_wait3A_2083] : memref<4x!tpu.dma_semaphore, #tpu.memory_space<semaphore_mem>> -> memref<1x!tpu.dma_semaphore, #tpu.memory_space<semaphore_mem>>
      %dma_wait3A_2085 = tpu.memref_squeeze %dma_wait3A_2084 : memref<1x!tpu.dma_semaphore, #tpu.memory_space<semaphore_mem>> -> memref<!tpu.dma_semaphore, #tpu.memory_space<semaphore_mem>>
      %dma_wait3A_2086 = arith.constant 0 : i32
      %dma_wait3A_2087 = arith.constant 0 : i32
      %dma_wait3A_2088 = tpu.memref_slice %arg2[%dma_wait3A_2086, %dma_wait3A_2087] : memref<1000000x100xf32, #tpu.memory_space<hbm>> -> memref<16384x100xf32, #tpu.memory_space<hbm>>
      %dma_wait3A_2089 = arith.constant 0 : i32
      %dma_wait3A_2090 = arith.constant 0 : i32
      %dma_wait3A_2091 = tpu.memref_slice %arg3[%dma_wait3A_2082, %dma_wait3A_2089, %dma_wait3A_2090] : memref<4x16384x100xf32, #tpu.memory_space<vmem>> -> memref<1x16384x100xf32, #tpu.memory_space<vmem>>
      %dma_wait3A_2092 = tpu.memref_squeeze %dma_wait3A_2091 : memref<1x16384x100xf32, #tpu.memory_space<vmem>> -> memref<16384x100xf32, #tpu.memory_space<vmem>>
      tpu.wait_dma2 semaphore(%dma_wait3A_2085 : memref<!tpu.dma_semaphore, #tpu.memory_space<semaphore_mem>>) src(%dma_wait3A_2092 : memref<16384x100xf32, #tpu.memory_space<vmem>>) dst(%dma_wait3A_2088 : memref<16384x100xf32, #tpu.memory_space<hbm>>)
      %dma_wait3A_2093 = arith.constant 2 : i32
      %dma_wait3A_2094 = arith.constant 2 : i32
      %dma_wait3A_2095 = tpu.memref_slice %arg4[%dma_wait3A_2094] : memref<4x!tpu.dma_semaphore, #tpu.memory_space<semaphore_mem>> -> memref<1x!tpu.dma_semaphore, #tpu.memory_space<semaphore_mem>>
      %dma_wait3A_2096 = tpu.memref_squeeze %dma_wait3A_2095 : memref<1x!tpu.dma_semaphore, #tpu.memory_space<semaphore_mem>> -> memref<!tpu.dma_semaphore, #tpu.memory_space<semaphore_mem>>
      %dma_wait3A_2097 = arith.constant 0 : i32
      %dma_wait3A_2098 = arith.constant 0 : i32
      %dma_wait3A_2099 = tpu.memref_slice %arg2[%dma_wait3A_2097, %dma_wait3A_2098] : memref<1000000x100xf32, #tpu.memory_space<hbm>> -> memref<16384x100xf32, #tpu.memory_space<hbm>>
      %dma_wait3A_2100 = arith.constant 0 : i32
      %dma_wait3A_2101 = arith.constant 0 : i32
      %dma_wait3A_2102 = tpu.memref_slice %arg3[%dma_wait3A_2093, %dma_wait3A_2100, %dma_wait3A_2101] : memref<4x16384x100xf32, #tpu.memory_space<vmem>> -> memref<1x16384x100xf32, #tpu.memory_space<vmem>>
      %dma_wait3A_2103 = tpu.memref_squeeze %dma_wait3A_2102 : memref<1x16384x100xf32, #tpu.memory_space<vmem>> -> memref<16384x100xf32, #tpu.memory_space<vmem>>
      tpu.wait_dma2 semaphore(%dma_wait3A_2096 : memref<!tpu.dma_semaphore, #tpu.memory_space<semaphore_mem>>) src(%dma_wait3A_2103 : memref<16384x100xf32, #tpu.memory_space<vmem>>) dst(%dma_wait3A_2099 : memref<16384x100xf32, #tpu.memory_space<hbm>>)
      %dma_wait3A_2104 = arith.constant 3 : i32
      %dma_wait3A_2105 = arith.constant 3 : i32
      %dma_wait3A_2106 = tpu.memref_slice %arg4[%dma_wait3A_2105] : memref<4x!tpu.dma_semaphore, #tpu.memory_space<semaphore_mem>> -> memref<1x!tpu.dma_semaphore, #tpu.memory_space<semaphore_mem>>
      %dma_wait3A_2107 = tpu.memref_squeeze %dma_wait3A_2106 : memref<1x!tpu.dma_semaphore, #tpu.memory_space<semaphore_mem>> -> memref<!tpu.dma_semaphore, #tpu.memory_space<semaphore_mem>>
      %dma_wait3A_2108 = arith.constant 0 : i32
      %dma_wait3A_2109 = arith.constant 0 : i32
      %dma_wait3A_2110 = tpu.memref_slice %arg2[%dma_wait3A_2108, %dma_wait3A_2109] : memref<1000000x100xf32, #tpu.memory_space<hbm>> -> memref<16384x100xf32, #tpu.memory_space<hbm>>
      %dma_wait3A_2111 = arith.constant 0 : i32
      %dma_wait3A_2112 = arith.constant 0 : i32
      %dma_wait3A_2113 = tpu.memref_slice %arg3[%dma_wait3A_2104, %dma_wait3A_2111, %dma_wait3A_2112] : memref<4x16384x100xf32, #tpu.memory_space<vmem>> -> memref<1x16384x100xf32, #tpu.memory_space<vmem>>
      %dma_wait3A_2114 = tpu.memref_squeeze %dma_wait3A_2113 : memref<1x16384x100xf32, #tpu.memory_space<vmem>> -> memref<16384x100xf32, #tpu.memory_space<vmem>>
      tpu.wait_dma2 semaphore(%dma_wait3A_2107 : memref<!tpu.dma_semaphore, #tpu.memory_space<semaphore_mem>>) src(%dma_wait3A_2114 : memref<16384x100xf32, #tpu.memory_space<vmem>>) dst(%dma_wait3A_2110 : memref<16384x100xf32, #tpu.memory_space<hbm>>)
    } else {
    }
    return
  }
  func.func @transform_0(%arg0: i32) -> (i32, i32) {
    %c0_i32 = arith.constant 0 : i32
    %c0_i32_0 = arith.constant 0 : i32
    return %arg0, %c0_i32 : i32, i32
  }
}

</mosaic_0001>

<sc_bundles>
// kernel: kernel.4.cloned.1.call-start
scs
__scs_entry_jumppad:
0x0: {  	(pc) =	sbr.rel $0x88, $3  }
0x1: {  	(tag) =	ssettag $0x0;
	lr =	simm.s32 $0x1  }
0x2: {  	[smem:$0x3F9F] =	sst lr;
	_ =	strace $0xD0000000  }
0x3: {  	_ = 	snop  }
0x4: {  	_ = 	snop  }
0x5: {  	_ = 	snop  }
0x6: {  	_ = 	snop  }
0x7: {  	_ = 	snop  }
__scs_overlays_trampoline_lowered:
0x8: {  	[smem:$0x3FAE] =	sst s0  }
0x9: {  	[smem:$0x3FAF] =	sst s1  }
0xa: {  	[smem:$0x3FB0] =	sst s2  }
0xb: {  	[smem:$0x3FB1] =	sst s3  }
0xc: {  	[smem:$0x3FB2] =	sst s4  }
0xd: {  	[smem:$0x3FB3] =	sst s5  }
0xe: {  	[smem:$0x3FB4] =	sst s6  }
0xf: {  	[smem:$0x3FB5] =	sst s7  }
0x10: {  	[smem:$0x3FB6] =	sst s8  }
0x11: {  	[smem:$0x3FB7] =	sst s9;
	s0 =	simm.s32 @!p0 $0x0  }
0x12: {  	s1 =	sld [smem:$0x3F9D];
	s0 =	simm.s32 @p0 $0x1  }
0x13: {  	[smem:$0x3FB8] =	sst s0;
	s0 =	simm.s32 @!p1 $0x0  }
0x14: {  	s2 =	sld [smem:$0x3F9C];
	s0 =	simm.s32 @p1 $0x1  }
0x15: {  	[smem:$0x3FB9] =	sst s0;
	s0 =	simm.s32 @!p2 $0x0  }
0x16: {  	s3 =	sld [smem:$0x3FDB];
	s0 =	simm.s32 @p2 $0x1  }
0x17: {  	s4 =	simm.s32 $0x1BF5;
	[smem:$0x3FBB] =	sst s0  }
0x18: {  	s0 =	sld [smem:$0x3F9E];
	_ =	swait.ge [sflag:s4], $0x0  }
0x19: {  	s7 =	sld [smem:$0x3F9F]  }
0x1a: {  	s8 =	sadd.s32 $0xFFFFE003, lr  }
0x1b: {  	s9 =	sadd.s32 $0xFFFFFEF7, lr;
	s5 =	simm.s32 $0xFFFFFFFF;
	p2 =	slt.u32 s8, $0xFFFFF086  }
0x1c: {  	p1 =	slt.u32 s9, $0xF7A;
	s5 =	simm.s32 @!p2 $0x0  }
0x1d: {  	s5 =	simm.s32 @p1 $0x1;
	p0 =	seq.s32 s7, s2  }
0x1e: {  	s7 =	smul.u32 @!p0 $0xF7A, s2;
	p2 =	seq.s32 @!p0 s5, $0x0  }
0x1f: {  	s9 =	smul.u32 $0xF7A, s1;
	s8 =	simm.s32 @!p0 $0x1BF5;
	p2 =	por !p2, p0  }
0x20: {  	[sflag:s8] =	ssyncset.s32 @!p0 $0xFFFFF086;
	s6 =	sadd.s32 @!p0 s3, s7;
	s7 =	simm.s32 @!p0 $0x108  }
0x21: {  	s3 =	sadd.s32 s3, s9;
	s6 =	sadd.s32 @!p0 $0x88, s6;
	s7 =	simm.s32 @p2 $0x1082  }
0x22: {  	[simem:s7], [sflag:s8] =	dma.local @!p0 [hbm:s6], $0xF7A  }
0x23: {  	s9 =	sor.u32 $0xD0000000, s2;
	s6 =	simm.s32 $0x108;
	_ =	swait.ge @!p0 [sflag:s8], $0x0  }
0x24: {  	s3 =	sadd.s32 $0x88, s3;
	s6 =	simm.s32 @!p1 $0x1082;
	[sflag:s4] =	ssyncset.s32 $0xFFFFF086  }
0x25: {  	[simem:s6], [sflag:s4] =	dma.local [hbm:s3], $0xF7A  }
0x26: {  	[smem:$0x3F9F] =	sst s1;
	(tag) =	ssettag s2;
	_ =	strace s9  }
0x27: {  	s1 =	sld [smem:$0x3FAF]  }
0x28: {  	s2 =	sld [smem:$0x3FB0]  }
0x29: {  	s4 =	sld [smem:$0x3FB2]  }
0x2a: {  	p0 =	seq.s32 s5, $0x0;
	s5 =	sld [smem:$0x3FB3]  }
0x2b: {  	s6 =	sld [smem:$0x3FB4]  }
0x2c: {  	s7 =	sld [smem:$0x3FB5]  }
0x2d: {  	s3 =	simm.s32 $0x108;
	s8 =	sld [smem:$0x3FB6]  }
0x2e: {  	s3 =	simm.s32 @!p0 $0x1082;
	s9 =	sld [smem:$0x3FB7]  }
0x2f: {  	lr =	sadd.s32 s0, s3;
	s0 =	sld [smem:$0x3FAE]  }
0x30: {  	s3 =	sld [smem:$0x3FB1]  }
0x31: {  	[smem:$0x3FBA] =	sst s10  }
0x32: {  	s10 =	sld [smem:$0x3FB8];
	_ =	sdelay $0x3  }
0x33: {  	p0 =	seq.s32 s10, $0x1;
	s10 =	sld [smem:$0x3FBA];
	_ =	sdelay $0x3  }
0x34: {  	[smem:$0x3FBA] =	sst s10  }
0x35: {  	s10 =	sld [smem:$0x3FB9];
	_ =	sdelay $0x3  }
0x36: {  	p1 =	seq.s32 s10, $0x1;
	s10 =	sld [smem:$0x3FBA];
	_ =	sdelay $0x3  }
0x37: {  	[smem:$0x3FBA] =	sst s10  }
0x38: {  	s10 =	sld [smem:$0x3FBB]  }
0x39: {  	_ = 	snop;
	(pc) =	sbr.ind lr, $3  }
0x3a: {  	_ = 	snop  }
0x3b: {  	_ = 	snop  }
0x3c: {  	p2 =	seq.s32 s10, $0x1;
	s10 =	sld [smem:$0x3FBA]  }
0x3d: {  	_ =	shalt  }
0x3e: {  	_ =	shalt  }
0x3f: {  	_ =	shalt  }
0x40: {  	_ =	shalt  }
0x41: {  	_ =	shalt  }
0x42: {  	_ =	shalt  }
0x43: {  	_ =	shalt  }
0x44: {  	_ =	shalt  }
0x45: {  	_ =	shalt  }
0x46: {  	_ =	shalt  }
0x47: {  	_ =	shalt  }
0x48: {  	_ =	shalt  }
0x49: {  	_ =	shalt  }
0x4a: {  	_ =	shalt  }
0x4b: {  	_ =	shalt  }
0x4c: {  	_ =	shalt  }
0x4d: {  	_ =	shalt  }
0x4e: {  	_ =	shalt  }
0x4f: {  	_ =	shalt  }
0x50: {  	_ =	shalt  }
0x51: {  	_ =	shalt  }
0x52: {  	_ =	shalt  }
0x53: {  	_ =	shalt  }
0x54: {  	_ =	shalt  }
0x55: {  	_ =	shalt  }
0x56: {  	_ =	shalt  }
0x57: {  	_ =	shalt  }
0x58: {  	_ =	shalt  }
0x59: {  	_ =	shalt  }
0x5a: {  	_ =	shalt  }
0x5b: {  	_ =	shalt  }
0x5c: {  	_ =	shalt  }
0x5d: {  	_ =	shalt  }
0x5e: {  	_ =	shalt  }
0x5f: {  	_ =	shalt  }
0x60: {  	_ =	shalt  }
0x61: {  	_ =	shalt  }
0x62: {  	_ =	shalt  }
0x63: {  	_ =	shalt  }
0x64: {  	_ =	shalt  }
0x65: {  	_ =	shalt  }
0x66: {  	_ =	shalt  }
0x67: {  	_ =	shalt  }
0x68: {  	_ =	shalt  }
0x69: {  	_ =	shalt  }
0x6a: {  	_ =	shalt  }
0x6b: {  	_ =	shalt  }
0x6c: {  	_ =	shalt  }
0x6d: {  	_ =	shalt  }
0x6e: {  	_ =	shalt  }
0x6f: {  	_ =	shalt  }
0x70: {  	_ =	shalt  }
0x71: {  	_ =	shalt  }
0x72: {  	_ =	shalt  }
0x73: {  	_ =	shalt  }
0x74: {  	_ =	shalt  }
0x75: {  	_ =	shalt  }
0x76: {  	_ =	shalt  }
0x77: {  	_ =	shalt  }
0x78: {  	_ =	shalt  }
0x79: {  	_ =	shalt  }
0x7a: {  	_ =	shalt  }
0x7b: {  	_ =	shalt  }
0x7c: {  	_ =	shalt  }
0x7d: {  	_ =	shalt  }
0x7e: {  	_ =	shalt  }
0x7f: {  	_ =	shalt  }
0x80: {  	_ =	shalt  }
0x81: {  	_ =	shalt  }
0x82: {  	_ =	shalt  }
0x83: {  	_ =	shalt  }
0x84: {  	_ =	shalt  }
0x85: {  	_ =	shalt  }
0x86: {  	_ =	shalt  }
0x87: {  	_ =	shalt  }
.Lfunc_end0:
.L_simem_size_0:
called_computation_lowered:
.L_overlay_start_0:
0x88: {  	s2 =	sld [smem:$0x3FD9]  }
0x89: {  	s3 =	sld [smem:$0x3FFE];
	_ =	sdelay $0x1  }
0x8a: {  	s1 =	srdreg.scid  }
0x8b: {  	s0 =	sand.u32 $0x1, s1  }
0x8c: {  	s17 =	sshll.u32 s0, $0xA;
	s2 =	sadd.s32 s3, s2  }
0x8d: {  	s2 =	sadd.s32 s2, s17  }
0x8e: {  	[smem:$0x3FC6] =	sst s2  }
0x8f: {  	_ = 	snop  }
0x90: {  	s2 =	sld [smem:$0x3FC9]  }
0x91: {  	s18 =	sld [smem:$0x3FD0];
	(tm) =	ssettm $0x1  }
0x92: {  	s4 =	sld [smem:$0x3FFB];
	_ =	sdelay $0x3  }
0x93: {  	_ =	strace s4  }
0x94: {  	s4 =	sld [smem:$0x3FFC];
	_ =	sdelay $0x3  }
0x95: {  	_ =	strace s4  }
0x96: {  	s4 =	sld [smem:$0x3FFD];
	_ =	sdelay $0x3  }
0x97: {  	_ =	strace s4  }
0x98: {  	_ =	strace $0x8FFFFFFF  }
0x99: {  	s19 =	sld [smem:$0x3FDB];
	_ =	sdelay $0x1  }
0x9a: {  	s5 =	simm.s32 $_scs_section_size  }
0x9b: {  	s6 =	simm.s32 $_size__tile_overlayer_lowered;
	s7 =	simm.s32 $_tile_overlayer_lowered  }
0x9c: {  	s22 =	simm.s32 $0x1BFF;
	s21 =	sshll.u32 s7, $0x1;
	s4 =	sadd.s32 s5, s19  }
0x9d: {  	s8 =	simm.s32 $0x0;
	s20 =	sshll.u32 s6, $0x1;
	s6 =	sadd.s32 s21, s4  }
0x9e: {  	[timem:s8], [sflag:s22] =	dma.local [hbm:s6], s20  }
0x9f: {  	_ =	swait.ge [sflag:s22], s20  }
0xa0: {  	s5 =	ssub.s32 $0x0, s20;
	[sflag:s22] =	ssyncset.done $0x0  }
0xa1: {  	[sflag:s22] =	ssyncadd.s32 s5;
	_ =	sdelay $0x1  }
0xa2: {  	s23 =	simm.s32 $0x1B8B  }
0xa3: {  	_ =	swait.ge [sflag:s23], $0x1  }
0xa4: {  	[sflag:s23] =	ssyncset.done $0x0  }
0xa5: {  	s25 =	simm.s32 $0x1B8E;
	s24 =	sld [smem:$0x3FFE];
	[sflag:s23] =	ssyncadd.s32 $0xFFFFFFFF  }
0xa6: {  	s26 =	simm.s32 $execute0_lowered;
	[smem:$0x3FD2] =	sst s25  }
0xa7: {  	s6 =	sshll.u32 s26, $0x1;
	_ =	strace $0x80000046;
	[dreg:$0x1] =	wrdreg $0xFFFFFFFF  }
0xa8: {  	s28 =	simm.s32 $_size_execute0_lowered;
	s4 =	sadd.s32 s4, s6;
	[dreg:$0x0] =	wrdreg $0x0  }
0xa9: {  	s6 =	sshll.u32 s28, $0x1;
	[dreg:$0x2] =	wrdreg s4  }
0xaa: {  	[dreg:$0x3] =	wrdreg s6  }
0xab: {  	[dreg:$0x4] =	wrdreg $0xC0  }
0xac: {  	_ =	task [dreg:s8], $0x5FFFF  }
0xad: {  	[dreg:$0x1] =	wrdreg $0xFFFFFFFF  }
0xae: {  	[dreg:$0x0] =	wrdreg $0x60  }
0xaf: {  	[dreg:$0x2] =	wrdreg s2  }
0xb0: {  	[dreg:$0x3] =	wrdreg s24  }
0xb1: {  	[dreg:$0x4] =	wrdreg s18  }
0xb2: {  	[dreg:$0x5] =	wrdreg $0x9  }
0xb3: {  	_ =	task.clear_ibuf [dreg:s8], $0x6FFFF;
	_ =	strace $0x90000046  }
0xb4: {  	s29 =	simm.s32 $0x9;
	_ =	strace $0x80000048  }
0xb5: {  	_ =	swait.ge [sflag:s29], $0x1  }
0xb6: {  	[sflag:s29] =	ssyncadd.s32 $0xFFFFFFFF  }
0xb7: {  	_ =	strace $0x90000048  }
0xb8: {  	_ =	sfence  }
0xb9: {  	s30 =	sld [smem:$0x0];
	_ =	sdelay $0x2  }
0xba: {  	s31 =	sshll.u32 s1, $0xD;
	s1 =	sshrl.u32 s1, $0x2  }
0xbb: {  	s3 =	sand.u32 $0x4000, s31;
	s1 =	sadd.s32 s1, s30  }
0xbc: {  	s0 =	sor.u32 s3, s0;
	s1 =	sshll.u32 s1, $0x11  }
0xbd: {  	s0 =	sor.u32 s1, s0  }
0xbe: {  	s0 =	sadd.s32 $0x8F2B, s0  }
0xbf: {  	[sflag:s0] =	ssyncadd.remote.s32 $0x1  }
0xc0: {  	_ =	sfence.sel $0xFFFF  }
0xc1: {  	[dreg:$0x0] =	wrdreg $0xFFFFFFFF;
	(pc) =	sbr.abs _section_cstart, $3  }
0xc2: {  	[dreg:$0x1] =	wrdreg $0xFFFFFFFF  }
0xc3: {  	_ =	task.clear_ibuf [dreg:s8], $0x2FFFF;
	_ =	strace $0x9FFFFFFF  }
0xc4: {  	(tm) =	ssettm $0x7FFFFFFF  }
0xc5: {  	_ =	shalt  }
tec
execute0_lowered:
.L_overlay_start_1:
0x0: {  	(tag) =	ssettag $0x1  }
0x1: {  	s1 =	srdreg.scid;
	s0 =	stileid.u32  }
0x2: {  	s5 =	rddreg [dreg:$0x0];
	s3 =	sand.u32 $0x1, s1;
	s30 =	sshll.u32 s0, $0x1  }
0x3: {  	s4 =	rddreg [dreg:$0x1];
	s1 =	sor.u32 s3, s30  }
0x4: {  	s7 =	rddreg [dreg:$0x2];
	s2 =	smul.u32 $0x4E, s1  }
0x5: {  	s10 =	simm.s32 $0x80;
	s11 =	simm.s32 $0x7C00;
	s1 =	smul.u32 $0x4F, s1  }
0x6: {  	p0 =	slt.u32 s0, $0x2;
	s8 =	ssub.s32 $0x2, s3;
	s6 =	sadd.s32 $0x4, s2  }
0x7: {  	s12 =	simm.s32 $0xF5E0;
	s31 =	sshrl.u32 s8, $0x1;
	s6 =	smov.u32 @p0 s1  }
0x8: {  	s13 =	simm.s32 $0x0;
	s8 =	ssub.s32 s8, s31;
	s6 =	smul.u32 $0x190, s6  }
.Ltmp0:
0x9: {  	s2 =	simm.s32 $0x0;
	s1 =	rddreg [dreg:$0x3];
	(pc) =	sbr.rel .LBB2_1-.Ltmp0, $4  }
0xa: {  	s3 =	sadd.s32 $0x600, s4;
	s8 =	smax.u32 s8, $0x1;
	[smem:$0x7FF] =	sst s2  }
0xb: {  	p0 =	sgt.u32 s0, $0x1;
	_ =	strace $0x80000047;
	s6 =	sshrl.u32 s6, $0x3  }
0xc: {  	s9 =	sadd.s32 $0xF3C, s6;
	s4 =	sadd.s32 s5, s6;
	s6 =	sadd.s32 s7, s6  }
0xd: {  	s5 =	sadd.s32 s5, s9;
	s7 =	sadd.s32 s7, s9;
	s9 =	simm.s32 $0x1  }
.LBB2_5:
0xe: {  	[hbm4b:s6+s2] =	stream.linear.scatter [tilespmem:s11], [sflag:$0x1], $0x79E0, $0x38;
	[tilespmem:$0xF780] =	vst v63  }
0xf: {  	_ =	swait.ge [sflag:s9], $0x79E0  }
0x10: {  	[sflag:s9] =	ssyncset.done $0x0  }
0x11: {  	[sflag:s9] =	ssyncadd.s32 $0xFFFF8620  }
.LBB2_6:
0x12: {  	s13 =	sadd.s32 $0x1, s13  }
0x13: {  	p1 =	sne.s32 s13, s8  }
.Ltmp1:
0x14: {  	_ = 	snop;
	(pc) =	sbr.rel @!p1 .LBB2_7-.Ltmp1, $1  }
0x15: {  	_ =	sdelay $0x3  }
.LBB2_1:
0x16: {  	[tilespmem:s2], [sflag:$0x1] =	stream.linear.gather [hbm4b:s3+s2], $0x80, $0x38;
	[tilespmem:$0xF780] =	vst v63  }
0x17: {  	_ =	swait.ge [sflag:s9], $0x80  }
0x18: {  	[sflag:s9] =	ssyncset.done $0x0  }
0x19: {  	[sflag:s9] =	ssyncadd.s32 $0xFFFFFF80  }
0x1a: {  	[tilespmem:s10], [sflag:$0x1] =	stream.linear.gather [hbm4b:s4+s2], $0x79E0, $0x38;
	[tilespmem:$0xF780] =	vst v63  }
0x1b: {  	_ =	swait.ge [sflag:s9], $0x79E0  }
0x1c: {  	[sflag:s9] =	ssyncset.done $0x0  }
0x1d: {  	s14 =	simm.s32 @!p0 $0x0;
	s15 =	simm.s32 @!p0 $0x7A60;
	[sflag:s9] =	ssyncadd.s32 $0xFFFF8620  }
0x1e: {  	[tilespmem:s15], [sflag:$0x1] =	stream.linear.gather @!p0 [hbm4b:s5+s14], $0x190, $0x38;
	[tilespmem:$0xF780] =	vst v63  }
0x1f: {  	s14 =	simm.s32 @!p0 $0x1  }
0x20: {  	_ =	swait.ge @!p0 [sflag:s14], $0x190  }
0x21: {  	[sflag:s14] =	ssyncset.done @!p0 $0x0  }
0x22: {  	[sflag:s14] =	ssyncadd.s32 @!p0 $0xFFFFFE70;
	s14 =	simm.s32 $0x0  }
0x23: {  	v0 =	vld [tilespmem:s14+$0x80];
	_ =	sdelay $0x7  }
0x24: {  	s16 =	simm.s32 $0x80;
	s15 =	simm.s32 $0x10;
	v0 =	vld.idx.msk [tilespmem:v0+s2+$0x0], $0xffff  }
.LBB2_2:
0x25: {  	p1 =	sne.s32 s16, $0x1E740;
	v1 =	vld [tilespmem:s15+$0x80];
	_ =	sdelay $0x3  }
.Ltmp2:
0x26: {  	(pc) =	sbr.rel @p1 .LBB2_2-.Ltmp2, $2  }
0x27: {  	[tilespmem:s14+$0x7C00] =	vst v0;
	s14 =	smov.u32 s15;
	_ =	sdelay $0x2  }
0x28: {  	s15 =	sshra.s32 s16, $0x2;
	s16 =	sadd.s32 $0x40, s16;
	v0 =	vld.idx.msk [tilespmem:v1+s2+$0x0], $0xffff  }
0x29: {  	v1 =	vld [tilespmem:s15+$0x80];
	_ =	sdelay $0x6  }
0x2a: {  	[tilespmem:s14+$0x7C00] =	vst v0  }
0x2b: {  	v0 =	vld.idx.msk [tilespmem:v1+s2+$0x0], $0xffff  }
.Ltmp3:
0x2c: {  	_ = 	snop;
	(pc) =	sbr.rel @p0 .LBB2_5-.Ltmp3, $2  }
0x2d: {  	_ =	sdelay $0x2  }
0x2e: {  	[tilespmem:s15+$0x7C00] =	vst v0  }
0x2f: {  	v0 =	vld [tilespmem:$0x7A60];
	_ =	sdelay $0x5  }
0x30: {  	v1 =	vld [tilespmem:$0x7A70];
	_ =	sdelay $0x1  }
0x31: {  	v0 =	vld.idx.msk [tilespmem:v0+s2+$0x0], $0xffff;
	_ =	sdelay $0x3  }
0x32: {  	v2 =	vld [tilespmem:$0x7A80]  }
0x33: {  	[tilespmem:$0xF5E0] =	vst v0  }
0x34: {  	v0 =	vld.idx.msk [tilespmem:v1+s2+$0x0], $0xffff;
	_ =	sdelay $0x3  }
0x35: {  	v42 =	vld [tilespmem:$0x7A90]  }
0x36: {  	[tilespmem:$0xF5F0] =	vst v0  }
0x37: {  	v0 =	vld.idx.msk [tilespmem:v2+s2+$0x0], $0xffff;
	_ =	sdelay $0x3  }
0x38: {  	v43 =	vld [tilespmem:$0x7AA0]  }
0x39: {  	[tilespmem:$0xF600] =	vst v0  }
0x3a: {  	v0 =	vld.idx.msk [tilespmem:v42+s2+$0x0], $0xffff;
	_ =	sdelay $0x3  }
0x3b: {  	v44 =	vld [tilespmem:$0x7AB0]  }
0x3c: {  	[tilespmem:$0xF610] =	vst v0  }
0x3d: {  	v0 =	vld.idx.msk [tilespmem:v43+s2+$0x0], $0xffff;
	_ =	sdelay $0x3  }
0x3e: {  	v45 =	vld [tilespmem:$0x7AC0]  }
0x3f: {  	[tilespmem:$0xF620] =	vst v0  }
0x40: {  	v0 =	vld.idx.msk [tilespmem:v44+s2+$0x0], $0xffff;
	_ =	sdelay $0x3  }
0x41: {  	v46 =	vld [tilespmem:$0x7AD0]  }
0x42: {  	[tilespmem:$0xF630] =	vst v0  }
0x43: {  	v0 =	vld.idx.msk [tilespmem:v45+s2+$0x0], $0xffff;
	_ =	sdelay $0x3  }
0x44: {  	v47 =	vld [tilespmem:$0x7AE0]  }
0x45: {  	[tilespmem:$0xF640] =	vst v0  }
0x46: {  	v0 =	vld.idx.msk [tilespmem:v46+s2+$0x0], $0xffff;
	_ =	sdelay $0x3  }
0x47: {  	v48 =	vld [tilespmem:$0x7AF0]  }
0x48: {  	[tilespmem:$0xF650] =	vst v0  }
0x49: {  	v0 =	vld.idx.msk [tilespmem:v47+s2+$0x0], $0xffff;
	_ =	sdelay $0x3  }
0x4a: {  	v49 =	vld [tilespmem:$0x7B00]  }
0x4b: {  	[tilespmem:$0xF660] =	vst v0  }
0x4c: {  	v0 =	vld.idx.msk [tilespmem:v48+s2+$0x0], $0xffff;
	_ =	sdelay $0x3  }
0x4d: {  	v50 =	vld [tilespmem:$0x7B10]  }
0x4e: {  	[tilespmem:$0xF670] =	vst v0  }
0x4f: {  	v0 =	vld.idx.msk [tilespmem:v49+s2+$0x0], $0xffff;
	_ =	sdelay $0x3  }
0x50: {  	v51 =	vld [tilespmem:$0x7B20]  }
0x51: {  	[tilespmem:$0xF680] =	vst v0  }
0x52: {  	v0 =	vld.idx.msk [tilespmem:v50+s2+$0x0], $0xffff;
	_ =	sdelay $0x3  }
0x53: {  	v52 =	vld [tilespmem:$0x7B30]  }
0x54: {  	[tilespmem:$0xF690] =	vst v0  }
0x55: {  	v0 =	vld.idx.msk [tilespmem:v51+s2+$0x0], $0xffff;
	_ =	sdelay $0x3  }
0x56: {  	v53 =	vld [tilespmem:$0x7B40]  }
0x57: {  	[tilespmem:$0xF6A0] =	vst v0  }
0x58: {  	v0 =	vld.idx.msk [tilespmem:v52+s2+$0x0], $0xffff;
	_ =	sdelay $0x3  }
0x59: {  	v54 =	vld [tilespmem:$0x7B50]  }
0x5a: {  	[tilespmem:$0xF6B0] =	vst v0  }
0x5b: {  	v0 =	vld.idx.msk [tilespmem:v53+s2+$0x0], $0xffff;
	_ =	sdelay $0x3  }
0x5c: {  	v55 =	vld [tilespmem:$0x7B60]  }
0x5d: {  	[tilespmem:$0xF6C0] =	vst v0  }
0x5e: {  	v0 =	vld.idx.msk [tilespmem:v54+s2+$0x0], $0xffff;
	_ =	sdelay $0x3  }
0x5f: {  	v56 =	vld [tilespmem:$0x7B70]  }
0x60: {  	[tilespmem:$0xF6D0] =	vst v0  }
0x61: {  	v0 =	vld.idx.msk [tilespmem:v55+s2+$0x0], $0xffff;
	_ =	sdelay $0x3  }
0x62: {  	v57 =	vld [tilespmem:$0x7B80]  }
0x63: {  	[tilespmem:$0xF6E0] =	vst v0  }
0x64: {  	v0 =	vld.idx.msk [tilespmem:v56+s2+$0x0], $0xffff;
	_ =	sdelay $0x3  }
0x65: {  	v58 =	vld [tilespmem:$0x7B90]  }
0x66: {  	[tilespmem:$0xF6F0] =	vst v0  }
0x67: {  	v0 =	vld.idx.msk [tilespmem:v57+s2+$0x0], $0xffff;
	_ =	sdelay $0x3  }
0x68: {  	v59 =	vld [tilespmem:$0x7BA0]  }
0x69: {  	[tilespmem:$0xF700] =	vst v0  }
0x6a: {  	v0 =	vld.idx.msk [tilespmem:v58+s2+$0x0], $0xffff;
	_ =	sdelay $0x3  }
0x6b: {  	v60 =	vld [tilespmem:$0x7BB0]  }
0x6c: {  	[tilespmem:$0xF710] =	vst v0  }
0x6d: {  	v0 =	vld.idx.msk [tilespmem:v59+s2+$0x0], $0xffff;
	_ =	sdelay $0x3  }
0x6e: {  	v61 =	vld [tilespmem:$0x7BC0]  }
0x6f: {  	[tilespmem:$0xF720] =	vst v0  }
0x70: {  	v0 =	vld.idx.msk [tilespmem:v60+s2+$0x0], $0xffff;
	_ =	sdelay $0x3  }
0x71: {  	v62 =	vld [tilespmem:$0x7BD0]  }
0x72: {  	[tilespmem:$0xF730] =	vst v0  }
0x73: {  	v0 =	vld.idx.msk [tilespmem:v61+s2+$0x0], $0xffff;
	_ =	sdelay $0x3  }
0x74: {  	v63 =	vld [tilespmem:$0x7BE0]  }
0x75: {  	[tilespmem:$0xF740] =	vst v0  }
0x76: {  	v0 =	vld.idx.msk [tilespmem:v62+s2+$0x0], $0xffff;
	_ =	sdelay $0x4  }
0x77: {  	[tilespmem:$0xF750] =	vst v0  }
0x78: {  	v0 =	vld.idx.msk [tilespmem:v63+s2+$0x0], $0xffff;
	_ =	sdelay $0x4  }
0x79: {  	[tilespmem:$0xF760] =	vst v0  }
0x7a: {  	[hbm4b:s6+s2] =	stream.linear.scatter [tilespmem:s11], [sflag:$0x1], $0x79E0, $0x38;
	[tilespmem:$0xF780] =	vst v63  }
0x7b: {  	_ =	swait.ge [sflag:s9], $0x79E0  }
0x7c: {  	[sflag:s9] =	ssyncset.done $0x0  }
.Ltmp4:
0x7d: {  	[sflag:s9] =	ssyncadd.s32 $0xFFFF8620;
	(pc) =	sbr.rel .LBB2_6-.Ltmp4, $4  }
0x7e: {  	[hbm4b:s7+s2] =	stream.linear.scatter [tilespmem:s12], [sflag:$0x1], $0x190, $0x38;
	[tilespmem:$0xF780] =	vst v63  }
0x7f: {  	_ =	swait.ge [sflag:s9], $0x190  }
0x80: {  	[sflag:s9] =	ssyncset.done $0x0  }
0x81: {  	[sflag:s9] =	ssyncadd.s32 $0xFFFFFE70  }
.LBB2_7:
0x82: {  	_ =	sfence.sel $0x180000  }
0x83: {  	[bflag:$0x0] =	sbarrier.arrive $0xFFFF  }
0x84: {  	p0 =	sne.s32 s0, $0x0;
	_ =	strace $0x90000047  }
0x85: {  	s0 =	sadd.s32 @!p0 $0x100000, s1;
	[bflag:$0x2] =	sbarrier.arrive $0xFFFF  }
0x86: {  	[sflag:s0] =	ssyncadd.tile.s32 @!p0 $0x1;
	_ =	shalt  }
.Lfunc_end2:
_tile_overlayer_lowered:
.L_overlay_start_2:
0x87: {  	(tag) =	ssettag $0x2  }
0x88: {  	s0 =	rddreg [dreg:$0x0];
	s2 =	stileid.u32  }
0x89: {  	s1 =	rddreg [dreg:$0x1];
	p0 =	sne.s32 s2, $0x0  }
0x8a: {  	s3 =	rddreg [dreg:$0x2];
	[bflag:$0x3] =	sbarrier.arrive $0xFFFF;
	s2 =	simm.s32 @!p0 $0x1C01  }
0x8b: {  	[timem:s3], [sflag:s2] =	dma.local @!p0 [hbm:s0], s1  }
0x8c: {  	s0 =	simm.s32 @!p0 $0x1  }
0x8d: {  	_ =	swait.ge @!p0 [sflag:s0], s1  }
0x8e: {  	s1 =	ssub.s32 @!p0 $0x0, s1;
	[sflag:s0] =	ssyncset.done @!p0 $0x0  }
0x8f: {  	[sflag:s0] =	ssyncadd.s32 @!p0 s1  }
0x90: {  	[bflag:$0x3] =	sbarrier.arrive $0xFFFF  }
0x91: {  	_ =	shalt  }

</sc_bundles>
